<compile_context>
chip_gen: v7x
topology: tpu7x:2x2x1
jax: 0.10.2.dev20260603
libtpu: 0.0.44.dev20260713+nightly
codegen_flags: <defaults>
</compile_context>

<pallas_src>
import functools

import jax
import jax.numpy as jnp
from jax import lax
from jax.experimental import pallas as pl
from jax.experimental.pallas import tpu as pltpu
from jax.experimental.pallas import tpu_sc as plsc

H = 128
N_PAD = 10240
SPLIT = 5120
EB = 8192
NSTEP = 10
E_PAD = 2 * NSTEP * EB


def _matmul_body(x_ref, ws_ref, wi_ref, wx_ref, ps_ref, pi_ref, px_ref):
    xb = x_ref[...]
    ps_ref[...] = jnp.dot(xb, ws_ref[...], preferred_element_type=jnp.float32)
    pi_ref[...] = jnp.dot(xb, wi_ref[...], preferred_element_type=jnp.float32)
    wxr = wx_ref[:, :H] + wx_ref[:, H:]
    px_ref[...] = jnp.dot(xb, wxr, preferred_element_type=jnp.float32)


def _matmuls(x_pad, W_sum, W_int, W_x):
    bm = 1024
    return pl.pallas_call(
        _matmul_body,
        grid=(N_PAD // bm,),
        in_specs=[
            pl.BlockSpec((bm, H), lambda i: (i, 0)),
            pl.BlockSpec((H, H), lambda i: (0, 0)),
            pl.BlockSpec((H, H), lambda i: (0, 0)),
            pl.BlockSpec((H, 2 * H), lambda i: (0, 0)),
        ],
        out_specs=[pl.BlockSpec((bm, H), lambda i: (i, 0))] * 3,
        out_shape=[jax.ShapeDtypeStruct((N_PAD, H), jnp.float32)] * 3,
    )(x_pad, W_sum, W_int, W_x)


def _ys_body(psum_hbm, dom_hbm, rb_hbm, z_hbm, ys_hbm,
             accum, zbuf, rbuf, ibuf, sbuf, rbv, dbuf, sem):
    c = lax.axis_index("c")
    s = lax.axis_index("s")
    iota = lax.iota(jnp.int32, 16)
    pltpu.sync_copy(z_hbm, zbuf)
    pltpu.sync_copy(rb_hbm.at[pl.ds(pl.multiple_of(8 * c, 8), 16)], rbv)
    base_z = 320 * s
    pltpu.sync_copy(zbuf, accum.at[pl.ds(base_z, 128)])
    pltpu.sync_copy(zbuf, accum.at[pl.ds(base_z + 128, 128)])
    pltpu.sync_copy(zbuf.at[pl.ds(0, 64)], accum.at[pl.ds(base_z + 256, 64)])

    @pl.when(s == 15)
    def _():
        pltpu.sync_copy(zbuf.at[pl.ds(0, 8)], accum.at[pl.ds(5120, 8)])

    plsc.subcore_barrier()

    rvec = rbv[...]
    b0 = rvec[0]
    b1 = rvec[1]
    j0 = b0 + ((b1 - b0) * s >> 4)
    j1 = b0 + ((b1 - b0) * (s + 1) >> 4)
    ja0 = j0 - (j0 & 7)
    trips = (j1 - ja0 + 127) >> 7
    id_base = SPLIT * c

    def ebody(t, carry):
        ja = pl.multiple_of(ja0 + (t << 7), 8)
        pltpu.sync_copy(dom_hbm.at[pl.ds(ja, 128)], ibuf)
        pltpu.sync_copy(psum_hbm.at[pl.ds(ja, 128)], rbuf)
        for v in range(8):
            sl = pl.ds(v * 16, 16)
            jv = ja + v * 16 + iota
            valid = (jv >= j0) & (jv < j1)
            sbuf[sl] = jnp.where(valid, ibuf[sl] - id_base, 5120)
        pltpu.async_copy(rbuf, accum.at[sbuf], sem, add=True).wait()
        return carry

    lax.fori_loop(0, trips, ebody, 0)
    plsc.subcore_barrier()

    for k in range(5):
        pltpu.sync_copy(accum.at[pl.ds(base_z + 64 * k, 64)], dbuf)
        pltpu.sync_copy(dbuf, ys_hbm.at[pl.ds(id_base + base_z + 64 * k, 64)])


def _ys_call(P_sum, dom_pad, rb, zrows):
    mesh = plsc.VectorSubcoreMesh(core_axis_name="c", subcore_axis_name="s")
    f = pl.kernel(
        _ys_body,
        out_type=jax.ShapeDtypeStruct((N_PAD, H), jnp.float32),
        mesh=mesh,
        scratch_types=[
            pltpu.VMEM_SHARED((5128, H), jnp.float32),
            pltpu.VMEM((128, H), jnp.float32),
            pltpu.VMEM((128, H), jnp.float32),
            pltpu.VMEM((128,), jnp.int32),
            pltpu.VMEM((128,), jnp.int32),
            pltpu.VMEM((16,), jnp.int32),
            pltpu.VMEM((64, H), jnp.float32),
            pltpu.SemaphoreType.DMA,
        ],
    )
    return f(P_sum, dom_pad, rb, zrows)


def _main_body(pint_hbm, px_hbm, ys_hbm, ii_hbm, nm_hbm, dm0_hbm, dm1_hbm,
               bnd_hbm, z_hbm, msg_hbm,
               accum, zbuf, rowsA, rowsB, iiA, iiB, nmA, nmB, giA, giB,
               siA, siB, oi0,
               bndv, semA, semB, sem_s, semIA, semIB, semZ):
    c = lax.axis_index("c")
    s = lax.axis_index("s")
    iota = lax.iota(jnp.int32, 16)
    pltpu.sync_copy(z_hbm, zbuf)
    rowsb = [rowsA, rowsB]
    iib = [iiA, iiB]
    nmb = [nmA, nmB]
    gib = [giA, giB]
    sib = [siA, siB]
    semb = [semA, semB]
    semi = [semIA, semIB]

    def step_body(t, carry):
        b = c * NSTEP + t
        e_lo = b << 13
        def zfire(m, zc):
            pltpu.async_copy(
                zbuf, accum.at[pl.ds(pl.multiple_of(512 * s + 128 * m, 8), 128)],
                semZ)
            return zc

        def zwait(m, zc):
            pltpu.make_async_copy(
                zbuf, accum.at[pl.ds(pl.multiple_of(512 * s + 128 * m, 8), 128)],
                semZ).wait()
            return zc

        lax.fori_loop(0, 4, zfire, 0)
        lax.fori_loop(0, 4, zwait, 0)
        plsc.subcore_barrier()
        pltpu.sync_copy(bnd_hbm.at[pl.ds(pl.multiple_of(b << 3, 8), 16)], bndv)
        bvec = bndv[...]
        b0 = bvec[0]
        b1 = bvec[1]
        j0 = b0 + ((b1 - b0) * s >> 4)
        j1 = b0 + ((b1 - b0) * (s + 1) >> 4)
        ja0 = j0 - (j0 & 7)
        trips = (j1 - ja0 + 127) >> 7

        def chunk_ja(u):
            return pl.multiple_of(ja0 + (u << 7), 8)

        def fire_idx(pp, u):
            ja = chunk_ja(u)
            pltpu.async_copy(ii_hbm.at[pl.ds(ja, 128)], iib[pp], semi[pp])
            pltpu.async_copy(nm_hbm.at[pl.ds(ja, 128)], nmb[pp], semi[pp])

        def fire_g(pp, u):
            ja = chunk_ja(u)
            pltpu.make_async_copy(ii_hbm.at[pl.ds(ja, 128)], iib[pp],
                                  semi[pp]).wait()
            pltpu.make_async_copy(nm_hbm.at[pl.ds(ja, 128)], nmb[pp],
                                  semi[pp]).wait()
            for v in range(8):
                sl = pl.ds(v * 16, 16)
                jv = ja + v * 16 + iota
                valid = (jv >= j0) & (jv < j1)
                gib[pp][sl] = jnp.where(valid, nmb[pp][sl], 10000)
                sib[pp][sl] = jnp.where(valid, iib[pp][sl] - e_lo, 0)
            pltpu.async_copy(pint_hbm.at[gib[pp]], rowsb[pp], semb[pp])

        def wait_gs(pp):
            pltpu.make_async_copy(pint_hbm.at[gib[pp]], rowsb[pp],
                                  semb[pp]).wait()
            pltpu.async_copy(rowsb[pp], accum.at[sib[pp]], sem_s,
                             add=True).wait()

        @pl.when(trips >= 1)
        def _():
            fire_idx(0, 0)

        def ebody(u, ecarry):
            p = u & 1

            @pl.when((u < trips) & (p == 0))
            def _():
                fire_g(0, u)

            @pl.when((u < trips) & (p == 1))
            def _():
                fire_g(1, u)

            @pl.when((u + 1 < trips) & (p == 0))
            def _():
                fire_idx(1, u + 1)

            @pl.when((u + 1 < trips) & (p == 1))
            def _():
                fire_idx(0, u + 1)

            @pl.when((u >= 1) & (p == 1))
            def _():
                wait_gs(0)

            @pl.when((u >= 1) & (p == 0))
            def _():
                wait_gs(1)

            return ecarry

        lax.fori_loop(0, trips + 1, ebody, 0)
        plsc.subcore_barrier()

        def ofire(pp, k):
            a = pl.multiple_of(e_lo + 512 * s + 128 * k, 8)
            pltpu.async_copy(dm1_hbm.at[pl.ds(a, 128)], iib[pp], semi[pp])
            pltpu.async_copy(dm0_hbm.at[pl.ds(a, 128)], nmb[pp], semi[pp])

        def owork(pp, k):
            la = 512 * s + 128 * k
            a = pl.multiple_of(e_lo + la, 8)
            for v in range(8):
                oi0[pl.ds(v * 16, 16)] = la + v * 16 + iota
            pltpu.make_async_copy(dm1_hbm.at[pl.ds(a, 128)], iib[pp],
                                  semi[pp]).wait()
            pltpu.make_async_copy(dm0_hbm.at[pl.ds(a, 128)], nmb[pp],
                                  semi[pp]).wait()
            dg = [pltpu.async_copy(ys_hbm.at[iib[pp]], rowsA, semA),
                  pltpu.async_copy(px_hbm.at[nmb[pp]], rowsB, semB)]
            for d in dg:
                d.wait()
            ds_ = [pltpu.async_copy(rowsA, accum.at[oi0], sem_s, add=True),
                   pltpu.async_copy(rowsB, accum.at[oi0], sem_s, add=True)]
            for d in ds_:
                d.wait()
            pltpu.sync_copy(accum.at[pl.ds(pl.multiple_of(la, 8), 128)],
                            msg_hbm.at[pl.ds(a, 128)])

        ofire(0, 0)

        def obody(k, oc):
            p = k & 1

            @pl.when((k + 1 < 4) & (p == 0))
            def _():
                ofire(1, k + 1)

            @pl.when((k + 1 < 4) & (p == 1))
            def _():
                ofire(0, k + 1)

            @pl.when(p == 0)
            def _():
                owork(0, k)

            @pl.when(p == 1)
            def _():
                owork(1, k)

            return oc

        lax.fori_loop(0, 4, obody, 0)
        plsc.subcore_barrier()
        return carry

    lax.fori_loop(0, NSTEP, step_body, 0)


def _main_call(P_int, P_x, ys, ii_pad, nm_pad, dm0, dm1, bnd, zrows):
    mesh = plsc.VectorSubcoreMesh(core_axis_name="c", subcore_axis_name="s")
    f = pl.kernel(
        _main_body,
        out_type=jax.ShapeDtypeStruct((E_PAD, H), jnp.float32),
        mesh=mesh,
        scratch_types=(
            [pltpu.VMEM_SHARED((EB, H), jnp.float32)]
            + [pltpu.VMEM((128, H), jnp.float32)] * 3
            + [pltpu.VMEM((128,), jnp.int32)] * 9
            + [pltpu.VMEM((16,), jnp.int32)]
            + [pltpu.SemaphoreType.DMA] * 6
        ),
    )
    return f(P_int, P_x, ys, ii_pad, nm_pad, dm0, dm1, bnd, zrows)


def _bn_body(ed_f, msg_ref, g_ref, bta_ref, out_ref, s_acc, q_acc):
    p = pl.program_id(0)
    i = pl.program_id(1)

    @pl.when(jnp.logical_and(p == 0, i == 0))
    def _():
        s_acc[...] = jnp.zeros_like(s_acc)
        q_acc[...] = jnp.zeros_like(q_acc)

    blk = msg_ref[...]

    @pl.when(p == 0)
    def _():
        s_acc[...] += jnp.sum(blk, axis=0, keepdims=True)
        q_acc[...] += jnp.sum(blk * blk, axis=0, keepdims=True)
        out_ref[...] = blk

    @pl.when(p == 1)
    def _():
        mean = s_acc[...] / ed_f
        var = q_acc[...] / ed_f - mean * mean
        inv = lax.rsqrt(var + 1e-5) * g_ref[...]
        out_ref[...] = jnp.maximum((blk - mean) * inv + bta_ref[...], 0.0)


def _bn_call(msg, gamma, beta, ed):
    bm = 2048
    return pl.pallas_call(
        functools.partial(_bn_body, float(ed)),
        grid=(2, E_PAD // bm),
        in_specs=[
            pl.BlockSpec((bm, H), lambda p, i: (i, 0)),
            pl.BlockSpec((1, H), lambda p, i: (0, 0)),
            pl.BlockSpec((1, H), lambda p, i: (0, 0)),
        ],
        out_specs=pl.BlockSpec((bm, H), lambda p, i: (i, 0)),
        out_shape=jax.ShapeDtypeStruct((E_PAD, H), jnp.float32),
        scratch_shapes=[
            pltpu.VMEM((1, H), jnp.float32),
            pltpu.VMEM((1, H), jnp.float32),
        ],
    )(msg, gamma, beta)


def kernel(x, y, domain_indicator, node_map_edge_index, intersect_indicator,
           domain_map_edge_index, W_sum, W_int, W_x, bn_gamma, bn_beta):
    n = x.shape[0]
    en = node_map_edge_index.shape[1]
    ed = domain_map_edge_index.shape[1]

    x_pad = jnp.zeros((N_PAD, H), jnp.float32).at[:n].set(x)
    P_sum, P_int, P_x = _matmuls(x_pad, W_sum, W_int, W_x)

    dom = domain_indicator.astype(jnp.int32)
    dom_pad = jnp.zeros((N_PAD,), jnp.int32).at[:n].set(dom)
    rb1 = jnp.searchsorted(dom, SPLIT).astype(jnp.int32)
    rb = (jnp.zeros((24,), jnp.int32)
          .at[1].set(rb1).at[8].set(rb1).at[9].set(n))
    zrows = jnp.zeros((128, H), jnp.float32)
    ys = _ys_call(P_sum, dom_pad, rb, zrows)

    ii = intersect_indicator.astype(jnp.int32)
    ii_pad = jnp.zeros((en + 512,), jnp.int32).at[:en].set(ii)
    nm_pad = jnp.zeros((en + 512,), jnp.int32).at[:en].set(
        node_map_edge_index[1].astype(jnp.int32))
    nblocks = E_PAD // EB
    bounds = jnp.searchsorted(
        ii, jnp.arange(nblocks + 1, dtype=jnp.int32) * EB).astype(jnp.int32)
    ar = jnp.arange(nblocks) * 8
    bnd = (jnp.zeros((8 * nblocks + 16,), jnp.int32)
           .at[ar].set(bounds[:nblocks])
           .at[ar + 1].set(bounds[1:nblocks + 1]))
    dm0 = jnp.full((E_PAD,), n, jnp.int32).at[:ed].set(
        domain_map_edge_index[0].astype(jnp.int32))
    dm1 = jnp.full((E_PAD,), n, jnp.int32).at[:ed].set(
        domain_map_edge_index[1].astype(jnp.int32))

    msg = _main_call(P_int, P_x, ys, ii_pad, nm_pad, dm0, dm1, bnd, zrows)
    out = _bn_call(msg, bn_gamma.reshape(1, H), bn_beta.reshape(1, H), ed)
    return out[:ed]

# --- scband reference (transcript-rebuilt; emitter-appended) ---
"""Pipeline reference for scband-transfer0-1-73332271612005 (READ-ONLY COPY).

The authoritative reference and input builder live on the scoring server;
editing this copy changes nothing except your own understanding.
"""

import jax, jax.numpy as jnp
import numpy as np

H = 128
N = 10000   # source atoms (== source domains for 0th-order source)
D = 10000   # source domains
EN = 320000 # node_map edges
ED = 160000 # domain_map edges (== number of intersections)


def setup_inputs(seed: int = 0) -> dict:
    key = jax.random.key(seed)
    ks = [jax.random.fold_in(key, i) for i in range(9)]
    x = jax.random.normal(ks[0], (N, H), dtype=jnp.float32)
    y = jax.random.normal(ks[1], (N, H), dtype=jnp.float32)
    domain_indicator = jnp.sort(jax.random.randint(ks[2], (N,), 0, D))
    node_map_edge_index = jax.random.randint(ks[3], (2, EN), 0, N)
    intersect_indicator = jnp.sort(jax.random.randint(ks[4], (EN,), 0, ED))
    domain_map_edge_index = jax.random.randint(ks[5], (2, ED), 0, N)
    W_sum = jax.random.normal(ks[6], (H, H), dtype=jnp.float32) / np.sqrt(H)
    W_int = jax.random.normal(ks[7], (H, H), dtype=jnp.float32) / np.sqrt(H)
    W_x = jax.random.normal(ks[8], (H, 2 * H), dtype=jnp.float32) / np.sqrt(H)
    bn_gamma = jnp.ones((H,), dtype=jnp.float32)
    bn_beta = jnp.zeros((H,), dtype=jnp.float32)
    return {
        "x": x,
        "y": y,
        "domain_indicator": domain_indicator,
        "node_map_edge_index": node_map_edge_index,
        "intersect_indicator": intersect_indicator,
        "domain_map_edge_index": domain_map_edge_index,
        "W_sum": W_sum,
        "W_int": W_int,
        "W_x": W_x,
        "bn_gamma": bn_gamma,
        "bn_beta": bn_beta,
    }


def reference(x, y, domain_indicator, node_map_edge_index, intersect_indicator,
              domain_map_edge_index, W_sum, W_int, W_x, bn_gamma, bn_beta):
    # y_sum = scatter_sum(x, domain_indicator) -> Linear
    y_sum = jax.ops.segment_sum(x, domain_indicator, num_segments=D)
    y_sum = y_sum @ W_sum
    # y_int = scatter_sum(x[node_map_edge_index[1]], intersect_indicator) -> Linear
    x_nm = jnp.take(x, node_map_edge_index[1], axis=0)
    y_int = jax.ops.segment_sum(x_nm, intersect_indicator, num_segments=ED)
    y_int = y_int @ W_int
    # message over domain_map edges
    y_msg = jnp.take(y_sum, domain_map_edge_index[1], axis=0) + y_int
    x_g = jnp.take(x, domain_map_edge_index[0], axis=0)
    # x_lin maps H -> 2H (two linmaps); reduce the two maps so dims match msg_bn(H)
    x_msg = (x_g @ W_x).reshape(-1, 2, H).sum(axis=1)
    msg = y_msg + x_msg
    # BatchNorm1d in training mode: batch statistics (biased variance)
    mean = jnp.mean(msg, axis=0)
    var = jnp.var(msg, axis=0)
    msg = (msg - mean) * jax.lax.rsqrt(var + 1e-5) * bn_gamma + bn_beta
    return jax.nn.relu(msg)

if __name__ == "__main__":
    import jax
    _d = setup_inputs()
    print(jax.jit(kernel)(*tuple(_d.values())))

</pallas_src>

<mosaic_0001>
#map = affine_map<(d0, d1) -> (0, 0)>
#map1 = affine_map<(d0, d1) -> (0)>
module attributes {stable_mosaic.version = 14 : i64} {
  func.func @_ys_body(%arg0: i32, %arg1: i32, %arg2: memref<10240x128xf32, #tpu.memory_space<hbm>>, %arg3: memref<10240xi32, #tpu.memory_space<hbm>>, %arg4: memref<24xi32, #tpu.memory_space<hbm>>, %arg5: memref<128x128xf32, #tpu.memory_space<hbm>>, %arg6: memref<10240x128xf32, #tpu.memory_space<hbm>>, %arg7: memref<5128x128xf32, #tpu.memory_space<vmem_shared>>, %arg8: memref<128x128xf32, #tpu.memory_space<vmem>>, %arg9: memref<128x128xf32, #tpu.memory_space<vmem>>, %arg10: memref<128xi32, #tpu.memory_space<vmem>>, %arg11: memref<128xi32, #tpu.memory_space<vmem>>, %arg12: memref<16xi32, #tpu.memory_space<vmem>>, %arg13: memref<64x128xf32, #tpu.memory_space<vmem>>, %arg14: memref<!tpu.dma_semaphore, #tpu.memory_space<semaphore_mem>>) attributes {dimension_semantics = [#tpu.dimension_semantics<core_parallel>, #tpu.dimension_semantics<subcore_parallel>], iteration_bounds = array<i64: 2, 16>, scalar_prefetch = 0 : i64, scratch_operands = 8 : i64, tpu.core_type = #tpu.core_type<sc_vector_subcore>, window_params = [{transform_indices = #map}, {transform_indices = #map1}, {transform_indices = #map1}, {transform_indices = #map}, {transform_indices = #map}]} {
    %iota3A = tpu.iota {dimensions = array<i32: 0>} : vector<16xi32>
    "tpu.region"() ({
      %run_scoped3A = tpu.sem_alloc : memref<!tpu.dma_semaphore, #tpu.memory_space<semaphore_mem>>
      tpu.enqueue_dma source(%arg5 : memref<128x128xf32, #tpu.memory_space<hbm>>) target(%arg8 : memref<128x128xf32, #tpu.memory_space<vmem>>) target_semaphore(%run_scoped3A : memref<!tpu.dma_semaphore, #tpu.memory_space<semaphore_mem>>)
      tpu.wait_dma2 semaphore(%run_scoped3A : memref<!tpu.dma_semaphore, #tpu.memory_space<semaphore_mem>>) src(%arg5 : memref<128x128xf32, #tpu.memory_space<hbm>>) dst(%arg8 : memref<128x128xf32, #tpu.memory_space<vmem>>)
      tpu.yield
    }) : () -> ()
    %mul3A = arith.constant 8 : i32
    %mul3A_0 = arith.muli %mul3A, %arg0 : i32
    %multiple_of3A = tpu.assume_multiple %mul3A_0, 8 : i32
    "tpu.region"() ({
      %run_scoped3A = tpu.sem_alloc : memref<!tpu.dma_semaphore, #tpu.memory_space<semaphore_mem>>
      %dma_start3A = tpu.memref_slice %arg4[%multiple_of3A] : memref<24xi32, #tpu.memory_space<hbm>> -> memref<16xi32, #tpu.memory_space<hbm>>
      %dma_start3A_66 = tpu.memref_slice %arg4[%multiple_of3A] : memref<24xi32, #tpu.memory_space<hbm>> -> memref<16xi32, #tpu.memory_space<hbm>>
      tpu.enqueue_dma source(%dma_start3A_66 : memref<16xi32, #tpu.memory_space<hbm>>) target(%arg12 : memref<16xi32, #tpu.memory_space<vmem>>) target_semaphore(%run_scoped3A : memref<!tpu.dma_semaphore, #tpu.memory_space<semaphore_mem>>)
      %dma_wait3A = tpu.memref_slice %arg4[%multiple_of3A] : memref<24xi32, #tpu.memory_space<hbm>> -> memref<16xi32, #tpu.memory_space<hbm>>
      %dma_wait3A_67 = tpu.memref_slice %arg4[%multiple_of3A] : memref<24xi32, #tpu.memory_space<hbm>> -> memref<16xi32, #tpu.memory_space<hbm>>
      tpu.wait_dma2 semaphore(%run_scoped3A : memref<!tpu.dma_semaphore, #tpu.memory_space<semaphore_mem>>) src(%dma_wait3A_67 : memref<16xi32, #tpu.memory_space<hbm>>) dst(%arg12 : memref<16xi32, #tpu.memory_space<vmem>>)
      tpu.yield
    }) : () -> ()
    %mul3A_1 = arith.constant 320 : i32
    %mul3A_2 = arith.muli %mul3A_1, %arg1 : i32
    "tpu.region"() ({
      %run_scoped3A = tpu.sem_alloc : memref<!tpu.dma_semaphore, #tpu.memory_space<semaphore_mem>>
      %dma_start3A = arith.constant 0 : i32
      %dma_start3A_66 = tpu.memref_slice %arg7[%mul3A_2, %dma_start3A] : memref<5128x128xf32, #tpu.memory_space<vmem_shared>> -> memref<128x128xf32, #tpu.memory_space<vmem_shared>>
      %dma_start3A_67 = arith.constant 0 : i32
      %dma_start3A_68 = tpu.memref_slice %arg7[%mul3A_2, %dma_start3A_67] : memref<5128x128xf32, #tpu.memory_space<vmem_shared>> -> memref<128x128xf32, #tpu.memory_space<vmem_shared>>
      tpu.enqueue_dma source(%arg8 : memref<128x128xf32, #tpu.memory_space<vmem>>) target(%dma_start3A_68 : memref<128x128xf32, #tpu.memory_space<vmem_shared>>) target_semaphore(%run_scoped3A : memref<!tpu.dma_semaphore, #tpu.memory_space<semaphore_mem>>)
      %dma_wait3A = arith.constant 0 : i32
      %dma_wait3A_69 = tpu.memref_slice %arg7[%mul3A_2, %dma_wait3A] : memref<5128x128xf32, #tpu.memory_space<vmem_shared>> -> memref<128x128xf32, #tpu.memory_space<vmem_shared>>
      %dma_wait3A_70 = arith.constant 0 : i32
      %dma_wait3A_71 = tpu.memref_slice %arg7[%mul3A_2, %dma_wait3A_70] : memref<5128x128xf32, #tpu.memory_space<vmem_shared>> -> memref<128x128xf32, #tpu.memory_space<vmem_shared>>
      tpu.wait_dma2 semaphore(%run_scoped3A : memref<!tpu.dma_semaphore, #tpu.memory_space<semaphore_mem>>) src(%arg8 : memref<128x128xf32, #tpu.memory_space<vmem>>) dst(%dma_wait3A_71 : memref<128x128xf32, #tpu.memory_space<vmem_shared>>)
      tpu.yield
    }) : () -> ()
    %add3A = arith.constant 128 : i32
    %add3A_3 = arith.addi %mul3A_2, %add3A : i32
    "tpu.region"() ({
      %run_scoped3A = tpu.sem_alloc : memref<!tpu.dma_semaphore, #tpu.memory_space<semaphore_mem>>
      %dma_start3A = arith.constant 0 : i32
      %dma_start3A_66 = tpu.memref_slice %arg7[%add3A_3, %dma_start3A] : memref<5128x128xf32, #tpu.memory_space<vmem_shared>> -> memref<128x128xf32, #tpu.memory_space<vmem_shared>>
      %dma_start3A_67 = arith.constant 0 : i32
      %dma_start3A_68 = tpu.memref_slice %arg7[%add3A_3, %dma_start3A_67] : memref<5128x128xf32, #tpu.memory_space<vmem_shared>> -> memref<128x128xf32, #tpu.memory_space<vmem_shared>>
      tpu.enqueue_dma source(%arg8 : memref<128x128xf32, #tpu.memory_space<vmem>>) target(%dma_start3A_68 : memref<128x128xf32, #tpu.memory_space<vmem_shared>>) target_semaphore(%run_scoped3A : memref<!tpu.dma_semaphore, #tpu.memory_space<semaphore_mem>>)
      %dma_wait3A = arith.constant 0 : i32
      %dma_wait3A_69 = tpu.memref_slice %arg7[%add3A_3, %dma_wait3A] : memref<5128x128xf32, #tpu.memory_space<vmem_shared>> -> memref<128x128xf32, #tpu.memory_space<vmem_shared>>
      %dma_wait3A_70 = arith.constant 0 : i32
      %dma_wait3A_71 = tpu.memref_slice %arg7[%add3A_3, %dma_wait3A_70] : memref<5128x128xf32, #tpu.memory_space<vmem_shared>> -> memref<128x128xf32, #tpu.memory_space<vmem_shared>>
      tpu.wait_dma2 semaphore(%run_scoped3A : memref<!tpu.dma_semaphore, #tpu.memory_space<semaphore_mem>>) src(%arg8 : memref<128x128xf32, #tpu.memory_space<vmem>>) dst(%dma_wait3A_71 : memref<128x128xf32, #tpu.memory_space<vmem_shared>>)
      tpu.yield
    }) : () -> ()
    %add3A_4 = arith.constant 256 : i32
    %add3A_5 = arith.addi %mul3A_2, %add3A_4 : i32
    "tpu.region"() ({
      %run_scoped3A = tpu.sem_alloc : memref<!tpu.dma_semaphore, #tpu.memory_space<semaphore_mem>>
      %dma_start3A = arith.constant 0 : i32
      %dma_start3A_66 = arith.constant 0 : i32
      %dma_start3A_67 = tpu.memref_slice %arg8[%dma_start3A, %dma_start3A_66] : memref<128x128xf32, #tpu.memory_space<vmem>> -> memref<64x128xf32, #tpu.memory_space<vmem>>
      %dma_start3A_68 = arith.constant 0 : i32
      %dma_start3A_69 = tpu.memref_slice %arg7[%add3A_5, %dma_start3A_68] : memref<5128x128xf32, #tpu.memory_space<vmem_shared>> -> memref<64x128xf32, #tpu.memory_space<vmem_shared>>
      %dma_start3A_70 = arith.constant 0 : i32
      %dma_start3A_71 = tpu.memref_slice %arg7[%add3A_5, %dma_start3A_70] : memref<5128x128xf32, #tpu.memory_space<vmem_shared>> -> memref<64x128xf32, #tpu.memory_space<vmem_shared>>
      %dma_start3A_72 = arith.constant 0 : i32
      %dma_start3A_73 = arith.constant 0 : i32
      %dma_start3A_74 = tpu.memref_slice %arg8[%dma_start3A_72, %dma_start3A_73] : memref<128x128xf32, #tpu.memory_space<vmem>> -> memref<64x128xf32, #tpu.memory_space<vmem>>
      tpu.enqueue_dma source(%dma_start3A_74 : memref<64x128xf32, #tpu.memory_space<vmem>>) target(%dma_start3A_71 : memref<64x128xf32, #tpu.memory_space<vmem_shared>>) target_semaphore(%run_scoped3A : memref<!tpu.dma_semaphore, #tpu.memory_space<semaphore_mem>>)
      %dma_wait3A = arith.constant 0 : i32
      %dma_wait3A_75 = arith.constant 0 : i32
      %dma_wait3A_76 = tpu.memref_slice %arg8[%dma_wait3A, %dma_wait3A_75] : memref<128x128xf32, #tpu.memory_space<vmem>> -> memref<64x128xf32, #tpu.memory_space<vmem>>
      %dma_wait3A_77 = arith.constant 0 : i32
      %dma_wait3A_78 = tpu.memref_slice %arg7[%add3A_5, %dma_wait3A_77] : memref<5128x128xf32, #tpu.memory_space<vmem_shared>> -> memref<64x128xf32, #tpu.memory_space<vmem_shared>>
      %dma_wait3A_79 = arith.constant 0 : i32
      %dma_wait3A_80 = tpu.memref_slice %arg7[%add3A_5, %dma_wait3A_79] : memref<5128x128xf32, #tpu.memory_space<vmem_shared>> -> memref<64x128xf32, #tpu.memory_space<vmem_shared>>
      %dma_wait3A_81 = arith.constant 0 : i32
      %dma_wait3A_82 = arith.constant 0 : i32
      %dma_wait3A_83 = tpu.memref_slice %arg8[%dma_wait3A_81, %dma_wait3A_82] : memref<128x128xf32, #tpu.memory_space<vmem>> -> memref<64x128xf32, #tpu.memory_space<vmem>>
      tpu.wait_dma2 semaphore(%run_scoped3A : memref<!tpu.dma_semaphore, #tpu.memory_space<semaphore_mem>>) src(%dma_wait3A_83 : memref<64x128xf32, #tpu.memory_space<vmem>>) dst(%dma_wait3A_80 : memref<64x128xf32, #tpu.memory_space<vmem_shared>>)
      tpu.yield
    }) : () -> ()
    %eq3A = arith.constant 15 : i32
    %eq3A_6 = arith.cmpi eq, %arg1, %eq3A : i32
    %convert_element_type3A = arith.extui %eq3A_6 : i1 to i32
    %cond3A = arith.constant 0 : i32
    %cond3A_7 = arith.cmpi ne, %convert_element_type3A, %cond3A : i32
    scf.if %cond3A_7 {
      "tpu.region"() ({
        %run_scoped3A = tpu.sem_alloc : memref<!tpu.dma_semaphore, #tpu.memory_space<semaphore_mem>>
        %dma_start3A = arith.constant 0 : i32
        %dma_start3A_66 = arith.constant 0 : i32
        %dma_start3A_67 = tpu.memref_slice %arg8[%dma_start3A, %dma_start3A_66] : memref<128x128xf32, #tpu.memory_space<vmem>> -> memref<8x128xf32, #tpu.memory_space<vmem>>
        %dma_start3A_68 = arith.constant 5120 : i32
        %dma_start3A_69 = arith.constant 0 : i32
        %dma_start3A_70 = tpu.memref_slice %arg7[%dma_start3A_68, %dma_start3A_69] : memref<5128x128xf32, #tpu.memory_space<vmem_shared>> -> memref<8x128xf32, #tpu.memory_space<vmem_shared>>
        %dma_start3A_71 = arith.constant 5120 : i32
        %dma_start3A_72 = arith.constant 0 : i32
        %dma_start3A_73 = tpu.memref_slice %arg7[%dma_start3A_71, %dma_start3A_72] : memref<5128x128xf32, #tpu.memory_space<vmem_shared>> -> memref<8x128xf32, #tpu.memory_space<vmem_shared>>
        %dma_start3A_74 = arith.constant 0 : i32
        %dma_start3A_75 = arith.constant 0 : i32
        %dma_start3A_76 = tpu.memref_slice %arg8[%dma_start3A_74, %dma_start3A_75] : memref<128x128xf32, #tpu.memory_space<vmem>> -> memref<8x128xf32, #tpu.memory_space<vmem>>
        tpu.enqueue_dma source(%dma_start3A_76 : memref<8x128xf32, #tpu.memory_space<vmem>>) target(%dma_start3A_73 : memref<8x128xf32, #tpu.memory_space<vmem_shared>>) target_semaphore(%run_scoped3A : memref<!tpu.dma_semaphore, #tpu.memory_space<semaphore_mem>>)
        %dma_wait3A = arith.constant 0 : i32
        %dma_wait3A_77 = arith.constant 0 : i32
        %dma_wait3A_78 = tpu.memref_slice %arg8[%dma_wait3A, %dma_wait3A_77] : memref<128x128xf32, #tpu.memory_space<vmem>> -> memref<8x128xf32, #tpu.memory_space<vmem>>
        %dma_wait3A_79 = arith.constant 5120 : i32
        %dma_wait3A_80 = arith.constant 0 : i32
        %dma_wait3A_81 = tpu.memref_slice %arg7[%dma_wait3A_79, %dma_wait3A_80] : memref<5128x128xf32, #tpu.memory_space<vmem_shared>> -> memref<8x128xf32, #tpu.memory_space<vmem_shared>>
        %dma_wait3A_82 = arith.constant 5120 : i32
        %dma_wait3A_83 = arith.constant 0 : i32
        %dma_wait3A_84 = tpu.memref_slice %arg7[%dma_wait3A_82, %dma_wait3A_83] : memref<5128x128xf32, #tpu.memory_space<vmem_shared>> -> memref<8x128xf32, #tpu.memory_space<vmem_shared>>
        %dma_wait3A_85 = arith.constant 0 : i32
        %dma_wait3A_86 = arith.constant 0 : i32
        %dma_wait3A_87 = tpu.memref_slice %arg8[%dma_wait3A_85, %dma_wait3A_86] : memref<128x128xf32, #tpu.memory_space<vmem>> -> memref<8x128xf32, #tpu.memory_space<vmem>>
        tpu.wait_dma2 semaphore(%run_scoped3A : memref<!tpu.dma_semaphore, #tpu.memory_space<semaphore_mem>>) src(%dma_wait3A_87 : memref<8x128xf32, #tpu.memory_space<vmem>>) dst(%dma_wait3A_84 : memref<8x128xf32, #tpu.memory_space<vmem_shared>>)
        tpu.yield
      }) : () -> ()
    } else {
    }
    %barrier3A = arith.constant 0 : index
    tpu.barrier barrier_id(%barrier3A)
    %get3A = arith.constant 0 : index
    %get3A_8 = tpu.vector_load %arg12[%get3A] {strides = array<i32>} : memref<16xi32, #tpu.memory_space<vmem>>, vector<16xi32>,
    %get3A_9 = vector.shape_cast %get3A_8 : vector<16xi32> to vector<16xi32>
    %slice3A = vector.extract_strided_slice %get3A_9 {offsets = [0], sizes = [1], strides = [1]} : vector<16xi32> to vector<1xi32>
    %squeeze3A = vector.extract %slice3A[0] : i32 from vector<1xi32>
    %slice3A_10 = vector.extract_strided_slice %get3A_9 {offsets = [1], sizes = [1], strides = [1]} : vector<16xi32> to vector<1xi32>
    %squeeze3A_11 = vector.extract %slice3A_10[0] : i32 from vector<1xi32>
    %sub3A = arith.subi %squeeze3A_11, %squeeze3A : i32
    %mul3A_12 = arith.muli %sub3A, %arg1 : i32
    %shift_right_arithmetic3A = arith.constant 4 : i32
    %shift_right_arithmetic3A_13 = arith.shrsi %mul3A_12, %shift_right_arithmetic3A : i32
    %add3A_14 = arith.addi %squeeze3A, %shift_right_arithmetic3A_13 : i32
    %sub3A_15 = arith.subi %squeeze3A_11, %squeeze3A : i32
    %add3A_16 = arith.constant 1 : i32
    %add3A_17 = arith.addi %arg1, %add3A_16 : i32
    %mul3A_18 = arith.muli %sub3A_15, %add3A_17 : i32
    %shift_right_arithmetic3A_19 = arith.constant 4 : i32
    %shift_right_arithmetic3A_20 = arith.shrsi %mul3A_18, %shift_right_arithmetic3A_19 : i32
    %add3A_21 = arith.addi %squeeze3A, %shift_right_arithmetic3A_20 : i32
    %and3A = arith.constant 7 : i32
    %and3A_22 = arith.andi %add3A_14, %and3A : i32
    %sub3A_23 = arith.subi %add3A_14, %and3A_22 : i32
    %sub3A_24 = arith.subi %add3A_21, %sub3A_23 : i32
    %add3A_25 = arith.constant 127 : i32
    %add3A_26 = arith.addi %sub3A_24, %add3A_25 : i32
    %shift_right_arithmetic3A_27 = arith.constant 7 : i32
    %shift_right_arithmetic3A_28 = arith.shrsi %add3A_26, %shift_right_arithmetic3A_27 : i32
    %mul3A_29 = arith.constant 5120 : i32
    %mul3A_30 = arith.muli %mul3A_29, %arg0 : i32
    %while3A = arith.constant 0 : i32
    %while3A_31 = arith.constant 0 : i32
    %while3A_32 = arith.subi %shift_right_arithmetic3A_28, %while3A_31 : i32
    %while3A_33 = arith.addi %while3A_31, %while3A_32 : i32
    %while3A_34 = arith.constant 1 : i32
    %while3A_35 = arith.divsi %while3A_32, %while3A_34 : i32
    %while3A_36 = arith.muli %while3A_35, %while3A_34 : i32
    %while3A_37 = arith.addi %while3A_31, %while3A_36 : i32
    %while3A_38 = arith.constant 1 : i32
    scf.for %while3A_66 = %while3A_31 to %while3A_37 step %while3A_38  : i32 {
      %shift_left3A = arith.constant 7 : i32
      %shift_left3A_67 = arith.shli %while3A_66, %shift_left3A : i32
      %add3A_68 = arith.addi %sub3A_23, %shift_left3A_67 : i32
      %multiple_of3A_69 = tpu.assume_multiple %add3A_68, 8 : i32
      "tpu.region"() ({
        %run_scoped3A = tpu.sem_alloc : memref<!tpu.dma_semaphore, #tpu.memory_space<semaphore_mem>>
        %dma_start3A_236 = tpu.memref_slice %arg3[%multiple_of3A_69] : memref<10240xi32, #tpu.memory_space<hbm>> -> memref<128xi32, #tpu.memory_space<hbm>>
        %dma_start3A_237 = tpu.memref_slice %arg3[%multiple_of3A_69] : memref<10240xi32, #tpu.memory_space<hbm>> -> memref<128xi32, #tpu.memory_space<hbm>>
        tpu.enqueue_dma source(%dma_start3A_237 : memref<128xi32, #tpu.memory_space<hbm>>) target(%arg10 : memref<128xi32, #tpu.memory_space<vmem>>) target_semaphore(%run_scoped3A : memref<!tpu.dma_semaphore, #tpu.memory_space<semaphore_mem>>)
        %dma_wait3A_238 = tpu.memref_slice %arg3[%multiple_of3A_69] : memref<10240xi32, #tpu.memory_space<hbm>> -> memref<128xi32, #tpu.memory_space<hbm>>
        %dma_wait3A_239 = tpu.memref_slice %arg3[%multiple_of3A_69] : memref<10240xi32, #tpu.memory_space<hbm>> -> memref<128xi32, #tpu.memory_space<hbm>>
        tpu.wait_dma2 semaphore(%run_scoped3A : memref<!tpu.dma_semaphore, #tpu.memory_space<semaphore_mem>>) src(%dma_wait3A_239 : memref<128xi32, #tpu.memory_space<hbm>>) dst(%arg10 : memref<128xi32, #tpu.memory_space<vmem>>)
        tpu.yield
      }) : () -> ()
      "tpu.region"() ({
        %run_scoped3A = tpu.sem_alloc : memref<!tpu.dma_semaphore, #tpu.memory_space<semaphore_mem>>
        %dma_start3A_236 = arith.constant 0 : i32
        %dma_start3A_237 = tpu.memref_slice %arg2[%multiple_of3A_69, %dma_start3A_236] : memref<10240x128xf32, #tpu.memory_space<hbm>> -> memref<128x128xf32, #tpu.memory_space<hbm>>
        %dma_start3A_238 = arith.constant 0 : i32
        %dma_start3A_239 = tpu.memref_slice %arg2[%multiple_of3A_69, %dma_start3A_238] : memref<10240x128xf32, #tpu.memory_space<hbm>> -> memref<128x128xf32, #tpu.memory_space<hbm>>
        tpu.enqueue_dma source(%dma_start3A_239 : memref<128x128xf32, #tpu.memory_space<hbm>>) target(%arg9 : memref<128x128xf32, #tpu.memory_space<vmem>>) target_semaphore(%run_scoped3A : memref<!tpu.dma_semaphore, #tpu.memory_space<semaphore_mem>>)
        %dma_wait3A_240 = arith.constant 0 : i32
        %dma_wait3A_241 = tpu.memref_slice %arg2[%multiple_of3A_69, %dma_wait3A_240] : memref<10240x128xf32, #tpu.memory_space<hbm>> -> memref<128x128xf32, #tpu.memory_space<hbm>>
        %dma_wait3A_242 = arith.constant 0 : i32
        %dma_wait3A_243 = tpu.memref_slice %arg2[%multiple_of3A_69, %dma_wait3A_242] : memref<10240x128xf32, #tpu.memory_space<hbm>> -> memref<128x128xf32, #tpu.memory_space<hbm>>
        tpu.wait_dma2 semaphore(%run_scoped3A : memref<!tpu.dma_semaphore, #tpu.memory_space<semaphore_mem>>) src(%dma_wait3A_243 : memref<128x128xf32, #tpu.memory_space<hbm>>) dst(%arg9 : memref<128x128xf32, #tpu.memory_space<vmem>>)
        tpu.yield
      }) : () -> ()
      %add3A_70 = arith.constant 0 : i32
      %add3A_71 = arith.addi %multiple_of3A_69, %add3A_70 : i32
      %add3A_72 = vector.broadcast %add3A_71 : i32 to vector<16xi32>
      %add3A_73 = arith.addi %add3A_72, %iota3A : vector<16xi32>
      %ge3A = vector.broadcast %add3A_14 : i32 to vector<16xi32>
      %ge3A_74 = arith.cmpi sge, %add3A_73, %ge3A : vector<16xi32>
      %lt3A = vector.broadcast %add3A_21 : i32 to vector<16xi32>
      %lt3A_75 = arith.cmpi slt, %add3A_73, %lt3A : vector<16xi32>
      %and3A_76 = arith.andi %ge3A_74, %lt3A_75 : vector<16xi1>
      %get3A_77 = arith.constant 0 : index
      %get3A_78 = tpu.vector_load %arg10[%get3A_77] {strides = array<i32>} : memref<128xi32, #tpu.memory_space<vmem>>, vector<16xi32>,
      %get3A_79 = vector.shape_cast %get3A_78 : vector<16xi32> to vector<16xi32>
      %sub3A_80 = vector.broadcast %mul3A_30 : i32 to vector<16xi32>
      %sub3A_81 = arith.subi %get3A_79, %sub3A_80 : vector<16xi32>
      %jit3A = arith.constant 5120 : i32
      %broadcast_in_dim3A = vector.broadcast %jit3A : i32 to vector<16xi32>
      %select_n3A = arith.select %and3A_76, %sub3A_81, %broadcast_in_dim3A : vector<16xi1>, vector<16xi32>
      %swap3A = arith.constant 0 : index
      %swap3A_82 = tpu.vector_load %arg11[%swap3A] {strides = array<i32>} : memref<128xi32, #tpu.memory_space<vmem>>, vector<16xi32>,
      %swap3A_83 = vector.shape_cast %swap3A_82 : vector<16xi32> to vector<16xi32>
      %swap3A_84 = vector.shape_cast %select_n3A : vector<16xi32> to vector<16xi32>
      tpu.vector_store %arg11[%swap3A], %swap3A_84 {strides = array<i32>} : memref<128xi32, #tpu.memory_space<vmem>>, vector<16xi32>,
      %add3A_85 = arith.constant 16 : i32
      %add3A_86 = arith.addi %multiple_of3A_69, %add3A_85 : i32
      %add3A_87 = vector.broadcast %add3A_86 : i32 to vector<16xi32>
      %add3A_88 = arith.addi %add3A_87, %iota3A : vector<16xi32>
      %ge3A_89 = vector.broadcast %add3A_14 : i32 to vector<16xi32>
      %ge3A_90 = arith.cmpi sge, %add3A_88, %ge3A_89 : vector<16xi32>
      %lt3A_91 = vector.broadcast %add3A_21 : i32 to vector<16xi32>
      %lt3A_92 = arith.cmpi slt, %add3A_88, %lt3A_91 : vector<16xi32>
      %and3A_93 = arith.andi %ge3A_90, %lt3A_92 : vector<16xi1>
      %get3A_94 = arith.constant 16 : index
      %get3A_95 = tpu.vector_load %arg10[%get3A_94] {strides = array<i32>} : memref<128xi32, #tpu.memory_space<vmem>>, vector<16xi32>,
      %get3A_96 = vector.shape_cast %get3A_95 : vector<16xi32> to vector<16xi32>
      %sub3A_97 = vector.broadcast %mul3A_30 : i32 to vector<16xi32>
      %sub3A_98 = arith.subi %get3A_96, %sub3A_97 : vector<16xi32>
      %jit3A_99 = arith.constant 5120 : i32
      %broadcast_in_dim3A_100 = vector.broadcast %jit3A_99 : i32 to vector<16xi32>
      %select_n3A_101 = arith.select %and3A_93, %sub3A_98, %broadcast_in_dim3A_100 : vector<16xi1>, vector<16xi32>
      %swap3A_102 = arith.constant 16 : index
      %swap3A_103 = tpu.vector_load %arg11[%swap3A_102] {strides = array<i32>} : memref<128xi32, #tpu.memory_space<vmem>>, vector<16xi32>,
      %swap3A_104 = vector.shape_cast %swap3A_103 : vector<16xi32> to vector<16xi32>
      %swap3A_105 = vector.shape_cast %select_n3A_101 : vector<16xi32> to vector<16xi32>
      tpu.vector_store %arg11[%swap3A_102], %swap3A_105 {strides = array<i32>} : memref<128xi32, #tpu.memory_space<vmem>>, vector<16xi32>,
      %add3A_106 = arith.constant 32 : i32
      %add3A_107 = arith.addi %multiple_of3A_69, %add3A_106 : i32
      %add3A_108 = vector.broadcast %add3A_107 : i32 to vector<16xi32>
      %add3A_109 = arith.addi %add3A_108, %iota3A : vector<16xi32>
      %ge3A_110 = vector.broadcast %add3A_14 : i32 to vector<16xi32>
      %ge3A_111 = arith.cmpi sge, %add3A_109, %ge3A_110 : vector<16xi32>
      %lt3A_112 = vector.broadcast %add3A_21 : i32 to vector<16xi32>
      %lt3A_113 = arith.cmpi slt, %add3A_109, %lt3A_112 : vector<16xi32>
      %and3A_114 = arith.andi %ge3A_111, %lt3A_113 : vector<16xi1>
      %get3A_115 = arith.constant 32 : index
      %get3A_116 = tpu.vector_load %arg10[%get3A_115] {strides = array<i32>} : memref<128xi32, #tpu.memory_space<vmem>>, vector<16xi32>,
      %get3A_117 = vector.shape_cast %get3A_116 : vector<16xi32> to vector<16xi32>
      %sub3A_118 = vector.broadcast %mul3A_30 : i32 to vector<16xi32>
      %sub3A_119 = arith.subi %get3A_117, %sub3A_118 : vector<16xi32>
      %jit3A_120 = arith.constant 5120 : i32
      %broadcast_in_dim3A_121 = vector.broadcast %jit3A_120 : i32 to vector<16xi32>
      %select_n3A_122 = arith.select %and3A_114, %sub3A_119, %broadcast_in_dim3A_121 : vector<16xi1>, vector<16xi32>
      %swap3A_123 = arith.constant 32 : index
      %swap3A_124 = tpu.vector_load %arg11[%swap3A_123] {strides = array<i32>} : memref<128xi32, #tpu.memory_space<vmem>>, vector<16xi32>,
      %swap3A_125 = vector.shape_cast %swap3A_124 : vector<16xi32> to vector<16xi32>
      %swap3A_126 = vector.shape_cast %select_n3A_122 : vector<16xi32> to vector<16xi32>
      tpu.vector_store %arg11[%swap3A_123], %swap3A_126 {strides = array<i32>} : memref<128xi32, #tpu.memory_space<vmem>>, vector<16xi32>,
      %add3A_127 = arith.constant 48 : i32
      %add3A_128 = arith.addi %multiple_of3A_69, %add3A_127 : i32
      %add3A_129 = vector.broadcast %add3A_128 : i32 to vector<16xi32>
      %add3A_130 = arith.addi %add3A_129, %iota3A : vector<16xi32>
      %ge3A_131 = vector.broadcast %add3A_14 : i32 to vector<16xi32>
      %ge3A_132 = arith.cmpi sge, %add3A_130, %ge3A_131 : vector<16xi32>
      %lt3A_133 = vector.broadcast %add3A_21 : i32 to vector<16xi32>
      %lt3A_134 = arith.cmpi slt, %add3A_130, %lt3A_133 : vector<16xi32>
      %and3A_135 = arith.andi %ge3A_132, %lt3A_134 : vector<16xi1>
      %get3A_136 = arith.constant 48 : index
      %get3A_137 = tpu.vector_load %arg10[%get3A_136] {strides = array<i32>} : memref<128xi32, #tpu.memory_space<vmem>>, vector<16xi32>,
      %get3A_138 = vector.shape_cast %get3A_137 : vector<16xi32> to vector<16xi32>
      %sub3A_139 = vector.broadcast %mul3A_30 : i32 to vector<16xi32>
      %sub3A_140 = arith.subi %get3A_138, %sub3A_139 : vector<16xi32>
      %jit3A_141 = arith.constant 5120 : i32
      %broadcast_in_dim3A_142 = vector.broadcast %jit3A_141 : i32 to vector<16xi32>
      %select_n3A_143 = arith.select %and3A_135, %sub3A_140, %broadcast_in_dim3A_142 : vector<16xi1>, vector<16xi32>
      %swap3A_144 = arith.constant 48 : index
      %swap3A_145 = tpu.vector_load %arg11[%swap3A_144] {strides = array<i32>} : memref<128xi32, #tpu.memory_space<vmem>>, vector<16xi32>,
      %swap3A_146 = vector.shape_cast %swap3A_145 : vector<16xi32> to vector<16xi32>
      %swap3A_147 = vector.shape_cast %select_n3A_143 : vector<16xi32> to vector<16xi32>
      tpu.vector_store %arg11[%swap3A_144], %swap3A_147 {strides = array<i32>} : memref<128xi32, #tpu.memory_space<vmem>>, vector<16xi32>,
      %add3A_148 = arith.constant 64 : i32
      %add3A_149 = arith.addi %multiple_of3A_69, %add3A_148 : i32
      %add3A_150 = vector.broadcast %add3A_149 : i32 to vector<16xi32>
      %add3A_151 = arith.addi %add3A_150, %iota3A : vector<16xi32>
      %ge3A_152 = vector.broadcast %add3A_14 : i32 to vector<16xi32>
      %ge3A_153 = arith.cmpi sge, %add3A_151, %ge3A_152 : vector<16xi32>
      %lt3A_154 = vector.broadcast %add3A_21 : i32 to vector<16xi32>
      %lt3A_155 = arith.cmpi slt, %add3A_151, %lt3A_154 : vector<16xi32>
      %and3A_156 = arith.andi %ge3A_153, %lt3A_155 : vector<16xi1>
      %get3A_157 = arith.constant 64 : index
      %get3A_158 = tpu.vector_load %arg10[%get3A_157] {strides = array<i32>} : memref<128xi32, #tpu.memory_space<vmem>>, vector<16xi32>,
      %get3A_159 = vector.shape_cast %get3A_158 : vector<16xi32> to vector<16xi32>
      %sub3A_160 = vector.broadcast %mul3A_30 : i32 to vector<16xi32>
      %sub3A_161 = arith.subi %get3A_159, %sub3A_160 : vector<16xi32>
      %jit3A_162 = arith.constant 5120 : i32
      %broadcast_in_dim3A_163 = vector.broadcast %jit3A_162 : i32 to vector<16xi32>
      %select_n3A_164 = arith.select %and3A_156, %sub3A_161, %broadcast_in_dim3A_163 : vector<16xi1>, vector<16xi32>
      %swap3A_165 = arith.constant 64 : index
      %swap3A_166 = tpu.vector_load %arg11[%swap3A_165] {strides = array<i32>} : memref<128xi32, #tpu.memory_space<vmem>>, vector<16xi32>,
      %swap3A_167 = vector.shape_cast %swap3A_166 : vector<16xi32> to vector<16xi32>
      %swap3A_168 = vector.shape_cast %select_n3A_164 : vector<16xi32> to vector<16xi32>
      tpu.vector_store %arg11[%swap3A_165], %swap3A_168 {strides = array<i32>} : memref<128xi32, #tpu.memory_space<vmem>>, vector<16xi32>,
      %add3A_169 = arith.constant 80 : i32
      %add3A_170 = arith.addi %multiple_of3A_69, %add3A_169 : i32
      %add3A_171 = vector.broadcast %add3A_170 : i32 to vector<16xi32>
      %add3A_172 = arith.addi %add3A_171, %iota3A : vector<16xi32>
      %ge3A_173 = vector.broadcast %add3A_14 : i32 to vector<16xi32>
      %ge3A_174 = arith.cmpi sge, %add3A_172, %ge3A_173 : vector<16xi32>
      %lt3A_175 = vector.broadcast %add3A_21 : i32 to vector<16xi32>
      %lt3A_176 = arith.cmpi slt, %add3A_172, %lt3A_175 : vector<16xi32>
      %and3A_177 = arith.andi %ge3A_174, %lt3A_176 : vector<16xi1>
      %get3A_178 = arith.constant 80 : index
      %get3A_179 = tpu.vector_load %arg10[%get3A_178] {strides = array<i32>} : memref<128xi32, #tpu.memory_space<vmem>>, vector<16xi32>,
      %get3A_180 = vector.shape_cast %get3A_179 : vector<16xi32> to vector<16xi32>
      %sub3A_181 = vector.broadcast %mul3A_30 : i32 to vector<16xi32>
      %sub3A_182 = arith.subi %get3A_180, %sub3A_181 : vector<16xi32>
      %jit3A_183 = arith.constant 5120 : i32
      %broadcast_in_dim3A_184 = vector.broadcast %jit3A_183 : i32 to vector<16xi32>
      %select_n3A_185 = arith.select %and3A_177, %sub3A_182, %broadcast_in_dim3A_184 : vector<16xi1>, vector<16xi32>
      %swap3A_186 = arith.constant 80 : index
      %swap3A_187 = tpu.vector_load %arg11[%swap3A_186] {strides = array<i32>} : memref<128xi32, #tpu.memory_space<vmem>>, vector<16xi32>,
      %swap3A_188 = vector.shape_cast %swap3A_187 : vector<16xi32> to vector<16xi32>
      %swap3A_189 = vector.shape_cast %select_n3A_185 : vector<16xi32> to vector<16xi32>
      tpu.vector_store %arg11[%swap3A_186], %swap3A_189 {strides = array<i32>} : memref<128xi32, #tpu.memory_space<vmem>>, vector<16xi32>,
      %add3A_190 = arith.constant 96 : i32
      %add3A_191 = arith.addi %multiple_of3A_69, %add3A_190 : i32
      %add3A_192 = vector.broadcast %add3A_191 : i32 to vector<16xi32>
      %add3A_193 = arith.addi %add3A_192, %iota3A : vector<16xi32>
      %ge3A_194 = vector.broadcast %add3A_14 : i32 to vector<16xi32>
      %ge3A_195 = arith.cmpi sge, %add3A_193, %ge3A_194 : vector<16xi32>
      %lt3A_196 = vector.broadcast %add3A_21 : i32 to vector<16xi32>
      %lt3A_197 = arith.cmpi slt, %add3A_193, %lt3A_196 : vector<16xi32>
      %and3A_198 = arith.andi %ge3A_195, %lt3A_197 : vector<16xi1>
      %get3A_199 = arith.constant 96 : index
      %get3A_200 = tpu.vector_load %arg10[%get3A_199] {strides = array<i32>} : memref<128xi32, #tpu.memory_space<vmem>>, vector<16xi32>,
      %get3A_201 = vector.shape_cast %get3A_200 : vector<16xi32> to vector<16xi32>
      %sub3A_202 = vector.broadcast %mul3A_30 : i32 to vector<16xi32>
      %sub3A_203 = arith.subi %get3A_201, %sub3A_202 : vector<16xi32>
      %jit3A_204 = arith.constant 5120 : i32
      %broadcast_in_dim3A_205 = vector.broadcast %jit3A_204 : i32 to vector<16xi32>
      %select_n3A_206 = arith.select %and3A_198, %sub3A_203, %broadcast_in_dim3A_205 : vector<16xi1>, vector<16xi32>
      %swap3A_207 = arith.constant 96 : index
      %swap3A_208 = tpu.vector_load %arg11[%swap3A_207] {strides = array<i32>} : memref<128xi32, #tpu.memory_space<vmem>>, vector<16xi32>,
      %swap3A_209 = vector.shape_cast %swap3A_208 : vector<16xi32> to vector<16xi32>
      %swap3A_210 = vector.shape_cast %select_n3A_206 : vector<16xi32> to vector<16xi32>
      tpu.vector_store %arg11[%swap3A_207], %swap3A_210 {strides = array<i32>} : memref<128xi32, #tpu.memory_space<vmem>>, vector<16xi32>,
      %add3A_211 = arith.constant 112 : i32
      %add3A_212 = arith.addi %multiple_of3A_69, %add3A_211 : i32
      %add3A_213 = vector.broadcast %add3A_212 : i32 to vector<16xi32>
      %add3A_214 = arith.addi %add3A_213, %iota3A : vector<16xi32>
      %ge3A_215 = vector.broadcast %add3A_14 : i32 to vector<16xi32>
      %ge3A_216 = arith.cmpi sge, %add3A_214, %ge3A_215 : vector<16xi32>
      %lt3A_217 = vector.broadcast %add3A_21 : i32 to vector<16xi32>
      %lt3A_218 = arith.cmpi slt, %add3A_214, %lt3A_217 : vector<16xi32>
      %and3A_219 = arith.andi %ge3A_216, %lt3A_218 : vector<16xi1>
      %get3A_220 = arith.constant 112 : index
      %get3A_221 = tpu.vector_load %arg10[%get3A_220] {strides = array<i32>} : memref<128xi32, #tpu.memory_space<vmem>>, vector<16xi32>,
      %get3A_222 = vector.shape_cast %get3A_221 : vector<16xi32> to vector<16xi32>
      %sub3A_223 = vector.broadcast %mul3A_30 : i32 to vector<16xi32>
      %sub3A_224 = arith.subi %get3A_222, %sub3A_223 : vector<16xi32>
      %jit3A_225 = arith.constant 5120 : i32
      %broadcast_in_dim3A_226 = vector.broadcast %jit3A_225 : i32 to vector<16xi32>
      %select_n3A_227 = arith.select %and3A_219, %sub3A_224, %broadcast_in_dim3A_226 : vector<16xi1>, vector<16xi32>
      %swap3A_228 = arith.constant 112 : index
      %swap3A_229 = tpu.vector_load %arg11[%swap3A_228] {strides = array<i32>} : memref<128xi32, #tpu.memory_space<vmem>>, vector<16xi32>,
      %swap3A_230 = vector.shape_cast %swap3A_229 : vector<16xi32> to vector<16xi32>
      %swap3A_231 = vector.shape_cast %select_n3A_227 : vector<16xi32> to vector<16xi32>
      tpu.vector_store %arg11[%swap3A_228], %swap3A_231 {strides = array<i32>} : memref<128xi32, #tpu.memory_space<vmem>>, vector<16xi32>,
      %dma_start3A = arith.constant 0 : i32
      %dma_start3A_232 = arith.constant 0 : i32
      %dma_start3A_233 = tpu.memref_slice %arg7[%dma_start3A, %dma_start3A_232] : memref<5128x128xf32, #tpu.memory_space<vmem_shared>> -> memref<5128x128xf32, #tpu.memory_space<vmem_shared>>
      tpu.enqueue_indirect_dma source(%arg9 : memref<128x128xf32, #tpu.memory_space<vmem>>) target(%dma_start3A_233 : memref<5128x128xf32, #tpu.memory_space<vmem_shared>>) offsets(%arg11 : memref<128xi32, #tpu.memory_space<vmem>>) semaphore(%arg14 : memref<!tpu.dma_semaphore, #tpu.memory_space<semaphore_mem>>) {add = true}
      %dma_wait3A = arith.constant 0 : i32
      %dma_wait3A_234 = arith.constant 0 : i32
      %dma_wait3A_235 = tpu.memref_slice %arg7[%dma_wait3A, %dma_wait3A_234] : memref<5128x128xf32, #tpu.memory_space<vmem_shared>> -> memref<5128x128xf32, #tpu.memory_space<vmem_shared>>
      tpu.wait_indirect_dma semaphore(%arg14 : memref<!tpu.dma_semaphore, #tpu.memory_space<semaphore_mem>>) src(%arg9 : memref<128x128xf32, #tpu.memory_space<vmem>>) dst(%dma_wait3A_235 : memref<5128x128xf32, #tpu.memory_space<vmem_shared>>)
    }
    %while3A_39 = arith.constant 1 : i32
    scf.for %while3A_66 = %while3A_37 to %while3A_33 step %while3A_39  : i32 {
      %shift_left3A = arith.constant 7 : i32
      %shift_left3A_67 = arith.shli %while3A_66, %shift_left3A : i32
      %add3A_68 = arith.addi %sub3A_23, %shift_left3A_67 : i32
      %multiple_of3A_69 = tpu.assume_multiple %add3A_68, 8 : i32
      "tpu.region"() ({
        %run_scoped3A = tpu.sem_alloc : memref<!tpu.dma_semaphore, #tpu.memory_space<semaphore_mem>>
        %dma_start3A_236 = tpu.memref_slice %arg3[%multiple_of3A_69] : memref<10240xi32, #tpu.memory_space<hbm>> -> memref<128xi32, #tpu.memory_space<hbm>>
        %dma_start3A_237 = tpu.memref_slice %arg3[%multiple_of3A_69] : memref<10240xi32, #tpu.memory_space<hbm>> -> memref<128xi32, #tpu.memory_space<hbm>>
        tpu.enqueue_dma source(%dma_start3A_237 : memref<128xi32, #tpu.memory_space<hbm>>) target(%arg10 : memref<128xi32, #tpu.memory_space<vmem>>) target_semaphore(%run_scoped3A : memref<!tpu.dma_semaphore, #tpu.memory_space<semaphore_mem>>)
        %dma_wait3A_238 = tpu.memref_slice %arg3[%multiple_of3A_69] : memref<10240xi32, #tpu.memory_space<hbm>> -> memref<128xi32, #tpu.memory_space<hbm>>
        %dma_wait3A_239 = tpu.memref_slice %arg3[%multiple_of3A_69] : memref<10240xi32, #tpu.memory_space<hbm>> -> memref<128xi32, #tpu.memory_space<hbm>>
        tpu.wait_dma2 semaphore(%run_scoped3A : memref<!tpu.dma_semaphore, #tpu.memory_space<semaphore_mem>>) src(%dma_wait3A_239 : memref<128xi32, #tpu.memory_space<hbm>>) dst(%arg10 : memref<128xi32, #tpu.memory_space<vmem>>)
        tpu.yield
      }) : () -> ()
      "tpu.region"() ({
        %run_scoped3A = tpu.sem_alloc : memref<!tpu.dma_semaphore, #tpu.memory_space<semaphore_mem>>
        %dma_start3A_236 = arith.constant 0 : i32
        %dma_start3A_237 = tpu.memref_slice %arg2[%multiple_of3A_69, %dma_start3A_236] : memref<10240x128xf32, #tpu.memory_space<hbm>> -> memref<128x128xf32, #tpu.memory_space<hbm>>
        %dma_start3A_238 = arith.constant 0 : i32
        %dma_start3A_239 = tpu.memref_slice %arg2[%multiple_of3A_69, %dma_start3A_238] : memref<10240x128xf32, #tpu.memory_space<hbm>> -> memref<128x128xf32, #tpu.memory_space<hbm>>
        tpu.enqueue_dma source(%dma_start3A_239 : memref<128x128xf32, #tpu.memory_space<hbm>>) target(%arg9 : memref<128x128xf32, #tpu.memory_space<vmem>>) target_semaphore(%run_scoped3A : memref<!tpu.dma_semaphore, #tpu.memory_space<semaphore_mem>>)
        %dma_wait3A_240 = arith.constant 0 : i32
        %dma_wait3A_241 = tpu.memref_slice %arg2[%multiple_of3A_69, %dma_wait3A_240] : memref<10240x128xf32, #tpu.memory_space<hbm>> -> memref<128x128xf32, #tpu.memory_space<hbm>>
        %dma_wait3A_242 = arith.constant 0 : i32
        %dma_wait3A_243 = tpu.memref_slice %arg2[%multiple_of3A_69, %dma_wait3A_242] : memref<10240x128xf32, #tpu.memory_space<hbm>> -> memref<128x128xf32, #tpu.memory_space<hbm>>
        tpu.wait_dma2 semaphore(%run_scoped3A : memref<!tpu.dma_semaphore, #tpu.memory_space<semaphore_mem>>) src(%dma_wait3A_243 : memref<128x128xf32, #tpu.memory_space<hbm>>) dst(%arg9 : memref<128x128xf32, #tpu.memory_space<vmem>>)
        tpu.yield
      }) : () -> ()
      %add3A_70 = arith.constant 0 : i32
      %add3A_71 = arith.addi %multiple_of3A_69, %add3A_70 : i32
      %add3A_72 = vector.broadcast %add3A_71 : i32 to vector<16xi32>
      %add3A_73 = arith.addi %add3A_72, %iota3A : vector<16xi32>
      %ge3A = vector.broadcast %add3A_14 : i32 to vector<16xi32>
      %ge3A_74 = arith.cmpi sge, %add3A_73, %ge3A : vector<16xi32>
      %lt3A = vector.broadcast %add3A_21 : i32 to vector<16xi32>
      %lt3A_75 = arith.cmpi slt, %add3A_73, %lt3A : vector<16xi32>
      %and3A_76 = arith.andi %ge3A_74, %lt3A_75 : vector<16xi1>
      %get3A_77 = arith.constant 0 : index
      %get3A_78 = tpu.vector_load %arg10[%get3A_77] {strides = array<i32>} : memref<128xi32, #tpu.memory_space<vmem>>, vector<16xi32>,
      %get3A_79 = vector.shape_cast %get3A_78 : vector<16xi32> to vector<16xi32>
      %sub3A_80 = vector.broadcast %mul3A_30 : i32 to vector<16xi32>
      %sub3A_81 = arith.subi %get3A_79, %sub3A_80 : vector<16xi32>
      %jit3A = arith.constant 5120 : i32
      %broadcast_in_dim3A = vector.broadcast %jit3A : i32 to vector<16xi32>
      %select_n3A = arith.select %and3A_76, %sub3A_81, %broadcast_in_dim3A : vector<16xi1>, vector<16xi32>
      %swap3A = arith.constant 0 : index
      %swap3A_82 = tpu.vector_load %arg11[%swap3A] {strides = array<i32>} : memref<128xi32, #tpu.memory_space<vmem>>, vector<16xi32>,
      %swap3A_83 = vector.shape_cast %swap3A_82 : vector<16xi32> to vector<16xi32>
      %swap3A_84 = vector.shape_cast %select_n3A : vector<16xi32> to vector<16xi32>
      tpu.vector_store %arg11[%swap3A], %swap3A_84 {strides = array<i32>} : memref<128xi32, #tpu.memory_space<vmem>>, vector<16xi32>,
      %add3A_85 = arith.constant 16 : i32
      %add3A_86 = arith.addi %multiple_of3A_69, %add3A_85 : i32
      %add3A_87 = vector.broadcast %add3A_86 : i32 to vector<16xi32>
      %add3A_88 = arith.addi %add3A_87, %iota3A : vector<16xi32>
      %ge3A_89 = vector.broadcast %add3A_14 : i32 to vector<16xi32>
      %ge3A_90 = arith.cmpi sge, %add3A_88, %ge3A_89 : vector<16xi32>
      %lt3A_91 = vector.broadcast %add3A_21 : i32 to vector<16xi32>
      %lt3A_92 = arith.cmpi slt, %add3A_88, %lt3A_91 : vector<16xi32>
      %and3A_93 = arith.andi %ge3A_90, %lt3A_92 : vector<16xi1>
      %get3A_94 = arith.constant 16 : index
      %get3A_95 = tpu.vector_load %arg10[%get3A_94] {strides = array<i32>} : memref<128xi32, #tpu.memory_space<vmem>>, vector<16xi32>,
      %get3A_96 = vector.shape_cast %get3A_95 : vector<16xi32> to vector<16xi32>
      %sub3A_97 = vector.broadcast %mul3A_30 : i32 to vector<16xi32>
      %sub3A_98 = arith.subi %get3A_96, %sub3A_97 : vector<16xi32>
      %jit3A_99 = arith.constant 5120 : i32
      %broadcast_in_dim3A_100 = vector.broadcast %jit3A_99 : i32 to vector<16xi32>
      %select_n3A_101 = arith.select %and3A_93, %sub3A_98, %broadcast_in_dim3A_100 : vector<16xi1>, vector<16xi32>
      %swap3A_102 = arith.constant 16 : index
      %swap3A_103 = tpu.vector_load %arg11[%swap3A_102] {strides = array<i32>} : memref<128xi32, #tpu.memory_space<vmem>>, vector<16xi32>,
      %swap3A_104 = vector.shape_cast %swap3A_103 : vector<16xi32> to vector<16xi32>
      %swap3A_105 = vector.shape_cast %select_n3A_101 : vector<16xi32> to vector<16xi32>
      tpu.vector_store %arg11[%swap3A_102], %swap3A_105 {strides = array<i32>} : memref<128xi32, #tpu.memory_space<vmem>>, vector<16xi32>,
      %add3A_106 = arith.constant 32 : i32
      %add3A_107 = arith.addi %multiple_of3A_69, %add3A_106 : i32
      %add3A_108 = vector.broadcast %add3A_107 : i32 to vector<16xi32>
      %add3A_109 = arith.addi %add3A_108, %iota3A : vector<16xi32>
      %ge3A_110 = vector.broadcast %add3A_14 : i32 to vector<16xi32>
      %ge3A_111 = arith.cmpi sge, %add3A_109, %ge3A_110 : vector<16xi32>
      %lt3A_112 = vector.broadcast %add3A_21 : i32 to vector<16xi32>
      %lt3A_113 = arith.cmpi slt, %add3A_109, %lt3A_112 : vector<16xi32>
      %and3A_114 = arith.andi %ge3A_111, %lt3A_113 : vector<16xi1>
      %get3A_115 = arith.constant 32 : index
      %get3A_116 = tpu.vector_load %arg10[%get3A_115] {strides = array<i32>} : memref<128xi32, #tpu.memory_space<vmem>>, vector<16xi32>,
      %get3A_117 = vector.shape_cast %get3A_116 : vector<16xi32> to vector<16xi32>
      %sub3A_118 = vector.broadcast %mul3A_30 : i32 to vector<16xi32>
      %sub3A_119 = arith.subi %get3A_117, %sub3A_118 : vector<16xi32>
      %jit3A_120 = arith.constant 5120 : i32
      %broadcast_in_dim3A_121 = vector.broadcast %jit3A_120 : i32 to vector<16xi32>
      %select_n3A_122 = arith.select %and3A_114, %sub3A_119, %broadcast_in_dim3A_121 : vector<16xi1>, vector<16xi32>
      %swap3A_123 = arith.constant 32 : index
      %swap3A_124 = tpu.vector_load %arg11[%swap3A_123] {strides = array<i32>} : memref<128xi32, #tpu.memory_space<vmem>>, vector<16xi32>,
      %swap3A_125 = vector.shape_cast %swap3A_124 : vector<16xi32> to vector<16xi32>
      %swap3A_126 = vector.shape_cast %select_n3A_122 : vector<16xi32> to vector<16xi32>
      tpu.vector_store %arg11[%swap3A_123], %swap3A_126 {strides = array<i32>} : memref<128xi32, #tpu.memory_space<vmem>>, vector<16xi32>,
      %add3A_127 = arith.constant 48 : i32
      %add3A_128 = arith.addi %multiple_of3A_69, %add3A_127 : i32
      %add3A_129 = vector.broadcast %add3A_128 : i32 to vector<16xi32>
      %add3A_130 = arith.addi %add3A_129, %iota3A : vector<16xi32>
      %ge3A_131 = vector.broadcast %add3A_14 : i32 to vector<16xi32>
      %ge3A_132 = arith.cmpi sge, %add3A_130, %ge3A_131 : vector<16xi32>
      %lt3A_133 = vector.broadcast %add3A_21 : i32 to vector<16xi32>
      %lt3A_134 = arith.cmpi slt, %add3A_130, %lt3A_133 : vector<16xi32>
      %and3A_135 = arith.andi %ge3A_132, %lt3A_134 : vector<16xi1>
      %get3A_136 = arith.constant 48 : index
      %get3A_137 = tpu.vector_load %arg10[%get3A_136] {strides = array<i32>} : memref<128xi32, #tpu.memory_space<vmem>>, vector<16xi32>,
      %get3A_138 = vector.shape_cast %get3A_137 : vector<16xi32> to vector<16xi32>
      %sub3A_139 = vector.broadcast %mul3A_30 : i32 to vector<16xi32>
      %sub3A_140 = arith.subi %get3A_138, %sub3A_139 : vector<16xi32>
      %jit3A_141 = arith.constant 5120 : i32
      %broadcast_in_dim3A_142 = vector.broadcast %jit3A_141 : i32 to vector<16xi32>
      %select_n3A_143 = arith.select %and3A_135, %sub3A_140, %broadcast_in_dim3A_142 : vector<16xi1>, vector<16xi32>
      %swap3A_144 = arith.constant 48 : index
      %swap3A_145 = tpu.vector_load %arg11[%swap3A_144] {strides = array<i32>} : memref<128xi32, #tpu.memory_space<vmem>>, vector<16xi32>,
      %swap3A_146 = vector.shape_cast %swap3A_145 : vector<16xi32> to vector<16xi32>
      %swap3A_147 = vector.shape_cast %select_n3A_143 : vector<16xi32> to vector<16xi32>
      tpu.vector_store %arg11[%swap3A_144], %swap3A_147 {strides = array<i32>} : memref<128xi32, #tpu.memory_space<vmem>>, vector<16xi32>,
      %add3A_148 = arith.constant 64 : i32
      %add3A_149 = arith.addi %multiple_of3A_69, %add3A_148 : i32
      %add3A_150 = vector.broadcast %add3A_149 : i32 to vector<16xi32>
      %add3A_151 = arith.addi %add3A_150, %iota3A : vector<16xi32>
      %ge3A_152 = vector.broadcast %add3A_14 : i32 to vector<16xi32>
      %ge3A_153 = arith.cmpi sge, %add3A_151, %ge3A_152 : vector<16xi32>
      %lt3A_154 = vector.broadcast %add3A_21 : i32 to vector<16xi32>
      %lt3A_155 = arith.cmpi slt, %add3A_151, %lt3A_154 : vector<16xi32>
      %and3A_156 = arith.andi %ge3A_153, %lt3A_155 : vector<16xi1>
      %get3A_157 = arith.constant 64 : index
      %get3A_158 = tpu.vector_load %arg10[%get3A_157] {strides = array<i32>} : memref<128xi32, #tpu.memory_space<vmem>>, vector<16xi32>,
      %get3A_159 = vector.shape_cast %get3A_158 : vector<16xi32> to vector<16xi32>
      %sub3A_160 = vector.broadcast %mul3A_30 : i32 to vector<16xi32>
      %sub3A_161 = arith.subi %get3A_159, %sub3A_160 : vector<16xi32>
      %jit3A_162 = arith.constant 5120 : i32
      %broadcast_in_dim3A_163 = vector.broadcast %jit3A_162 : i32 to vector<16xi32>
      %select_n3A_164 = arith.select %and3A_156, %sub3A_161, %broadcast_in_dim3A_163 : vector<16xi1>, vector<16xi32>
      %swap3A_165 = arith.constant 64 : index
      %swap3A_166 = tpu.vector_load %arg11[%swap3A_165] {strides = array<i32>} : memref<128xi32, #tpu.memory_space<vmem>>, vector<16xi32>,
      %swap3A_167 = vector.shape_cast %swap3A_166 : vector<16xi32> to vector<16xi32>
      %swap3A_168 = vector.shape_cast %select_n3A_164 : vector<16xi32> to vector<16xi32>
      tpu.vector_store %arg11[%swap3A_165], %swap3A_168 {strides = array<i32>} : memref<128xi32, #tpu.memory_space<vmem>>, vector<16xi32>,
      %add3A_169 = arith.constant 80 : i32
      %add3A_170 = arith.addi %multiple_of3A_69, %add3A_169 : i32
      %add3A_171 = vector.broadcast %add3A_170 : i32 to vector<16xi32>
      %add3A_172 = arith.addi %add3A_171, %iota3A : vector<16xi32>
      %ge3A_173 = vector.broadcast %add3A_14 : i32 to vector<16xi32>
      %ge3A_174 = arith.cmpi sge, %add3A_172, %ge3A_173 : vector<16xi32>
      %lt3A_175 = vector.broadcast %add3A_21 : i32 to vector<16xi32>
      %lt3A_176 = arith.cmpi slt, %add3A_172, %lt3A_175 : vector<16xi32>
      %and3A_177 = arith.andi %ge3A_174, %lt3A_176 : vector<16xi1>
      %get3A_178 = arith.constant 80 : index
      %get3A_179 = tpu.vector_load %arg10[%get3A_178] {strides = array<i32>} : memref<128xi32, #tpu.memory_space<vmem>>, vector<16xi32>,
      %get3A_180 = vector.shape_cast %get3A_179 : vector<16xi32> to vector<16xi32>
      %sub3A_181 = vector.broadcast %mul3A_30 : i32 to vector<16xi32>
      %sub3A_182 = arith.subi %get3A_180, %sub3A_181 : vector<16xi32>
      %jit3A_183 = arith.constant 5120 : i32
      %broadcast_in_dim3A_184 = vector.broadcast %jit3A_183 : i32 to vector<16xi32>
      %select_n3A_185 = arith.select %and3A_177, %sub3A_182, %broadcast_in_dim3A_184 : vector<16xi1>, vector<16xi32>
      %swap3A_186 = arith.constant 80 : index
      %swap3A_187 = tpu.vector_load %arg11[%swap3A_186] {strides = array<i32>} : memref<128xi32, #tpu.memory_space<vmem>>, vector<16xi32>,
      %swap3A_188 = vector.shape_cast %swap3A_187 : vector<16xi32> to vector<16xi32>
      %swap3A_189 = vector.shape_cast %select_n3A_185 : vector<16xi32> to vector<16xi32>
      tpu.vector_store %arg11[%swap3A_186], %swap3A_189 {strides = array<i32>} : memref<128xi32, #tpu.memory_space<vmem>>, vector<16xi32>,
      %add3A_190 = arith.constant 96 : i32
      %add3A_191 = arith.addi %multiple_of3A_69, %add3A_190 : i32
      %add3A_192 = vector.broadcast %add3A_191 : i32 to vector<16xi32>
      %add3A_193 = arith.addi %add3A_192, %iota3A : vector<16xi32>
      %ge3A_194 = vector.broadcast %add3A_14 : i32 to vector<16xi32>
      %ge3A_195 = arith.cmpi sge, %add3A_193, %ge3A_194 : vector<16xi32>
      %lt3A_196 = vector.broadcast %add3A_21 : i32 to vector<16xi32>
      %lt3A_197 = arith.cmpi slt, %add3A_193, %lt3A_196 : vector<16xi32>
      %and3A_198 = arith.andi %ge3A_195, %lt3A_197 : vector<16xi1>
      %get3A_199 = arith.constant 96 : index
      %get3A_200 = tpu.vector_load %arg10[%get3A_199] {strides = array<i32>} : memref<128xi32, #tpu.memory_space<vmem>>, vector<16xi32>,
      %get3A_201 = vector.shape_cast %get3A_200 : vector<16xi32> to vector<16xi32>
      %sub3A_202 = vector.broadcast %mul3A_30 : i32 to vector<16xi32>
      %sub3A_203 = arith.subi %get3A_201, %sub3A_202 : vector<16xi32>
      %jit3A_204 = arith.constant 5120 : i32
      %broadcast_in_dim3A_205 = vector.broadcast %jit3A_204 : i32 to vector<16xi32>
      %select_n3A_206 = arith.select %and3A_198, %sub3A_203, %broadcast_in_dim3A_205 : vector<16xi1>, vector<16xi32>
      %swap3A_207 = arith.constant 96 : index
      %swap3A_208 = tpu.vector_load %arg11[%swap3A_207] {strides = array<i32>} : memref<128xi32, #tpu.memory_space<vmem>>, vector<16xi32>,
      %swap3A_209 = vector.shape_cast %swap3A_208 : vector<16xi32> to vector<16xi32>
      %swap3A_210 = vector.shape_cast %select_n3A_206 : vector<16xi32> to vector<16xi32>
      tpu.vector_store %arg11[%swap3A_207], %swap3A_210 {strides = array<i32>} : memref<128xi32, #tpu.memory_space<vmem>>, vector<16xi32>,
      %add3A_211 = arith.constant 112 : i32
      %add3A_212 = arith.addi %multiple_of3A_69, %add3A_211 : i32
      %add3A_213 = vector.broadcast %add3A_212 : i32 to vector<16xi32>
      %add3A_214 = arith.addi %add3A_213, %iota3A : vector<16xi32>
      %ge3A_215 = vector.broadcast %add3A_14 : i32 to vector<16xi32>
      %ge3A_216 = arith.cmpi sge, %add3A_214, %ge3A_215 : vector<16xi32>
      %lt3A_217 = vector.broadcast %add3A_21 : i32 to vector<16xi32>
      %lt3A_218 = arith.cmpi slt, %add3A_214, %lt3A_217 : vector<16xi32>
      %and3A_219 = arith.andi %ge3A_216, %lt3A_218 : vector<16xi1>
      %get3A_220 = arith.constant 112 : index
      %get3A_221 = tpu.vector_load %arg10[%get3A_220] {strides = array<i32>} : memref<128xi32, #tpu.memory_space<vmem>>, vector<16xi32>,
      %get3A_222 = vector.shape_cast %get3A_221 : vector<16xi32> to vector<16xi32>
      %sub3A_223 = vector.broadcast %mul3A_30 : i32 to vector<16xi32>
      %sub3A_224 = arith.subi %get3A_222, %sub3A_223 : vector<16xi32>
      %jit3A_225 = arith.constant 5120 : i32
      %broadcast_in_dim3A_226 = vector.broadcast %jit3A_225 : i32 to vector<16xi32>
      %select_n3A_227 = arith.select %and3A_219, %sub3A_224, %broadcast_in_dim3A_226 : vector<16xi1>, vector<16xi32>
      %swap3A_228 = arith.constant 112 : index
      %swap3A_229 = tpu.vector_load %arg11[%swap3A_228] {strides = array<i32>} : memref<128xi32, #tpu.memory_space<vmem>>, vector<16xi32>,
      %swap3A_230 = vector.shape_cast %swap3A_229 : vector<16xi32> to vector<16xi32>
      %swap3A_231 = vector.shape_cast %select_n3A_227 : vector<16xi32> to vector<16xi32>
      tpu.vector_store %arg11[%swap3A_228], %swap3A_231 {strides = array<i32>} : memref<128xi32, #tpu.memory_space<vmem>>, vector<16xi32>,
      %dma_start3A = arith.constant 0 : i32
      %dma_start3A_232 = arith.constant 0 : i32
      %dma_start3A_233 = tpu.memref_slice %arg7[%dma_start3A, %dma_start3A_232] : memref<5128x128xf32, #tpu.memory_space<vmem_shared>> -> memref<5128x128xf32, #tpu.memory_space<vmem_shared>>
      tpu.enqueue_indirect_dma source(%arg9 : memref<128x128xf32, #tpu.memory_space<vmem>>) target(%dma_start3A_233 : memref<5128x128xf32, #tpu.memory_space<vmem_shared>>) offsets(%arg11 : memref<128xi32, #tpu.memory_space<vmem>>) semaphore(%arg14 : memref<!tpu.dma_semaphore, #tpu.memory_space<semaphore_mem>>) {add = true}
      %dma_wait3A = arith.constant 0 : i32
      %dma_wait3A_234 = arith.constant 0 : i32
      %dma_wait3A_235 = tpu.memref_slice %arg7[%dma_wait3A, %dma_wait3A_234] : memref<5128x128xf32, #tpu.memory_space<vmem_shared>> -> memref<5128x128xf32, #tpu.memory_space<vmem_shared>>
      tpu.wait_indirect_dma semaphore(%arg14 : memref<!tpu.dma_semaphore, #tpu.memory_space<semaphore_mem>>) src(%arg9 : memref<128x128xf32, #tpu.memory_space<vmem>>) dst(%dma_wait3A_235 : memref<5128x128xf32, #tpu.memory_space<vmem_shared>>)
    }
    %barrier3A_40 = arith.constant 0 : index
    tpu.barrier barrier_id(%barrier3A_40)
    %add3A_41 = arith.constant 0 : i32
    %add3A_42 = arith.addi %mul3A_2, %add3A_41 : i32
    "tpu.region"() ({
      %run_scoped3A = tpu.sem_alloc : memref<!tpu.dma_semaphore, #tpu.memory_space<semaphore_mem>>
      %dma_start3A = arith.constant 0 : i32
      %dma_start3A_66 = tpu.memref_slice %arg7[%add3A_42, %dma_start3A] : memref<5128x128xf32, #tpu.memory_space<vmem_shared>> -> memref<64x128xf32, #tpu.memory_space<vmem_shared>>
      %dma_start3A_67 = arith.constant 0 : i32
      %dma_start3A_68 = tpu.memref_slice %arg7[%add3A_42, %dma_start3A_67] : memref<5128x128xf32, #tpu.memory_space<vmem_shared>> -> memref<64x128xf32, #tpu.memory_space<vmem_shared>>
      tpu.enqueue_dma source(%dma_start3A_68 : memref<64x128xf32, #tpu.memory_space<vmem_shared>>) target(%arg13 : memref<64x128xf32, #tpu.memory_space<vmem>>) target_semaphore(%run_scoped3A : memref<!tpu.dma_semaphore, #tpu.memory_space<semaphore_mem>>)
      %dma_wait3A = arith.constant 0 : i32
      %dma_wait3A_69 = tpu.memref_slice %arg7[%add3A_42, %dma_wait3A] : memref<5128x128xf32, #tpu.memory_space<vmem_shared>> -> memref<64x128xf32, #tpu.memory_space<vmem_shared>>
      %dma_wait3A_70 = arith.constant 0 : i32
      %dma_wait3A_71 = tpu.memref_slice %arg7[%add3A_42, %dma_wait3A_70] : memref<5128x128xf32, #tpu.memory_space<vmem_shared>> -> memref<64x128xf32, #tpu.memory_space<vmem_shared>>
      tpu.wait_dma2 semaphore(%run_scoped3A : memref<!tpu.dma_semaphore, #tpu.memory_space<semaphore_mem>>) src(%dma_wait3A_71 : memref<64x128xf32, #tpu.memory_space<vmem_shared>>) dst(%arg13 : memref<64x128xf32, #tpu.memory_space<vmem>>)
      tpu.yield
    }) : () -> ()
    %add3A_43 = arith.addi %mul3A_30, %mul3A_2 : i32
    %add3A_44 = arith.constant 0 : i32
    %add3A_45 = arith.addi %add3A_43, %add3A_44 : i32
    "tpu.region"() ({
      %run_scoped3A = tpu.sem_alloc : memref<!tpu.dma_semaphore, #tpu.memory_space<semaphore_mem>>
      %dma_start3A = arith.constant 0 : i32
      %dma_start3A_66 = tpu.memref_slice %arg6[%add3A_45, %dma_start3A] : memref<10240x128xf32, #tpu.memory_space<hbm>> -> memref<64x128xf32, #tpu.memory_space<hbm>>
      %dma_start3A_67 = arith.constant 0 : i32
      %dma_start3A_68 = tpu.memref_slice %arg6[%add3A_45, %dma_start3A_67] : memref<10240x128xf32, #tpu.memory_space<hbm>> -> memref<64x128xf32, #tpu.memory_space<hbm>>
      tpu.enqueue_dma source(%arg13 : memref<64x128xf32, #tpu.memory_space<vmem>>) target(%dma_start3A_68 : memref<64x128xf32, #tpu.memory_space<hbm>>) target_semaphore(%run_scoped3A : memref<!tpu.dma_semaphore, #tpu.memory_space<semaphore_mem>>)
      %dma_wait3A = arith.constant 0 : i32
      %dma_wait3A_69 = tpu.memref_slice %arg6[%add3A_45, %dma_wait3A] : memref<10240x128xf32, #tpu.memory_space<hbm>> -> memref<64x128xf32, #tpu.memory_space<hbm>>
      %dma_wait3A_70 = arith.constant 0 : i32
      %dma_wait3A_71 = tpu.memref_slice %arg6[%add3A_45, %dma_wait3A_70] : memref<10240x128xf32, #tpu.memory_space<hbm>> -> memref<64x128xf32, #tpu.memory_space<hbm>>
      tpu.wait_dma2 semaphore(%run_scoped3A : memref<!tpu.dma_semaphore, #tpu.memory_space<semaphore_mem>>) src(%arg13 : memref<64x128xf32, #tpu.memory_space<vmem>>) dst(%dma_wait3A_71 : memref<64x128xf32, #tpu.memory_space<hbm>>)
      tpu.yield
    }) : () -> ()
    %add3A_46 = arith.constant 64 : i32
    %add3A_47 = arith.addi %mul3A_2, %add3A_46 : i32
    "tpu.region"() ({
      %run_scoped3A = tpu.sem_alloc : memref<!tpu.dma_semaphore, #tpu.memory_space<semaphore_mem>>
      %dma_start3A = arith.constant 0 : i32
      %dma_start3A_66 = tpu.memref_slice %arg7[%add3A_47, %dma_start3A] : memref<5128x128xf32, #tpu.memory_space<vmem_shared>> -> memref<64x128xf32, #tpu.memory_space<vmem_shared>>
      %dma_start3A_67 = arith.constant 0 : i32
      %dma_start3A_68 = tpu.memref_slice %arg7[%add3A_47, %dma_start3A_67] : memref<5128x128xf32, #tpu.memory_space<vmem_shared>> -> memref<64x128xf32, #tpu.memory_space<vmem_shared>>
      tpu.enqueue_dma source(%dma_start3A_68 : memref<64x128xf32, #tpu.memory_space<vmem_shared>>) target(%arg13 : memref<64x128xf32, #tpu.memory_space<vmem>>) target_semaphore(%run_scoped3A : memref<!tpu.dma_semaphore, #tpu.memory_space<semaphore_mem>>)
      %dma_wait3A = arith.constant 0 : i32
      %dma_wait3A_69 = tpu.memref_slice %arg7[%add3A_47, %dma_wait3A] : memref<5128x128xf32, #tpu.memory_space<vmem_shared>> -> memref<64x128xf32, #tpu.memory_space<vmem_shared>>
      %dma_wait3A_70 = arith.constant 0 : i32
      %dma_wait3A_71 = tpu.memref_slice %arg7[%add3A_47, %dma_wait3A_70] : memref<5128x128xf32, #tpu.memory_space<vmem_shared>> -> memref<64x128xf32, #tpu.memory_space<vmem_shared>>
      tpu.wait_dma2 semaphore(%run_scoped3A : memref<!tpu.dma_semaphore, #tpu.memory_space<semaphore_mem>>) src(%dma_wait3A_71 : memref<64x128xf32, #tpu.memory_space<vmem_shared>>) dst(%arg13 : memref<64x128xf32, #tpu.memory_space<vmem>>)
      tpu.yield
    }) : () -> ()
    %add3A_48 = arith.addi %mul3A_30, %mul3A_2 : i32
    %add3A_49 = arith.constant 64 : i32
    %add3A_50 = arith.addi %add3A_48, %add3A_49 : i32
    "tpu.region"() ({
      %run_scoped3A = tpu.sem_alloc : memref<!tpu.dma_semaphore, #tpu.memory_space<semaphore_mem>>
      %dma_start3A = arith.constant 0 : i32
      %dma_start3A_66 = tpu.memref_slice %arg6[%add3A_50, %dma_start3A] : memref<10240x128xf32, #tpu.memory_space<hbm>> -> memref<64x128xf32, #tpu.memory_space<hbm>>
      %dma_start3A_67 = arith.constant 0 : i32
      %dma_start3A_68 = tpu.memref_slice %arg6[%add3A_50, %dma_start3A_67] : memref<10240x128xf32, #tpu.memory_space<hbm>> -> memref<64x128xf32, #tpu.memory_space<hbm>>
      tpu.enqueue_dma source(%arg13 : memref<64x128xf32, #tpu.memory_space<vmem>>) target(%dma_start3A_68 : memref<64x128xf32, #tpu.memory_space<hbm>>) target_semaphore(%run_scoped3A : memref<!tpu.dma_semaphore, #tpu.memory_space<semaphore_mem>>)
      %dma_wait3A = arith.constant 0 : i32
      %dma_wait3A_69 = tpu.memref_slice %arg6[%add3A_50, %dma_wait3A] : memref<10240x128xf32, #tpu.memory_space<hbm>> -> memref<64x128xf32, #tpu.memory_space<hbm>>
      %dma_wait3A_70 = arith.constant 0 : i32
      %dma_wait3A_71 = tpu.memref_slice %arg6[%add3A_50, %dma_wait3A_70] : memref<10240x128xf32, #tpu.memory_space<hbm>> -> memref<64x128xf32, #tpu.memory_space<hbm>>
      tpu.wait_dma2 semaphore(%run_scoped3A : memref<!tpu.dma_semaphore, #tpu.memory_space<semaphore_mem>>) src(%arg13 : memref<64x128xf32, #tpu.memory_space<vmem>>) dst(%dma_wait3A_71 : memref<64x128xf32, #tpu.memory_space<hbm>>)
      tpu.yield
    }) : () -> ()
    %add3A_51 = arith.constant 128 : i32
    %add3A_52 = arith.addi %mul3A_2, %add3A_51 : i32
    "tpu.region"() ({
      %run_scoped3A = tpu.sem_alloc : memref<!tpu.dma_semaphore, #tpu.memory_space<semaphore_mem>>
      %dma_start3A = arith.constant 0 : i32
      %dma_start3A_66 = tpu.memref_slice %arg7[%add3A_52, %dma_start3A] : memref<5128x128xf32, #tpu.memory_space<vmem_shared>> -> memref<64x128xf32, #tpu.memory_space<vmem_shared>>
      %dma_start3A_67 = arith.constant 0 : i32
      %dma_start3A_68 = tpu.memref_slice %arg7[%add3A_52, %dma_start3A_67] : memref<5128x128xf32, #tpu.memory_space<vmem_shared>> -> memref<64x128xf32, #tpu.memory_space<vmem_shared>>
      tpu.enqueue_dma source(%dma_start3A_68 : memref<64x128xf32, #tpu.memory_space<vmem_shared>>) target(%arg13 : memref<64x128xf32, #tpu.memory_space<vmem>>) target_semaphore(%run_scoped3A : memref<!tpu.dma_semaphore, #tpu.memory_space<semaphore_mem>>)
      %dma_wait3A = arith.constant 0 : i32
      %dma_wait3A_69 = tpu.memref_slice %arg7[%add3A_52, %dma_wait3A] : memref<5128x128xf32, #tpu.memory_space<vmem_shared>> -> memref<64x128xf32, #tpu.memory_space<vmem_shared>>
      %dma_wait3A_70 = arith.constant 0 : i32
      %dma_wait3A_71 = tpu.memref_slice %arg7[%add3A_52, %dma_wait3A_70] : memref<5128x128xf32, #tpu.memory_space<vmem_shared>> -> memref<64x128xf32, #tpu.memory_space<vmem_shared>>
      tpu.wait_dma2 semaphore(%run_scoped3A : memref<!tpu.dma_semaphore, #tpu.memory_space<semaphore_mem>>) src(%dma_wait3A_71 : memref<64x128xf32, #tpu.memory_space<vmem_shared>>) dst(%arg13 : memref<64x128xf32, #tpu.memory_space<vmem>>)
      tpu.yield
    }) : () -> ()
    %add3A_53 = arith.addi %mul3A_30, %mul3A_2 : i32
    %add3A_54 = arith.constant 128 : i32
    %add3A_55 = arith.addi %add3A_53, %add3A_54 : i32
    "tpu.region"() ({
      %run_scoped3A = tpu.sem_alloc : memref<!tpu.dma_semaphore, #tpu.memory_space<semaphore_mem>>
      %dma_start3A = arith.constant 0 : i32
      %dma_start3A_66 = tpu.memref_slice %arg6[%add3A_55, %dma_start3A] : memref<10240x128xf32, #tpu.memory_space<hbm>> -> memref<64x128xf32, #tpu.memory_space<hbm>>
      %dma_start3A_67 = arith.constant 0 : i32
      %dma_start3A_68 = tpu.memref_slice %arg6[%add3A_55, %dma_start3A_67] : memref<10240x128xf32, #tpu.memory_space<hbm>> -> memref<64x128xf32, #tpu.memory_space<hbm>>
      tpu.enqueue_dma source(%arg13 : memref<64x128xf32, #tpu.memory_space<vmem>>) target(%dma_start3A_68 : memref<64x128xf32, #tpu.memory_space<hbm>>) target_semaphore(%run_scoped3A : memref<!tpu.dma_semaphore, #tpu.memory_space<semaphore_mem>>)
      %dma_wait3A = arith.constant 0 : i32
      %dma_wait3A_69 = tpu.memref_slice %arg6[%add3A_55, %dma_wait3A] : memref<10240x128xf32, #tpu.memory_space<hbm>> -> memref<64x128xf32, #tpu.memory_space<hbm>>
      %dma_wait3A_70 = arith.constant 0 : i32
      %dma_wait3A_71 = tpu.memref_slice %arg6[%add3A_55, %dma_wait3A_70] : memref<10240x128xf32, #tpu.memory_space<hbm>> -> memref<64x128xf32, #tpu.memory_space<hbm>>
      tpu.wait_dma2 semaphore(%run_scoped3A : memref<!tpu.dma_semaphore, #tpu.memory_space<semaphore_mem>>) src(%arg13 : memref<64x128xf32, #tpu.memory_space<vmem>>) dst(%dma_wait3A_71 : memref<64x128xf32, #tpu.memory_space<hbm>>)
      tpu.yield
    }) : () -> ()
    %add3A_56 = arith.constant 192 : i32
    %add3A_57 = arith.addi %mul3A_2, %add3A_56 : i32
    "tpu.region"() ({
      %run_scoped3A = tpu.sem_alloc : memref<!tpu.dma_semaphore, #tpu.memory_space<semaphore_mem>>
      %dma_start3A = arith.constant 0 : i32
      %dma_start3A_66 = tpu.memref_slice %arg7[%add3A_57, %dma_start3A] : memref<5128x128xf32, #tpu.memory_space<vmem_shared>> -> memref<64x128xf32, #tpu.memory_space<vmem_shared>>
      %dma_start3A_67 = arith.constant 0 : i32
      %dma_start3A_68 = tpu.memref_slice %arg7[%add3A_57, %dma_start3A_67] : memref<5128x128xf32, #tpu.memory_space<vmem_shared>> -> memref<64x128xf32, #tpu.memory_space<vmem_shared>>
      tpu.enqueue_dma source(%dma_start3A_68 : memref<64x128xf32, #tpu.memory_space<vmem_shared>>) target(%arg13 : memref<64x128xf32, #tpu.memory_space<vmem>>) target_semaphore(%run_scoped3A : memref<!tpu.dma_semaphore, #tpu.memory_space<semaphore_mem>>)
      %dma_wait3A = arith.constant 0 : i32
      %dma_wait3A_69 = tpu.memref_slice %arg7[%add3A_57, %dma_wait3A] : memref<5128x128xf32, #tpu.memory_space<vmem_shared>> -> memref<64x128xf32, #tpu.memory_space<vmem_shared>>
      %dma_wait3A_70 = arith.constant 0 : i32
      %dma_wait3A_71 = tpu.memref_slice %arg7[%add3A_57, %dma_wait3A_70] : memref<5128x128xf32, #tpu.memory_space<vmem_shared>> -> memref<64x128xf32, #tpu.memory_space<vmem_shared>>
      tpu.wait_dma2 semaphore(%run_scoped3A : memref<!tpu.dma_semaphore, #tpu.memory_space<semaphore_mem>>) src(%dma_wait3A_71 : memref<64x128xf32, #tpu.memory_space<vmem_shared>>) dst(%arg13 : memref<64x128xf32, #tpu.memory_space<vmem>>)
      tpu.yield
    }) : () -> ()
    %add3A_58 = arith.addi %mul3A_30, %mul3A_2 : i32
    %add3A_59 = arith.constant 192 : i32
    %add3A_60 = arith.addi %add3A_58, %add3A_59 : i32
    "tpu.region"() ({
      %run_scoped3A = tpu.sem_alloc : memref<!tpu.dma_semaphore, #tpu.memory_space<semaphore_mem>>
      %dma_start3A = arith.constant 0 : i32
      %dma_start3A_66 = tpu.memref_slice %arg6[%add3A_60, %dma_start3A] : memref<10240x128xf32, #tpu.memory_space<hbm>> -> memref<64x128xf32, #tpu.memory_space<hbm>>
      %dma_start3A_67 = arith.constant 0 : i32
      %dma_start3A_68 = tpu.memref_slice %arg6[%add3A_60, %dma_start3A_67] : memref<10240x128xf32, #tpu.memory_space<hbm>> -> memref<64x128xf32, #tpu.memory_space<hbm>>
      tpu.enqueue_dma source(%arg13 : memref<64x128xf32, #tpu.memory_space<vmem>>) target(%dma_start3A_68 : memref<64x128xf32, #tpu.memory_space<hbm>>) target_semaphore(%run_scoped3A : memref<!tpu.dma_semaphore, #tpu.memory_space<semaphore_mem>>)
      %dma_wait3A = arith.constant 0 : i32
      %dma_wait3A_69 = tpu.memref_slice %arg6[%add3A_60, %dma_wait3A] : memref<10240x128xf32, #tpu.memory_space<hbm>> -> memref<64x128xf32, #tpu.memory_space<hbm>>
      %dma_wait3A_70 = arith.constant 0 : i32
      %dma_wait3A_71 = tpu.memref_slice %arg6[%add3A_60, %dma_wait3A_70] : memref<10240x128xf32, #tpu.memory_space<hbm>> -> memref<64x128xf32, #tpu.memory_space<hbm>>
      tpu.wait_dma2 semaphore(%run_scoped3A : memref<!tpu.dma_semaphore, #tpu.memory_space<semaphore_mem>>) src(%arg13 : memref<64x128xf32, #tpu.memory_space<vmem>>) dst(%dma_wait3A_71 : memref<64x128xf32, #tpu.memory_space<hbm>>)
      tpu.yield
    }) : () -> ()
    %add3A_61 = arith.constant 256 : i32
    %add3A_62 = arith.addi %mul3A_2, %add3A_61 : i32
    "tpu.region"() ({
      %run_scoped3A = tpu.sem_alloc : memref<!tpu.dma_semaphore, #tpu.memory_space<semaphore_mem>>
      %dma_start3A = arith.constant 0 : i32
      %dma_start3A_66 = tpu.memref_slice %arg7[%add3A_62, %dma_start3A] : memref<5128x128xf32, #tpu.memory_space<vmem_shared>> -> memref<64x128xf32, #tpu.memory_space<vmem_shared>>
      %dma_start3A_67 = arith.constant 0 : i32
      %dma_start3A_68 = tpu.memref_slice %arg7[%add3A_62, %dma_start3A_67] : memref<5128x128xf32, #tpu.memory_space<vmem_shared>> -> memref<64x128xf32, #tpu.memory_space<vmem_shared>>
      tpu.enqueue_dma source(%dma_start3A_68 : memref<64x128xf32, #tpu.memory_space<vmem_shared>>) target(%arg13 : memref<64x128xf32, #tpu.memory_space<vmem>>) target_semaphore(%run_scoped3A : memref<!tpu.dma_semaphore, #tpu.memory_space<semaphore_mem>>)
      %dma_wait3A = arith.constant 0 : i32
      %dma_wait3A_69 = tpu.memref_slice %arg7[%add3A_62, %dma_wait3A] : memref<5128x128xf32, #tpu.memory_space<vmem_shared>> -> memref<64x128xf32, #tpu.memory_space<vmem_shared>>
      %dma_wait3A_70 = arith.constant 0 : i32
      %dma_wait3A_71 = tpu.memref_slice %arg7[%add3A_62, %dma_wait3A_70] : memref<5128x128xf32, #tpu.memory_space<vmem_shared>> -> memref<64x128xf32, #tpu.memory_space<vmem_shared>>
      tpu.wait_dma2 semaphore(%run_scoped3A : memref<!tpu.dma_semaphore, #tpu.memory_space<semaphore_mem>>) src(%dma_wait3A_71 : memref<64x128xf32, #tpu.memory_space<vmem_shared>>) dst(%arg13 : memref<64x128xf32, #tpu.memory_space<vmem>>)
      tpu.yield
    }) : () -> ()
    %add3A_63 = arith.addi %mul3A_30, %mul3A_2 : i32
    %add3A_64 = arith.constant 256 : i32
    %add3A_65 = arith.addi %add3A_63, %add3A_64 : i32
    "tpu.region"() ({
      %run_scoped3A = tpu.sem_alloc : memref<!tpu.dma_semaphore, #tpu.memory_space<semaphore_mem>>
      %dma_start3A = arith.constant 0 : i32
      %dma_start3A_66 = tpu.memref_slice %arg6[%add3A_65, %dma_start3A] : memref<10240x128xf32, #tpu.memory_space<hbm>> -> memref<64x128xf32, #tpu.memory_space<hbm>>
      %dma_start3A_67 = arith.constant 0 : i32
      %dma_start3A_68 = tpu.memref_slice %arg6[%add3A_65, %dma_start3A_67] : memref<10240x128xf32, #tpu.memory_space<hbm>> -> memref<64x128xf32, #tpu.memory_space<hbm>>
      tpu.enqueue_dma source(%arg13 : memref<64x128xf32, #tpu.memory_space<vmem>>) target(%dma_start3A_68 : memref<64x128xf32, #tpu.memory_space<hbm>>) target_semaphore(%run_scoped3A : memref<!tpu.dma_semaphore, #tpu.memory_space<semaphore_mem>>)
      %dma_wait3A = arith.constant 0 : i32
      %dma_wait3A_69 = tpu.memref_slice %arg6[%add3A_65, %dma_wait3A] : memref<10240x128xf32, #tpu.memory_space<hbm>> -> memref<64x128xf32, #tpu.memory_space<hbm>>
      %dma_wait3A_70 = arith.constant 0 : i32
      %dma_wait3A_71 = tpu.memref_slice %arg6[%add3A_65, %dma_wait3A_70] : memref<10240x128xf32, #tpu.memory_space<hbm>> -> memref<64x128xf32, #tpu.memory_space<hbm>>
      tpu.wait_dma2 semaphore(%run_scoped3A : memref<!tpu.dma_semaphore, #tpu.memory_space<semaphore_mem>>) src(%arg13 : memref<64x128xf32, #tpu.memory_space<vmem>>) dst(%dma_wait3A_71 : memref<64x128xf32, #tpu.memory_space<hbm>>)
      tpu.yield
    }) : () -> ()
    return
  }
}

#map = affine_map<(d0, d1) -> (0, 0)>
#map1 = affine_map<(d0, d1) -> (0)>
module attributes {stable_mosaic.version = 14 : i64} {
  func.func @_main_body(%arg0: i32, %arg1: i32, %arg2: memref<10240x128xf32, #tpu.memory_space<hbm>>, %arg3: memref<10240x128xf32, #tpu.memory_space<hbm>>, %arg4: memref<10240x128xf32, #tpu.memory_space<hbm>>, %arg5: memref<320512xi32, #tpu.memory_space<hbm>>, %arg6: memref<320512xi32, #tpu.memory_space<hbm>>, %arg7: memref<163840xi32, #tpu.memory_space<hbm>>, %arg8: memref<163840xi32, #tpu.memory_space<hbm>>, %arg9: memref<176xi32, #tpu.memory_space<hbm>>, %arg10: memref<128x128xf32, #tpu.memory_space<hbm>>, %arg11: memref<163840x128xf32, #tpu.memory_space<hbm>>, %arg12: memref<8192x128xf32, #tpu.memory_space<vmem_shared>>, %arg13: memref<128x128xf32, #tpu.memory_space<vmem>>, %arg14: memref<128x128xf32, #tpu.memory_space<vmem>>, %arg15: memref<128x128xf32, #tpu.memory_space<vmem>>, %arg16: memref<128xi32, #tpu.memory_space<vmem>>, %arg17: memref<128xi32, #tpu.memory_space<vmem>>, %arg18: memref<128xi32, #tpu.memory_space<vmem>>, %arg19: memref<128xi32, #tpu.memory_space<vmem>>, %arg20: memref<128xi32, #tpu.memory_space<vmem>>, %arg21: memref<128xi32, #tpu.memory_space<vmem>>, %arg22: memref<128xi32, #tpu.memory_space<vmem>>, %arg23: memref<128xi32, #tpu.memory_space<vmem>>, %arg24: memref<128xi32, #tpu.memory_space<vmem>>, %arg25: memref<16xi32, #tpu.memory_space<vmem>>, %arg26: memref<!tpu.dma_semaphore, #tpu.memory_space<semaphore_mem>>, %arg27: memref<!tpu.dma_semaphore, #tpu.memory_space<semaphore_mem>>, %arg28: memref<!tpu.dma_semaphore, #tpu.memory_space<semaphore_mem>>, %arg29: memref<!tpu.dma_semaphore, #tpu.memory_space<semaphore_mem>>, %arg30: memref<!tpu.dma_semaphore, #tpu.memory_space<semaphore_mem>>, %arg31: memref<!tpu.dma_semaphore, #tpu.memory_space<semaphore_mem>>) attributes {dimension_semantics = [#tpu.dimension_semantics<core_parallel>, #tpu.dimension_semantics<subcore_parallel>], iteration_bounds = array<i64: 2, 16>, scalar_prefetch = 0 : i64, scratch_operands = 20 : i64, tpu.core_type = #tpu.core_type<sc_vector_subcore>, window_params = [{transform_indices = #map}, {transform_indices = #map}, {transform_indices = #map}, {transform_indices = #map1}, {transform_indices = #map1}, {transform_indices = #map1}, {transform_indices = #map1}, {transform_indices = #map1}, {transform_indices = #map}, {transform_indices = #map}]} {
    %iota3A = tpu.iota {dimensions = array<i32: 0>} : vector<16xi32>
    "tpu.region"() ({
      %run_scoped3A = tpu.sem_alloc : memref<!tpu.dma_semaphore, #tpu.memory_space<semaphore_mem>>
      tpu.enqueue_dma source(%arg10 : memref<128x128xf32, #tpu.memory_space<hbm>>) target(%arg13 : memref<128x128xf32, #tpu.memory_space<vmem>>) target_semaphore(%run_scoped3A : memref<!tpu.dma_semaphore, #tpu.memory_space<semaphore_mem>>)
      tpu.wait_dma2 semaphore(%run_scoped3A : memref<!tpu.dma_semaphore, #tpu.memory_space<semaphore_mem>>) src(%arg10 : memref<128x128xf32, #tpu.memory_space<hbm>>) dst(%arg13 : memref<128x128xf32, #tpu.memory_space<vmem>>)
      tpu.yield
    }) : () -> ()
    %scan3A = arith.constant 0 : i32
    %scan3A_0 = arith.constant 0 : i32
    %scan3A_1 = arith.constant 10 : i32
    %scan3A_2 = arith.addi %scan3A_0, %scan3A_1 : i32
    %scan3A_3 = arith.constant 1 : i32
    scf.for %scan3A_5 = %scan3A_0 to %scan3A_2 step %scan3A_3  : i32 {
      %mul3A = arith.constant 10 : i32
      %mul3A_6 = arith.muli %arg0, %mul3A : i32
      %add3A = arith.addi %mul3A_6, %scan3A_5 : i32
      %shift_left3A = arith.constant 13 : i32
      %shift_left3A_7 = arith.shli %add3A, %shift_left3A : i32
      %scan3A_8 = arith.constant 0 : i32
      %scan3A_9 = arith.constant 0 : i32
      %scan3A_10 = arith.constant 4 : i32
      %scan3A_11 = arith.addi %scan3A_9, %scan3A_10 : i32
      %scan3A_12 = arith.constant 1 : i32
      scf.for %scan3A_73 = %scan3A_9 to %scan3A_11 step %scan3A_12  : i32 {
        %mul3A_74 = arith.constant 512 : i32
        %mul3A_75 = arith.muli %mul3A_74, %arg1 : i32
        %mul3A_76 = arith.constant 128 : i32
        %mul3A_77 = arith.muli %mul3A_76, %scan3A_73 : i32
        %add3A_78 = arith.addi %mul3A_75, %mul3A_77 : i32
        %multiple_of3A_79 = tpu.assume_multiple %add3A_78, 8 : i32
        %dma_start3A_80 = arith.constant 0 : i32
        %dma_start3A_81 = tpu.memref_slice %arg12[%multiple_of3A_79, %dma_start3A_80] : memref<8192x128xf32, #tpu.memory_space<vmem_shared>> -> memref<128x128xf32, #tpu.memory_space<vmem_shared>>
        %dma_start3A_82 = arith.constant 0 : i32
        %dma_start3A_83 = tpu.memref_slice %arg12[%multiple_of3A_79, %dma_start3A_82] : memref<8192x128xf32, #tpu.memory_space<vmem_shared>> -> memref<128x128xf32, #tpu.memory_space<vmem_shared>>
        tpu.enqueue_dma source(%arg13 : memref<128x128xf32, #tpu.memory_space<vmem>>) target(%dma_start3A_83 : memref<128x128xf32, #tpu.memory_space<vmem_shared>>) target_semaphore(%arg31 : memref<!tpu.dma_semaphore, #tpu.memory_space<semaphore_mem>>)
      }
      %scan3A_13 = arith.constant 4 : i32
      %scan3A_14 = arith.constant 0 : i32
      %scan3A_15 = arith.constant 0 : i32
      %scan3A_16 = arith.constant 4 : i32
      %scan3A_17 = arith.addi %scan3A_15, %scan3A_16 : i32
      %scan3A_18 = arith.constant 1 : i32
      scf.for %scan3A_73 = %scan3A_15 to %scan3A_17 step %scan3A_18  : i32 {
        %mul3A_74 = arith.constant 512 : i32
        %mul3A_75 = arith.muli %mul3A_74, %arg1 : i32
        %mul3A_76 = arith.constant 128 : i32
        %mul3A_77 = arith.muli %mul3A_76, %scan3A_73 : i32
        %add3A_78 = arith.addi %mul3A_75, %mul3A_77 : i32
        %multiple_of3A_79 = tpu.assume_multiple %add3A_78, 8 : i32
        %dma_wait3A = arith.constant 0 : i32
        %dma_wait3A_80 = tpu.memref_slice %arg12[%multiple_of3A_79, %dma_wait3A] : memref<8192x128xf32, #tpu.memory_space<vmem_shared>> -> memref<128x128xf32, #tpu.memory_space<vmem_shared>>
        %dma_wait3A_81 = arith.constant 0 : i32
        %dma_wait3A_82 = tpu.memref_slice %arg12[%multiple_of3A_79, %dma_wait3A_81] : memref<8192x128xf32, #tpu.memory_space<vmem_shared>> -> memref<128x128xf32, #tpu.memory_space<vmem_shared>>
        tpu.wait_dma2 semaphore(%arg31 : memref<!tpu.dma_semaphore, #tpu.memory_space<semaphore_mem>>) src(%arg13 : memref<128x128xf32, #tpu.memory_space<vmem>>) dst(%dma_wait3A_82 : memref<128x128xf32, #tpu.memory_space<vmem_shared>>)
      }
      %scan3A_19 = arith.constant 4 : i32
      %barrier3A = arith.constant 0 : index
      tpu.barrier barrier_id(%barrier3A)
      %shift_left3A_20 = arith.constant 3 : i32
      %shift_left3A_21 = arith.shli %add3A, %shift_left3A_20 : i32
      %multiple_of3A = tpu.assume_multiple %shift_left3A_21, 8 : i32
      "tpu.region"() ({
        %run_scoped3A = tpu.sem_alloc : memref<!tpu.dma_semaphore, #tpu.memory_space<semaphore_mem>>
        %dma_start3A_73 = tpu.memref_slice %arg9[%multiple_of3A] : memref<176xi32, #tpu.memory_space<hbm>> -> memref<16xi32, #tpu.memory_space<hbm>>
        %dma_start3A_74 = tpu.memref_slice %arg9[%multiple_of3A] : memref<176xi32, #tpu.memory_space<hbm>> -> memref<16xi32, #tpu.memory_space<hbm>>
        tpu.enqueue_dma source(%dma_start3A_74 : memref<16xi32, #tpu.memory_space<hbm>>) target(%arg25 : memref<16xi32, #tpu.memory_space<vmem>>) target_semaphore(%run_scoped3A : memref<!tpu.dma_semaphore, #tpu.memory_space<semaphore_mem>>)
        %dma_wait3A = tpu.memref_slice %arg9[%multiple_of3A] : memref<176xi32, #tpu.memory_space<hbm>> -> memref<16xi32, #tpu.memory_space<hbm>>
        %dma_wait3A_75 = tpu.memref_slice %arg9[%multiple_of3A] : memref<176xi32, #tpu.memory_space<hbm>> -> memref<16xi32, #tpu.memory_space<hbm>>
        tpu.wait_dma2 semaphore(%run_scoped3A : memref<!tpu.dma_semaphore, #tpu.memory_space<semaphore_mem>>) src(%dma_wait3A_75 : memref<16xi32, #tpu.memory_space<hbm>>) dst(%arg25 : memref<16xi32, #tpu.memory_space<vmem>>)
        tpu.yield
      }) : () -> ()
      %get3A = arith.constant 0 : index
      %get3A_22 = tpu.vector_load %arg25[%get3A] {strides = array<i32>} : memref<16xi32, #tpu.memory_space<vmem>>, vector<16xi32>,
      %get3A_23 = vector.shape_cast %get3A_22 : vector<16xi32> to vector<16xi32>
      %slice3A = vector.extract_strided_slice %get3A_23 {offsets = [0], sizes = [1], strides = [1]} : vector<16xi32> to vector<1xi32>
      %squeeze3A = vector.extract %slice3A[0] : i32 from vector<1xi32>
      %slice3A_24 = vector.extract_strided_slice %get3A_23 {offsets = [1], sizes = [1], strides = [1]} : vector<16xi32> to vector<1xi32>
      %squeeze3A_25 = vector.extract %slice3A_24[0] : i32 from vector<1xi32>
      %sub3A = arith.subi %squeeze3A_25, %squeeze3A : i32
      %mul3A_26 = arith.muli %sub3A, %arg1 : i32
      %shift_right_arithmetic3A = arith.constant 4 : i32
      %shift_right_arithmetic3A_27 = arith.shrsi %mul3A_26, %shift_right_arithmetic3A : i32
      %add3A_28 = arith.addi %squeeze3A, %shift_right_arithmetic3A_27 : i32
      %sub3A_29 = arith.subi %squeeze3A_25, %squeeze3A : i32
      %add3A_30 = arith.constant 1 : i32
      %add3A_31 = arith.addi %arg1, %add3A_30 : i32
      %mul3A_32 = arith.muli %sub3A_29, %add3A_31 : i32
      %shift_right_arithmetic3A_33 = arith.constant 4 : i32
      %shift_right_arithmetic3A_34 = arith.shrsi %mul3A_32, %shift_right_arithmetic3A_33 : i32
      %add3A_35 = arith.addi %squeeze3A, %shift_right_arithmetic3A_34 : i32
      %and3A = arith.constant 7 : i32
      %and3A_36 = arith.andi %add3A_28, %and3A : i32
      %sub3A_37 = arith.subi %add3A_28, %and3A_36 : i32
      %sub3A_38 = arith.subi %add3A_35, %sub3A_37 : i32
      %add3A_39 = arith.constant 127 : i32
      %add3A_40 = arith.addi %sub3A_38, %add3A_39 : i32
      %shift_right_arithmetic3A_41 = arith.constant 7 : i32
      %shift_right_arithmetic3A_42 = arith.shrsi %add3A_40, %shift_right_arithmetic3A_41 : i32
      %ge3A = arith.constant 1 : i32
      %ge3A_43 = arith.cmpi sge, %shift_right_arithmetic3A_42, %ge3A : i32
      %convert_element_type3A = arith.extui %ge3A_43 : i1 to i32
      %cond3A = arith.constant 0 : i32
      %cond3A_44 = arith.cmpi ne, %convert_element_type3A, %cond3A : i32
      scf.if %cond3A_44 {
        %add3A_73 = arith.constant 0 : i32
        %add3A_74 = arith.addi %sub3A_37, %add3A_73 : i32
        %multiple_of3A_75 = tpu.assume_multiple %add3A_74, 8 : i32
        %dma_start3A_76 = tpu.memref_slice %arg5[%multiple_of3A_75] : memref<320512xi32, #tpu.memory_space<hbm>> -> memref<128xi32, #tpu.memory_space<hbm>>
        %dma_start3A_77 = tpu.memref_slice %arg5[%multiple_of3A_75] : memref<320512xi32, #tpu.memory_space<hbm>> -> memref<128xi32, #tpu.memory_space<hbm>>
        tpu.enqueue_dma source(%dma_start3A_77 : memref<128xi32, #tpu.memory_space<hbm>>) target(%arg16 : memref<128xi32, #tpu.memory_space<vmem>>) target_semaphore(%arg29 : memref<!tpu.dma_semaphore, #tpu.memory_space<semaphore_mem>>)
        %dma_start3A_78 = tpu.memref_slice %arg6[%multiple_of3A_75] : memref<320512xi32, #tpu.memory_space<hbm>> -> memref<128xi32, #tpu.memory_space<hbm>>
        %dma_start3A_79 = tpu.memref_slice %arg6[%multiple_of3A_75] : memref<320512xi32, #tpu.memory_space<hbm>> -> memref<128xi32, #tpu.memory_space<hbm>>
        tpu.enqueue_dma source(%dma_start3A_79 : memref<128xi32, #tpu.memory_space<hbm>>) target(%arg18 : memref<128xi32, #tpu.memory_space<vmem>>) target_semaphore(%arg29 : memref<!tpu.dma_semaphore, #tpu.memory_space<semaphore_mem>>)
      } else {
      }
      %add3A_45 = arith.constant 1 : i32
      %add3A_46 = arith.addi %shift_right_arithmetic3A_42, %add3A_45 : i32
      %while3A = arith.constant 0 : i32
      %while3A_47 = arith.constant 0 : i32
      %while3A_48 = arith.subi %add3A_46, %while3A_47 : i32
      %while3A_49 = arith.addi %while3A_47, %while3A_48 : i32
      %while3A_50 = arith.constant 1 : i32
      %while3A_51 = arith.divsi %while3A_48, %while3A_50 : i32
      %while3A_52 = arith.muli %while3A_51, %while3A_50 : i32
      %while3A_53 = arith.addi %while3A_47, %while3A_52 : i32
      %while3A_54 = arith.constant 1 : i32
      scf.for %while3A_73 = %while3A_47 to %while3A_53 step %while3A_54  : i32 {
        %and3A_74 = arith.constant 1 : i32
        %and3A_75 = arith.andi %while3A_73, %and3A_74 : i32
        %lt3A = arith.cmpi slt, %while3A_73, %shift_right_arithmetic3A_42 : i32
        %eq3A = arith.constant 0 : i32
        %eq3A_76 = arith.cmpi eq, %and3A_75, %eq3A : i32
        %and3A_77 = arith.andi %lt3A, %eq3A_76 : i1
        %convert_element_type3A_78 = arith.extui %and3A_77 : i1 to i32
        %cond3A_79 = arith.constant 0 : i32
        %cond3A_80 = arith.cmpi ne, %convert_element_type3A_78, %cond3A_79 : i32
        scf.if %cond3A_80 {
          %shift_left3A_122 = arith.constant 7 : i32
          %shift_left3A_123 = arith.shli %while3A_73, %shift_left3A_122 : i32
          %add3A_124 = arith.addi %sub3A_37, %shift_left3A_123 : i32
          %multiple_of3A_125 = tpu.assume_multiple %add3A_124, 8 : i32
          %dma_wait3A = tpu.memref_slice %arg5[%multiple_of3A_125] : memref<320512xi32, #tpu.memory_space<hbm>> -> memref<128xi32, #tpu.memory_space<hbm>>
          %dma_wait3A_126 = tpu.memref_slice %arg5[%multiple_of3A_125] : memref<320512xi32, #tpu.memory_space<hbm>> -> memref<128xi32, #tpu.memory_space<hbm>>
          tpu.wait_dma2 semaphore(%arg29 : memref<!tpu.dma_semaphore, #tpu.memory_space<semaphore_mem>>) src(%dma_wait3A_126 : memref<128xi32, #tpu.memory_space<hbm>>) dst(%arg16 : memref<128xi32, #tpu.memory_space<vmem>>)
          %dma_wait3A_127 = tpu.memref_slice %arg6[%multiple_of3A_125] : memref<320512xi32, #tpu.memory_space<hbm>> -> memref<128xi32, #tpu.memory_space<hbm>>
          %dma_wait3A_128 = tpu.memref_slice %arg6[%multiple_of3A_125] : memref<320512xi32, #tpu.memory_space<hbm>> -> memref<128xi32, #tpu.memory_space<hbm>>
          tpu.wait_dma2 semaphore(%arg29 : memref<!tpu.dma_semaphore, #tpu.memory_space<semaphore_mem>>) src(%dma_wait3A_128 : memref<128xi32, #tpu.memory_space<hbm>>) dst(%arg18 : memref<128xi32, #tpu.memory_space<vmem>>)
          %add3A_129 = arith.constant 0 : i32
          %add3A_130 = arith.addi %multiple_of3A_125, %add3A_129 : i32
          %add3A_131 = vector.broadcast %add3A_130 : i32 to vector<16xi32>
          %add3A_132 = arith.addi %add3A_131, %iota3A : vector<16xi32>
          %ge3A_133 = vector.broadcast %add3A_28 : i32 to vector<16xi32>
          %ge3A_134 = arith.cmpi sge, %add3A_132, %ge3A_133 : vector<16xi32>
          %lt3A_135 = vector.broadcast %add3A_35 : i32 to vector<16xi32>
          %lt3A_136 = arith.cmpi slt, %add3A_132, %lt3A_135 : vector<16xi32>
          %and3A_137 = arith.andi %ge3A_134, %lt3A_136 : vector<16xi1>
          %get3A_138 = arith.constant 0 : index
          %get3A_139 = tpu.vector_load %arg18[%get3A_138] {strides = array<i32>} : memref<128xi32, #tpu.memory_space<vmem>>, vector<16xi32>,
          %get3A_140 = vector.shape_cast %get3A_139 : vector<16xi32> to vector<16xi32>
          %jit3A = arith.constant 10000 : i32
          %broadcast_in_dim3A = vector.broadcast %jit3A : i32 to vector<16xi32>
          %select_n3A = arith.select %and3A_137, %get3A_140, %broadcast_in_dim3A : vector<16xi1>, vector<16xi32>
          %swap3A = arith.constant 0 : index
          %swap3A_141 = tpu.vector_load %arg20[%swap3A] {strides = array<i32>} : memref<128xi32, #tpu.memory_space<vmem>>, vector<16xi32>,
          %swap3A_142 = vector.shape_cast %swap3A_141 : vector<16xi32> to vector<16xi32>
          %swap3A_143 = vector.shape_cast %select_n3A : vector<16xi32> to vector<16xi32>
          tpu.vector_store %arg20[%swap3A], %swap3A_143 {strides = array<i32>} : memref<128xi32, #tpu.memory_space<vmem>>, vector<16xi32>,
          %get3A_144 = arith.constant 0 : index
          %get3A_145 = tpu.vector_load %arg16[%get3A_144] {strides = array<i32>} : memref<128xi32, #tpu.memory_space<vmem>>, vector<16xi32>,
          %get3A_146 = vector.shape_cast %get3A_145 : vector<16xi32> to vector<16xi32>
          %sub3A_147 = vector.broadcast %shift_left3A_7 : i32 to vector<16xi32>
          %sub3A_148 = arith.subi %get3A_146, %sub3A_147 : vector<16xi32>
          %jit3A_149 = arith.constant 0 : i32
          %broadcast_in_dim3A_150 = vector.broadcast %jit3A_149 : i32 to vector<16xi32>
          %select_n3A_151 = arith.select %and3A_137, %sub3A_148, %broadcast_in_dim3A_150 : vector<16xi1>, vector<16xi32>
          %swap3A_152 = arith.constant 0 : index
          %swap3A_153 = tpu.vector_load %arg22[%swap3A_152] {strides = array<i32>} : memref<128xi32, #tpu.memory_space<vmem>>, vector<16xi32>,
          %swap3A_154 = vector.shape_cast %swap3A_153 : vector<16xi32> to vector<16xi32>
          %swap3A_155 = vector.shape_cast %select_n3A_151 : vector<16xi32> to vector<16xi32>
          tpu.vector_store %arg22[%swap3A_152], %swap3A_155 {strides = array<i32>} : memref<128xi32, #tpu.memory_space<vmem>>, vector<16xi32>,
          %add3A_156 = arith.constant 16 : i32
          %add3A_157 = arith.addi %multiple_of3A_125, %add3A_156 : i32
          %add3A_158 = vector.broadcast %add3A_157 : i32 to vector<16xi32>
          %add3A_159 = arith.addi %add3A_158, %iota3A : vector<16xi32>
          %ge3A_160 = vector.broadcast %add3A_28 : i32 to vector<16xi32>
          %ge3A_161 = arith.cmpi sge, %add3A_159, %ge3A_160 : vector<16xi32>
          %lt3A_162 = vector.broadcast %add3A_35 : i32 to vector<16xi32>
          %lt3A_163 = arith.cmpi slt, %add3A_159, %lt3A_162 : vector<16xi32>
          %and3A_164 = arith.andi %ge3A_161, %lt3A_163 : vector<16xi1>
          %get3A_165 = arith.constant 16 : index
          %get3A_166 = tpu.vector_load %arg18[%get3A_165] {strides = array<i32>} : memref<128xi32, #tpu.memory_space<vmem>>, vector<16xi32>,
          %get3A_167 = vector.shape_cast %get3A_166 : vector<16xi32> to vector<16xi32>
          %jit3A_168 = arith.constant 10000 : i32
          %broadcast_in_dim3A_169 = vector.broadcast %jit3A_168 : i32 to vector<16xi32>
          %select_n3A_170 = arith.select %and3A_164, %get3A_167, %broadcast_in_dim3A_169 : vector<16xi1>, vector<16xi32>
          %swap3A_171 = arith.constant 16 : index
          %swap3A_172 = tpu.vector_load %arg20[%swap3A_171] {strides = array<i32>} : memref<128xi32, #tpu.memory_space<vmem>>, vector<16xi32>,
          %swap3A_173 = vector.shape_cast %swap3A_172 : vector<16xi32> to vector<16xi32>
          %swap3A_174 = vector.shape_cast %select_n3A_170 : vector<16xi32> to vector<16xi32>
          tpu.vector_store %arg20[%swap3A_171], %swap3A_174 {strides = array<i32>} : memref<128xi32, #tpu.memory_space<vmem>>, vector<16xi32>,
          %get3A_175 = arith.constant 16 : index
          %get3A_176 = tpu.vector_load %arg16[%get3A_175] {strides = array<i32>} : memref<128xi32, #tpu.memory_space<vmem>>, vector<16xi32>,
          %get3A_177 = vector.shape_cast %get3A_176 : vector<16xi32> to vector<16xi32>
          %sub3A_178 = vector.broadcast %shift_left3A_7 : i32 to vector<16xi32>
          %sub3A_179 = arith.subi %get3A_177, %sub3A_178 : vector<16xi32>
          %jit3A_180 = arith.constant 0 : i32
          %broadcast_in_dim3A_181 = vector.broadcast %jit3A_180 : i32 to vector<16xi32>
          %select_n3A_182 = arith.select %and3A_164, %sub3A_179, %broadcast_in_dim3A_181 : vector<16xi1>, vector<16xi32>
          %swap3A_183 = arith.constant 16 : index
          %swap3A_184 = tpu.vector_load %arg22[%swap3A_183] {strides = array<i32>} : memref<128xi32, #tpu.memory_space<vmem>>, vector<16xi32>,
          %swap3A_185 = vector.shape_cast %swap3A_184 : vector<16xi32> to vector<16xi32>
          %swap3A_186 = vector.shape_cast %select_n3A_182 : vector<16xi32> to vector<16xi32>
          tpu.vector_store %arg22[%swap3A_183], %swap3A_186 {strides = array<i32>} : memref<128xi32, #tpu.memory_space<vmem>>, vector<16xi32>,
          %add3A_187 = arith.constant 32 : i32
          %add3A_188 = arith.addi %multiple_of3A_125, %add3A_187 : i32
          %add3A_189 = vector.broadcast %add3A_188 : i32 to vector<16xi32>
          %add3A_190 = arith.addi %add3A_189, %iota3A : vector<16xi32>
          %ge3A_191 = vector.broadcast %add3A_28 : i32 to vector<16xi32>
          %ge3A_192 = arith.cmpi sge, %add3A_190, %ge3A_191 : vector<16xi32>
          %lt3A_193 = vector.broadcast %add3A_35 : i32 to vector<16xi32>
          %lt3A_194 = arith.cmpi slt, %add3A_190, %lt3A_193 : vector<16xi32>
          %and3A_195 = arith.andi %ge3A_192, %lt3A_194 : vector<16xi1>
          %get3A_196 = arith.constant 32 : index
          %get3A_197 = tpu.vector_load %arg18[%get3A_196] {strides = array<i32>} : memref<128xi32, #tpu.memory_space<vmem>>, vector<16xi32>,
          %get3A_198 = vector.shape_cast %get3A_197 : vector<16xi32> to vector<16xi32>
          %jit3A_199 = arith.constant 10000 : i32
          %broadcast_in_dim3A_200 = vector.broadcast %jit3A_199 : i32 to vector<16xi32>
          %select_n3A_201 = arith.select %and3A_195, %get3A_198, %broadcast_in_dim3A_200 : vector<16xi1>, vector<16xi32>
          %swap3A_202 = arith.constant 32 : index
          %swap3A_203 = tpu.vector_load %arg20[%swap3A_202] {strides = array<i32>} : memref<128xi32, #tpu.memory_space<vmem>>, vector<16xi32>,
          %swap3A_204 = vector.shape_cast %swap3A_203 : vector<16xi32> to vector<16xi32>
          %swap3A_205 = vector.shape_cast %select_n3A_201 : vector<16xi32> to vector<16xi32>
          tpu.vector_store %arg20[%swap3A_202], %swap3A_205 {strides = array<i32>} : memref<128xi32, #tpu.memory_space<vmem>>, vector<16xi32>,
          %get3A_206 = arith.constant 32 : index
          %get3A_207 = tpu.vector_load %arg16[%get3A_206] {strides = array<i32>} : memref<128xi32, #tpu.memory_space<vmem>>, vector<16xi32>,
          %get3A_208 = vector.shape_cast %get3A_207 : vector<16xi32> to vector<16xi32>
          %sub3A_209 = vector.broadcast %shift_left3A_7 : i32 to vector<16xi32>
          %sub3A_210 = arith.subi %get3A_208, %sub3A_209 : vector<16xi32>
          %jit3A_211 = arith.constant 0 : i32
          %broadcast_in_dim3A_212 = vector.broadcast %jit3A_211 : i32 to vector<16xi32>
          %select_n3A_213 = arith.select %and3A_195, %sub3A_210, %broadcast_in_dim3A_212 : vector<16xi1>, vector<16xi32>
          %swap3A_214 = arith.constant 32 : index
          %swap3A_215 = tpu.vector_load %arg22[%swap3A_214] {strides = array<i32>} : memref<128xi32, #tpu.memory_space<vmem>>, vector<16xi32>,
          %swap3A_216 = vector.shape_cast %swap3A_215 : vector<16xi32> to vector<16xi32>
          %swap3A_217 = vector.shape_cast %select_n3A_213 : vector<16xi32> to vector<16xi32>
          tpu.vector_store %arg22[%swap3A_214], %swap3A_217 {strides = array<i32>} : memref<128xi32, #tpu.memory_space<vmem>>, vector<16xi32>,
          %add3A_218 = arith.constant 48 : i32
          %add3A_219 = arith.addi %multiple_of3A_125, %add3A_218 : i32
          %add3A_220 = vector.broadcast %add3A_219 : i32 to vector<16xi32>
          %add3A_221 = arith.addi %add3A_220, %iota3A : vector<16xi32>
          %ge3A_222 = vector.broadcast %add3A_28 : i32 to vector<16xi32>
          %ge3A_223 = arith.cmpi sge, %add3A_221, %ge3A_222 : vector<16xi32>
          %lt3A_224 = vector.broadcast %add3A_35 : i32 to vector<16xi32>
          %lt3A_225 = arith.cmpi slt, %add3A_221, %lt3A_224 : vector<16xi32>
          %and3A_226 = arith.andi %ge3A_223, %lt3A_225 : vector<16xi1>
          %get3A_227 = arith.constant 48 : index
          %get3A_228 = tpu.vector_load %arg18[%get3A_227] {strides = array<i32>} : memref<128xi32, #tpu.memory_space<vmem>>, vector<16xi32>,
          %get3A_229 = vector.shape_cast %get3A_228 : vector<16xi32> to vector<16xi32>
          %jit3A_230 = arith.constant 10000 : i32
          %broadcast_in_dim3A_231 = vector.broadcast %jit3A_230 : i32 to vector<16xi32>
          %select_n3A_232 = arith.select %and3A_226, %get3A_229, %broadcast_in_dim3A_231 : vector<16xi1>, vector<16xi32>
          %swap3A_233 = arith.constant 48 : index
          %swap3A_234 = tpu.vector_load %arg20[%swap3A_233] {strides = array<i32>} : memref<128xi32, #tpu.memory_space<vmem>>, vector<16xi32>,
          %swap3A_235 = vector.shape_cast %swap3A_234 : vector<16xi32> to vector<16xi32>
          %swap3A_236 = vector.shape_cast %select_n3A_232 : vector<16xi32> to vector<16xi32>
          tpu.vector_store %arg20[%swap3A_233], %swap3A_236 {strides = array<i32>} : memref<128xi32, #tpu.memory_space<vmem>>, vector<16xi32>,
          %get3A_237 = arith.constant 48 : index
          %get3A_238 = tpu.vector_load %arg16[%get3A_237] {strides = array<i32>} : memref<128xi32, #tpu.memory_space<vmem>>, vector<16xi32>,
          %get3A_239 = vector.shape_cast %get3A_238 : vector<16xi32> to vector<16xi32>
          %sub3A_240 = vector.broadcast %shift_left3A_7 : i32 to vector<16xi32>
          %sub3A_241 = arith.subi %get3A_239, %sub3A_240 : vector<16xi32>
          %jit3A_242 = arith.constant 0 : i32
          %broadcast_in_dim3A_243 = vector.broadcast %jit3A_242 : i32 to vector<16xi32>
          %select_n3A_244 = arith.select %and3A_226, %sub3A_241, %broadcast_in_dim3A_243 : vector<16xi1>, vector<16xi32>
          %swap3A_245 = arith.constant 48 : index
          %swap3A_246 = tpu.vector_load %arg22[%swap3A_245] {strides = array<i32>} : memref<128xi32, #tpu.memory_space<vmem>>, vector<16xi32>,
          %swap3A_247 = vector.shape_cast %swap3A_246 : vector<16xi32> to vector<16xi32>
          %swap3A_248 = vector.shape_cast %select_n3A_244 : vector<16xi32> to vector<16xi32>
          tpu.vector_store %arg22[%swap3A_245], %swap3A_248 {strides = array<i32>} : memref<128xi32, #tpu.memory_space<vmem>>, vector<16xi32>,
          %add3A_249 = arith.constant 64 : i32
          %add3A_250 = arith.addi %multiple_of3A_125, %add3A_249 : i32
          %add3A_251 = vector.broadcast %add3A_250 : i32 to vector<16xi32>
          %add3A_252 = arith.addi %add3A_251, %iota3A : vector<16xi32>
          %ge3A_253 = vector.broadcast %add3A_28 : i32 to vector<16xi32>
          %ge3A_254 = arith.cmpi sge, %add3A_252, %ge3A_253 : vector<16xi32>
          %lt3A_255 = vector.broadcast %add3A_35 : i32 to vector<16xi32>
          %lt3A_256 = arith.cmpi slt, %add3A_252, %lt3A_255 : vector<16xi32>
          %and3A_257 = arith.andi %ge3A_254, %lt3A_256 : vector<16xi1>
          %get3A_258 = arith.constant 64 : index
          %get3A_259 = tpu.vector_load %arg18[%get3A_258] {strides = array<i32>} : memref<128xi32, #tpu.memory_space<vmem>>, vector<16xi32>,
          %get3A_260 = vector.shape_cast %get3A_259 : vector<16xi32> to vector<16xi32>
          %jit3A_261 = arith.constant 10000 : i32
          %broadcast_in_dim3A_262 = vector.broadcast %jit3A_261 : i32 to vector<16xi32>
          %select_n3A_263 = arith.select %and3A_257, %get3A_260, %broadcast_in_dim3A_262 : vector<16xi1>, vector<16xi32>
          %swap3A_264 = arith.constant 64 : index
          %swap3A_265 = tpu.vector_load %arg20[%swap3A_264] {strides = array<i32>} : memref<128xi32, #tpu.memory_space<vmem>>, vector<16xi32>,
          %swap3A_266 = vector.shape_cast %swap3A_265 : vector<16xi32> to vector<16xi32>
          %swap3A_267 = vector.shape_cast %select_n3A_263 : vector<16xi32> to vector<16xi32>
          tpu.vector_store %arg20[%swap3A_264], %swap3A_267 {strides = array<i32>} : memref<128xi32, #tpu.memory_space<vmem>>, vector<16xi32>,
          %get3A_268 = arith.constant 64 : index
          %get3A_269 = tpu.vector_load %arg16[%get3A_268] {strides = array<i32>} : memref<128xi32, #tpu.memory_space<vmem>>, vector<16xi32>,
          %get3A_270 = vector.shape_cast %get3A_269 : vector<16xi32> to vector<16xi32>
          %sub3A_271 = vector.broadcast %shift_left3A_7 : i32 to vector<16xi32>
          %sub3A_272 = arith.subi %get3A_270, %sub3A_271 : vector<16xi32>
          %jit3A_273 = arith.constant 0 : i32
          %broadcast_in_dim3A_274 = vector.broadcast %jit3A_273 : i32 to vector<16xi32>
          %select_n3A_275 = arith.select %and3A_257, %sub3A_272, %broadcast_in_dim3A_274 : vector<16xi1>, vector<16xi32>
          %swap3A_276 = arith.constant 64 : index
          %swap3A_277 = tpu.vector_load %arg22[%swap3A_276] {strides = array<i32>} : memref<128xi32, #tpu.memory_space<vmem>>, vector<16xi32>,
          %swap3A_278 = vector.shape_cast %swap3A_277 : vector<16xi32> to vector<16xi32>
          %swap3A_279 = vector.shape_cast %select_n3A_275 : vector<16xi32> to vector<16xi32>
          tpu.vector_store %arg22[%swap3A_276], %swap3A_279 {strides = array<i32>} : memref<128xi32, #tpu.memory_space<vmem>>, vector<16xi32>,
          %add3A_280 = arith.constant 80 : i32
          %add3A_281 = arith.addi %multiple_of3A_125, %add3A_280 : i32
          %add3A_282 = vector.broadcast %add3A_281 : i32 to vector<16xi32>
          %add3A_283 = arith.addi %add3A_282, %iota3A : vector<16xi32>
          %ge3A_284 = vector.broadcast %add3A_28 : i32 to vector<16xi32>
          %ge3A_285 = arith.cmpi sge, %add3A_283, %ge3A_284 : vector<16xi32>
          %lt3A_286 = vector.broadcast %add3A_35 : i32 to vector<16xi32>
          %lt3A_287 = arith.cmpi slt, %add3A_283, %lt3A_286 : vector<16xi32>
          %and3A_288 = arith.andi %ge3A_285, %lt3A_287 : vector<16xi1>
          %get3A_289 = arith.constant 80 : index
          %get3A_290 = tpu.vector_load %arg18[%get3A_289] {strides = array<i32>} : memref<128xi32, #tpu.memory_space<vmem>>, vector<16xi32>,
          %get3A_291 = vector.shape_cast %get3A_290 : vector<16xi32> to vector<16xi32>
          %jit3A_292 = arith.constant 10000 : i32
          %broadcast_in_dim3A_293 = vector.broadcast %jit3A_292 : i32 to vector<16xi32>
          %select_n3A_294 = arith.select %and3A_288, %get3A_291, %broadcast_in_dim3A_293 : vector<16xi1>, vector<16xi32>
          %swap3A_295 = arith.constant 80 : index
          %swap3A_296 = tpu.vector_load %arg20[%swap3A_295] {strides = array<i32>} : memref<128xi32, #tpu.memory_space<vmem>>, vector<16xi32>,
          %swap3A_297 = vector.shape_cast %swap3A_296 : vector<16xi32> to vector<16xi32>
          %swap3A_298 = vector.shape_cast %select_n3A_294 : vector<16xi32> to vector<16xi32>
          tpu.vector_store %arg20[%swap3A_295], %swap3A_298 {strides = array<i32>} : memref<128xi32, #tpu.memory_space<vmem>>, vector<16xi32>,
          %get3A_299 = arith.constant 80 : index
          %get3A_300 = tpu.vector_load %arg16[%get3A_299] {strides = array<i32>} : memref<128xi32, #tpu.memory_space<vmem>>, vector<16xi32>,
          %get3A_301 = vector.shape_cast %get3A_300 : vector<16xi32> to vector<16xi32>
          %sub3A_302 = vector.broadcast %shift_left3A_7 : i32 to vector<16xi32>
          %sub3A_303 = arith.subi %get3A_301, %sub3A_302 : vector<16xi32>
          %jit3A_304 = arith.constant 0 : i32
          %broadcast_in_dim3A_305 = vector.broadcast %jit3A_304 : i32 to vector<16xi32>
          %select_n3A_306 = arith.select %and3A_288, %sub3A_303, %broadcast_in_dim3A_305 : vector<16xi1>, vector<16xi32>
          %swap3A_307 = arith.constant 80 : index
          %swap3A_308 = tpu.vector_load %arg22[%swap3A_307] {strides = array<i32>} : memref<128xi32, #tpu.memory_space<vmem>>, vector<16xi32>,
          %swap3A_309 = vector.shape_cast %swap3A_308 : vector<16xi32> to vector<16xi32>
          %swap3A_310 = vector.shape_cast %select_n3A_306 : vector<16xi32> to vector<16xi32>
          tpu.vector_store %arg22[%swap3A_307], %swap3A_310 {strides = array<i32>} : memref<128xi32, #tpu.memory_space<vmem>>, vector<16xi32>,
          %add3A_311 = arith.constant 96 : i32
          %add3A_312 = arith.addi %multiple_of3A_125, %add3A_311 : i32
          %add3A_313 = vector.broadcast %add3A_312 : i32 to vector<16xi32>
          %add3A_314 = arith.addi %add3A_313, %iota3A : vector<16xi32>
          %ge3A_315 = vector.broadcast %add3A_28 : i32 to vector<16xi32>
          %ge3A_316 = arith.cmpi sge, %add3A_314, %ge3A_315 : vector<16xi32>
          %lt3A_317 = vector.broadcast %add3A_35 : i32 to vector<16xi32>
          %lt3A_318 = arith.cmpi slt, %add3A_314, %lt3A_317 : vector<16xi32>
          %and3A_319 = arith.andi %ge3A_316, %lt3A_318 : vector<16xi1>
          %get3A_320 = arith.constant 96 : index
          %get3A_321 = tpu.vector_load %arg18[%get3A_320] {strides = array<i32>} : memref<128xi32, #tpu.memory_space<vmem>>, vector<16xi32>,
          %get3A_322 = vector.shape_cast %get3A_321 : vector<16xi32> to vector<16xi32>
          %jit3A_323 = arith.constant 10000 : i32
          %broadcast_in_dim3A_324 = vector.broadcast %jit3A_323 : i32 to vector<16xi32>
          %select_n3A_325 = arith.select %and3A_319, %get3A_322, %broadcast_in_dim3A_324 : vector<16xi1>, vector<16xi32>
          %swap3A_326 = arith.constant 96 : index
          %swap3A_327 = tpu.vector_load %arg20[%swap3A_326] {strides = array<i32>} : memref<128xi32, #tpu.memory_space<vmem>>, vector<16xi32>,
          %swap3A_328 = vector.shape_cast %swap3A_327 : vector<16xi32> to vector<16xi32>
          %swap3A_329 = vector.shape_cast %select_n3A_325 : vector<16xi32> to vector<16xi32>
          tpu.vector_store %arg20[%swap3A_326], %swap3A_329 {strides = array<i32>} : memref<128xi32, #tpu.memory_space<vmem>>, vector<16xi32>,
          %get3A_330 = arith.constant 96 : index
          %get3A_331 = tpu.vector_load %arg16[%get3A_330] {strides = array<i32>} : memref<128xi32, #tpu.memory_space<vmem>>, vector<16xi32>,
          %get3A_332 = vector.shape_cast %get3A_331 : vector<16xi32> to vector<16xi32>
          %sub3A_333 = vector.broadcast %shift_left3A_7 : i32 to vector<16xi32>
          %sub3A_334 = arith.subi %get3A_332, %sub3A_333 : vector<16xi32>
          %jit3A_335 = arith.constant 0 : i32
          %broadcast_in_dim3A_336 = vector.broadcast %jit3A_335 : i32 to vector<16xi32>
          %select_n3A_337 = arith.select %and3A_319, %sub3A_334, %broadcast_in_dim3A_336 : vector<16xi1>, vector<16xi32>
          %swap3A_338 = arith.constant 96 : index
          %swap3A_339 = tpu.vector_load %arg22[%swap3A_338] {strides = array<i32>} : memref<128xi32, #tpu.memory_space<vmem>>, vector<16xi32>,
          %swap3A_340 = vector.shape_cast %swap3A_339 : vector<16xi32> to vector<16xi32>
          %swap3A_341 = vector.shape_cast %select_n3A_337 : vector<16xi32> to vector<16xi32>
          tpu.vector_store %arg22[%swap3A_338], %swap3A_341 {strides = array<i32>} : memref<128xi32, #tpu.memory_space<vmem>>, vector<16xi32>,
          %add3A_342 = arith.constant 112 : i32
          %add3A_343 = arith.addi %multiple_of3A_125, %add3A_342 : i32
          %add3A_344 = vector.broadcast %add3A_343 : i32 to vector<16xi32>
          %add3A_345 = arith.addi %add3A_344, %iota3A : vector<16xi32>
          %ge3A_346 = vector.broadcast %add3A_28 : i32 to vector<16xi32>
          %ge3A_347 = arith.cmpi sge, %add3A_345, %ge3A_346 : vector<16xi32>
          %lt3A_348 = vector.broadcast %add3A_35 : i32 to vector<16xi32>
          %lt3A_349 = arith.cmpi slt, %add3A_345, %lt3A_348 : vector<16xi32>
          %and3A_350 = arith.andi %ge3A_347, %lt3A_349 : vector<16xi1>
          %get3A_351 = arith.constant 112 : index
          %get3A_352 = tpu.vector_load %arg18[%get3A_351] {strides = array<i32>} : memref<128xi32, #tpu.memory_space<vmem>>, vector<16xi32>,
          %get3A_353 = vector.shape_cast %get3A_352 : vector<16xi32> to vector<16xi32>
          %jit3A_354 = arith.constant 10000 : i32
          %broadcast_in_dim3A_355 = vector.broadcast %jit3A_354 : i32 to vector<16xi32>
          %select_n3A_356 = arith.select %and3A_350, %get3A_353, %broadcast_in_dim3A_355 : vector<16xi1>, vector<16xi32>
          %swap3A_357 = arith.constant 112 : index
          %swap3A_358 = tpu.vector_load %arg20[%swap3A_357] {strides = array<i32>} : memref<128xi32, #tpu.memory_space<vmem>>, vector<16xi32>,
          %swap3A_359 = vector.shape_cast %swap3A_358 : vector<16xi32> to vector<16xi32>
          %swap3A_360 = vector.shape_cast %select_n3A_356 : vector<16xi32> to vector<16xi32>
          tpu.vector_store %arg20[%swap3A_357], %swap3A_360 {strides = array<i32>} : memref<128xi32, #tpu.memory_space<vmem>>, vector<16xi32>,
          %get3A_361 = arith.constant 112 : index
          %get3A_362 = tpu.vector_load %arg16[%get3A_361] {strides = array<i32>} : memref<128xi32, #tpu.memory_space<vmem>>, vector<16xi32>,
          %get3A_363 = vector.shape_cast %get3A_362 : vector<16xi32> to vector<16xi32>
          %sub3A_364 = vector.broadcast %shift_left3A_7 : i32 to vector<16xi32>
          %sub3A_365 = arith.subi %get3A_363, %sub3A_364 : vector<16xi32>
          %jit3A_366 = arith.constant 0 : i32
          %broadcast_in_dim3A_367 = vector.broadcast %jit3A_366 : i32 to vector<16xi32>
          %select_n3A_368 = arith.select %and3A_350, %sub3A_365, %broadcast_in_dim3A_367 : vector<16xi1>, vector<16xi32>
          %swap3A_369 = arith.constant 112 : index
          %swap3A_370 = tpu.vector_load %arg22[%swap3A_369] {strides = array<i32>} : memref<128xi32, #tpu.memory_space<vmem>>, vector<16xi32>,
          %swap3A_371 = vector.shape_cast %swap3A_370 : vector<16xi32> to vector<16xi32>
          %swap3A_372 = vector.shape_cast %select_n3A_368 : vector<16xi32> to vector<16xi32>
          tpu.vector_store %arg22[%swap3A_369], %swap3A_372 {strides = array<i32>} : memref<128xi32, #tpu.memory_space<vmem>>, vector<16xi32>,
          %dma_start3A_373 = arith.constant 0 : i32
          %dma_start3A_374 = arith.constant 0 : i32
          %dma_start3A_375 = tpu.memref_slice %arg2[%dma_start3A_373, %dma_start3A_374] : memref<10240x128xf32, #tpu.memory_space<hbm>> -> memref<10240x128xf32, #tpu.memory_space<hbm>>
          tpu.enqueue_indirect_dma source(%dma_start3A_375 : memref<10240x128xf32, #tpu.memory_space<hbm>>) target(%arg14 : memref<128x128xf32, #tpu.memory_space<vmem>>) offsets(%arg20 : memref<128xi32, #tpu.memory_space<vmem>>) semaphore(%arg26 : memref<!tpu.dma_semaphore, #tpu.memory_space<semaphore_mem>>)
        } else {
        }
        %lt3A_81 = arith.cmpi slt, %while3A_73, %shift_right_arithmetic3A_42 : i32
        %eq3A_82 = arith.constant 1 : i32
        %eq3A_83 = arith.cmpi eq, %and3A_75, %eq3A_82 : i32
        %and3A_84 = arith.andi %lt3A_81, %eq3A_83 : i1
        %convert_element_type3A_85 = arith.extui %and3A_84 : i1 to i32
        %cond3A_86 = arith.constant 0 : i32
        %cond3A_87 = arith.cmpi ne, %convert_element_type3A_85, %cond3A_86 : i32
        scf.if %cond3A_87 {
          %shift_left3A_122 = arith.constant 7 : i32
          %shift_left3A_123 = arith.shli %while3A_73, %shift_left3A_122 : i32
          %add3A_124 = arith.addi %sub3A_37, %shift_left3A_123 : i32
          %multiple_of3A_125 = tpu.assume_multiple %add3A_124, 8 : i32
          %dma_wait3A = tpu.memref_slice %arg5[%multiple_of3A_125] : memref<320512xi32, #tpu.memory_space<hbm>> -> memref<128xi32, #tpu.memory_space<hbm>>
          %dma_wait3A_126 = tpu.memref_slice %arg5[%multiple_of3A_125] : memref<320512xi32, #tpu.memory_space<hbm>> -> memref<128xi32, #tpu.memory_space<hbm>>
          tpu.wait_dma2 semaphore(%arg30 : memref<!tpu.dma_semaphore, #tpu.memory_space<semaphore_mem>>) src(%dma_wait3A_126 : memref<128xi32, #tpu.memory_space<hbm>>) dst(%arg17 : memref<128xi32, #tpu.memory_space<vmem>>)
          %dma_wait3A_127 = tpu.memref_slice %arg6[%multiple_of3A_125] : memref<320512xi32, #tpu.memory_space<hbm>> -> memref<128xi32, #tpu.memory_space<hbm>>
          %dma_wait3A_128 = tpu.memref_slice %arg6[%multiple_of3A_125] : memref<320512xi32, #tpu.memory_space<hbm>> -> memref<128xi32, #tpu.memory_space<hbm>>
          tpu.wait_dma2 semaphore(%arg30 : memref<!tpu.dma_semaphore, #tpu.memory_space<semaphore_mem>>) src(%dma_wait3A_128 : memref<128xi32, #tpu.memory_space<hbm>>) dst(%arg19 : memref<128xi32, #tpu.memory_space<vmem>>)
          %add3A_129 = arith.constant 0 : i32
          %add3A_130 = arith.addi %multiple_of3A_125, %add3A_129 : i32
          %add3A_131 = vector.broadcast %add3A_130 : i32 to vector<16xi32>
          %add3A_132 = arith.addi %add3A_131, %iota3A : vector<16xi32>
          %ge3A_133 = vector.broadcast %add3A_28 : i32 to vector<16xi32>
          %ge3A_134 = arith.cmpi sge, %add3A_132, %ge3A_133 : vector<16xi32>
          %lt3A_135 = vector.broadcast %add3A_35 : i32 to vector<16xi32>
          %lt3A_136 = arith.cmpi slt, %add3A_132, %lt3A_135 : vector<16xi32>
          %and3A_137 = arith.andi %ge3A_134, %lt3A_136 : vector<16xi1>
          %get3A_138 = arith.constant 0 : index
          %get3A_139 = tpu.vector_load %arg19[%get3A_138] {strides = array<i32>} : memref<128xi32, #tpu.memory_space<vmem>>, vector<16xi32>,
          %get3A_140 = vector.shape_cast %get3A_139 : vector<16xi32> to vector<16xi32>
          %jit3A = arith.constant 10000 : i32
          %broadcast_in_dim3A = vector.broadcast %jit3A : i32 to vector<16xi32>
          %select_n3A = arith.select %and3A_137, %get3A_140, %broadcast_in_dim3A : vector<16xi1>, vector<16xi32>
          %swap3A = arith.constant 0 : index
          %swap3A_141 = tpu.vector_load %arg21[%swap3A] {strides = array<i32>} : memref<128xi32, #tpu.memory_space<vmem>>, vector<16xi32>,
          %swap3A_142 = vector.shape_cast %swap3A_141 : vector<16xi32> to vector<16xi32>
          %swap3A_143 = vector.shape_cast %select_n3A : vector<16xi32> to vector<16xi32>
          tpu.vector_store %arg21[%swap3A], %swap3A_143 {strides = array<i32>} : memref<128xi32, #tpu.memory_space<vmem>>, vector<16xi32>,
          %get3A_144 = arith.constant 0 : index
          %get3A_145 = tpu.vector_load %arg17[%get3A_144] {strides = array<i32>} : memref<128xi32, #tpu.memory_space<vmem>>, vector<16xi32>,
          %get3A_146 = vector.shape_cast %get3A_145 : vector<16xi32> to vector<16xi32>
          %sub3A_147 = vector.broadcast %shift_left3A_7 : i32 to vector<16xi32>
          %sub3A_148 = arith.subi %get3A_146, %sub3A_147 : vector<16xi32>
          %jit3A_149 = arith.constant 0 : i32
          %broadcast_in_dim3A_150 = vector.broadcast %jit3A_149 : i32 to vector<16xi32>
          %select_n3A_151 = arith.select %and3A_137, %sub3A_148, %broadcast_in_dim3A_150 : vector<16xi1>, vector<16xi32>
          %swap3A_152 = arith.constant 0 : index
          %swap3A_153 = tpu.vector_load %arg23[%swap3A_152] {strides = array<i32>} : memref<128xi32, #tpu.memory_space<vmem>>, vector<16xi32>,
          %swap3A_154 = vector.shape_cast %swap3A_153 : vector<16xi32> to vector<16xi32>
          %swap3A_155 = vector.shape_cast %select_n3A_151 : vector<16xi32> to vector<16xi32>
          tpu.vector_store %arg23[%swap3A_152], %swap3A_155 {strides = array<i32>} : memref<128xi32, #tpu.memory_space<vmem>>, vector<16xi32>,
          %add3A_156 = arith.constant 16 : i32
          %add3A_157 = arith.addi %multiple_of3A_125, %add3A_156 : i32
          %add3A_158 = vector.broadcast %add3A_157 : i32 to vector<16xi32>
          %add3A_159 = arith.addi %add3A_158, %iota3A : vector<16xi32>
          %ge3A_160 = vector.broadcast %add3A_28 : i32 to vector<16xi32>
          %ge3A_161 = arith.cmpi sge, %add3A_159, %ge3A_160 : vector<16xi32>
          %lt3A_162 = vector.broadcast %add3A_35 : i32 to vector<16xi32>
          %lt3A_163 = arith.cmpi slt, %add3A_159, %lt3A_162 : vector<16xi32>
          %and3A_164 = arith.andi %ge3A_161, %lt3A_163 : vector<16xi1>
          %get3A_165 = arith.constant 16 : index
          %get3A_166 = tpu.vector_load %arg19[%get3A_165] {strides = array<i32>} : memref<128xi32, #tpu.memory_space<vmem>>, vector<16xi32>,
          %get3A_167 = vector.shape_cast %get3A_166 : vector<16xi32> to vector<16xi32>
          %jit3A_168 = arith.constant 10000 : i32
          %broadcast_in_dim3A_169 = vector.broadcast %jit3A_168 : i32 to vector<16xi32>
          %select_n3A_170 = arith.select %and3A_164, %get3A_167, %broadcast_in_dim3A_169 : vector<16xi1>, vector<16xi32>
          %swap3A_171 = arith.constant 16 : index
          %swap3A_172 = tpu.vector_load %arg21[%swap3A_171] {strides = array<i32>} : memref<128xi32, #tpu.memory_space<vmem>>, vector<16xi32>,
          %swap3A_173 = vector.shape_cast %swap3A_172 : vector<16xi32> to vector<16xi32>
          %swap3A_174 = vector.shape_cast %select_n3A_170 : vector<16xi32> to vector<16xi32>
          tpu.vector_store %arg21[%swap3A_171], %swap3A_174 {strides = array<i32>} : memref<128xi32, #tpu.memory_space<vmem>>, vector<16xi32>,
          %get3A_175 = arith.constant 16 : index
          %get3A_176 = tpu.vector_load %arg17[%get3A_175] {strides = array<i32>} : memref<128xi32, #tpu.memory_space<vmem>>, vector<16xi32>,
          %get3A_177 = vector.shape_cast %get3A_176 : vector<16xi32> to vector<16xi32>
          %sub3A_178 = vector.broadcast %shift_left3A_7 : i32 to vector<16xi32>
          %sub3A_179 = arith.subi %get3A_177, %sub3A_178 : vector<16xi32>
          %jit3A_180 = arith.constant 0 : i32
          %broadcast_in_dim3A_181 = vector.broadcast %jit3A_180 : i32 to vector<16xi32>
          %select_n3A_182 = arith.select %and3A_164, %sub3A_179, %broadcast_in_dim3A_181 : vector<16xi1>, vector<16xi32>
          %swap3A_183 = arith.constant 16 : index
          %swap3A_184 = tpu.vector_load %arg23[%swap3A_183] {strides = array<i32>} : memref<128xi32, #tpu.memory_space<vmem>>, vector<16xi32>,
          %swap3A_185 = vector.shape_cast %swap3A_184 : vector<16xi32> to vector<16xi32>
          %swap3A_186 = vector.shape_cast %select_n3A_182 : vector<16xi32> to vector<16xi32>
          tpu.vector_store %arg23[%swap3A_183], %swap3A_186 {strides = array<i32>} : memref<128xi32, #tpu.memory_space<vmem>>, vector<16xi32>,
          %add3A_187 = arith.constant 32 : i32
          %add3A_188 = arith.addi %multiple_of3A_125, %add3A_187 : i32
          %add3A_189 = vector.broadcast %add3A_188 : i32 to vector<16xi32>
          %add3A_190 = arith.addi %add3A_189, %iota3A : vector<16xi32>
          %ge3A_191 = vector.broadcast %add3A_28 : i32 to vector<16xi32>
          %ge3A_192 = arith.cmpi sge, %add3A_190, %ge3A_191 : vector<16xi32>
          %lt3A_193 = vector.broadcast %add3A_35 : i32 to vector<16xi32>
          %lt3A_194 = arith.cmpi slt, %add3A_190, %lt3A_193 : vector<16xi32>
          %and3A_195 = arith.andi %ge3A_192, %lt3A_194 : vector<16xi1>
          %get3A_196 = arith.constant 32 : index
          %get3A_197 = tpu.vector_load %arg19[%get3A_196] {strides = array<i32>} : memref<128xi32, #tpu.memory_space<vmem>>, vector<16xi32>,
          %get3A_198 = vector.shape_cast %get3A_197 : vector<16xi32> to vector<16xi32>
          %jit3A_199 = arith.constant 10000 : i32
          %broadcast_in_dim3A_200 = vector.broadcast %jit3A_199 : i32 to vector<16xi32>
          %select_n3A_201 = arith.select %and3A_195, %get3A_198, %broadcast_in_dim3A_200 : vector<16xi1>, vector<16xi32>
          %swap3A_202 = arith.constant 32 : index
          %swap3A_203 = tpu.vector_load %arg21[%swap3A_202] {strides = array<i32>} : memref<128xi32, #tpu.memory_space<vmem>>, vector<16xi32>,
          %swap3A_204 = vector.shape_cast %swap3A_203 : vector<16xi32> to vector<16xi32>
          %swap3A_205 = vector.shape_cast %select_n3A_201 : vector<16xi32> to vector<16xi32>
          tpu.vector_store %arg21[%swap3A_202], %swap3A_205 {strides = array<i32>} : memref<128xi32, #tpu.memory_space<vmem>>, vector<16xi32>,
          %get3A_206 = arith.constant 32 : index
          %get3A_207 = tpu.vector_load %arg17[%get3A_206] {strides = array<i32>} : memref<128xi32, #tpu.memory_space<vmem>>, vector<16xi32>,
          %get3A_208 = vector.shape_cast %get3A_207 : vector<16xi32> to vector<16xi32>
          %sub3A_209 = vector.broadcast %shift_left3A_7 : i32 to vector<16xi32>
          %sub3A_210 = arith.subi %get3A_208, %sub3A_209 : vector<16xi32>
          %jit3A_211 = arith.constant 0 : i32
          %broadcast_in_dim3A_212 = vector.broadcast %jit3A_211 : i32 to vector<16xi32>
          %select_n3A_213 = arith.select %and3A_195, %sub3A_210, %broadcast_in_dim3A_212 : vector<16xi1>, vector<16xi32>
          %swap3A_214 = arith.constant 32 : index
          %swap3A_215 = tpu.vector_load %arg23[%swap3A_214] {strides = array<i32>} : memref<128xi32, #tpu.memory_space<vmem>>, vector<16xi32>,
          %swap3A_216 = vector.shape_cast %swap3A_215 : vector<16xi32> to vector<16xi32>
          %swap3A_217 = vector.shape_cast %select_n3A_213 : vector<16xi32> to vector<16xi32>
          tpu.vector_store %arg23[%swap3A_214], %swap3A_217 {strides = array<i32>} : memref<128xi32, #tpu.memory_space<vmem>>, vector<16xi32>,
          %add3A_218 = arith.constant 48 : i32
          %add3A_219 = arith.addi %multiple_of3A_125, %add3A_218 : i32
          %add3A_220 = vector.broadcast %add3A_219 : i32 to vector<16xi32>
          %add3A_221 = arith.addi %add3A_220, %iota3A : vector<16xi32>
          %ge3A_222 = vector.broadcast %add3A_28 : i32 to vector<16xi32>
          %ge3A_223 = arith.cmpi sge, %add3A_221, %ge3A_222 : vector<16xi32>
          %lt3A_224 = vector.broadcast %add3A_35 : i32 to vector<16xi32>
          %lt3A_225 = arith.cmpi slt, %add3A_221, %lt3A_224 : vector<16xi32>
          %and3A_226 = arith.andi %ge3A_223, %lt3A_225 : vector<16xi1>
          %get3A_227 = arith.constant 48 : index
          %get3A_228 = tpu.vector_load %arg19[%get3A_227] {strides = array<i32>} : memref<128xi32, #tpu.memory_space<vmem>>, vector<16xi32>,
          %get3A_229 = vector.shape_cast %get3A_228 : vector<16xi32> to vector<16xi32>
          %jit3A_230 = arith.constant 10000 : i32
          %broadcast_in_dim3A_231 = vector.broadcast %jit3A_230 : i32 to vector<16xi32>
          %select_n3A_232 = arith.select %and3A_226, %get3A_229, %broadcast_in_dim3A_231 : vector<16xi1>, vector<16xi32>
          %swap3A_233 = arith.constant 48 : index
          %swap3A_234 = tpu.vector_load %arg21[%swap3A_233] {strides = array<i32>} : memref<128xi32, #tpu.memory_space<vmem>>, vector<16xi32>,
          %swap3A_235 = vector.shape_cast %swap3A_234 : vector<16xi32> to vector<16xi32>
          %swap3A_236 = vector.shape_cast %select_n3A_232 : vector<16xi32> to vector<16xi32>
          tpu.vector_store %arg21[%swap3A_233], %swap3A_236 {strides = array<i32>} : memref<128xi32, #tpu.memory_space<vmem>>, vector<16xi32>,
          %get3A_237 = arith.constant 48 : index
          %get3A_238 = tpu.vector_load %arg17[%get3A_237] {strides = array<i32>} : memref<128xi32, #tpu.memory_space<vmem>>, vector<16xi32>,
          %get3A_239 = vector.shape_cast %get3A_238 : vector<16xi32> to vector<16xi32>
          %sub3A_240 = vector.broadcast %shift_left3A_7 : i32 to vector<16xi32>
          %sub3A_241 = arith.subi %get3A_239, %sub3A_240 : vector<16xi32>
          %jit3A_242 = arith.constant 0 : i32
          %broadcast_in_dim3A_243 = vector.broadcast %jit3A_242 : i32 to vector<16xi32>
          %select_n3A_244 = arith.select %and3A_226, %sub3A_241, %broadcast_in_dim3A_243 : vector<16xi1>, vector<16xi32>
          %swap3A_245 = arith.constant 48 : index
          %swap3A_246 = tpu.vector_load %arg23[%swap3A_245] {strides = array<i32>} : memref<128xi32, #tpu.memory_space<vmem>>, vector<16xi32>,
          %swap3A_247 = vector.shape_cast %swap3A_246 : vector<16xi32> to vector<16xi32>
          %swap3A_248 = vector.shape_cast %select_n3A_244 : vector<16xi32> to vector<16xi32>
          tpu.vector_store %arg23[%swap3A_245], %swap3A_248 {strides = array<i32>} : memref<128xi32, #tpu.memory_space<vmem>>, vector<16xi32>,
          %add3A_249 = arith.constant 64 : i32
          %add3A_250 = arith.addi %multiple_of3A_125, %add3A_249 : i32
          %add3A_251 = vector.broadcast %add3A_250 : i32 to vector<16xi32>
          %add3A_252 = arith.addi %add3A_251, %iota3A : vector<16xi32>
          %ge3A_253 = vector.broadcast %add3A_28 : i32 to vector<16xi32>
          %ge3A_254 = arith.cmpi sge, %add3A_252, %ge3A_253 : vector<16xi32>
          %lt3A_255 = vector.broadcast %add3A_35 : i32 to vector<16xi32>
          %lt3A_256 = arith.cmpi slt, %add3A_252, %lt3A_255 : vector<16xi32>
          %and3A_257 = arith.andi %ge3A_254, %lt3A_256 : vector<16xi1>
          %get3A_258 = arith.constant 64 : index
          %get3A_259 = tpu.vector_load %arg19[%get3A_258] {strides = array<i32>} : memref<128xi32, #tpu.memory_space<vmem>>, vector<16xi32>,
          %get3A_260 = vector.shape_cast %get3A_259 : vector<16xi32> to vector<16xi32>
          %jit3A_261 = arith.constant 10000 : i32
          %broadcast_in_dim3A_262 = vector.broadcast %jit3A_261 : i32 to vector<16xi32>
          %select_n3A_263 = arith.select %and3A_257, %get3A_260, %broadcast_in_dim3A_262 : vector<16xi1>, vector<16xi32>
          %swap3A_264 = arith.constant 64 : index
          %swap3A_265 = tpu.vector_load %arg21[%swap3A_264] {strides = array<i32>} : memref<128xi32, #tpu.memory_space<vmem>>, vector<16xi32>,
          %swap3A_266 = vector.shape_cast %swap3A_265 : vector<16xi32> to vector<16xi32>
          %swap3A_267 = vector.shape_cast %select_n3A_263 : vector<16xi32> to vector<16xi32>
          tpu.vector_store %arg21[%swap3A_264], %swap3A_267 {strides = array<i32>} : memref<128xi32, #tpu.memory_space<vmem>>, vector<16xi32>,
          %get3A_268 = arith.constant 64 : index
          %get3A_269 = tpu.vector_load %arg17[%get3A_268] {strides = array<i32>} : memref<128xi32, #tpu.memory_space<vmem>>, vector<16xi32>,
          %get3A_270 = vector.shape_cast %get3A_269 : vector<16xi32> to vector<16xi32>
          %sub3A_271 = vector.broadcast %shift_left3A_7 : i32 to vector<16xi32>
          %sub3A_272 = arith.subi %get3A_270, %sub3A_271 : vector<16xi32>
          %jit3A_273 = arith.constant 0 : i32
          %broadcast_in_dim3A_274 = vector.broadcast %jit3A_273 : i32 to vector<16xi32>
          %select_n3A_275 = arith.select %and3A_257, %sub3A_272, %broadcast_in_dim3A_274 : vector<16xi1>, vector<16xi32>
          %swap3A_276 = arith.constant 64 : index
          %swap3A_277 = tpu.vector_load %arg23[%swap3A_276] {strides = array<i32>} : memref<128xi32, #tpu.memory_space<vmem>>, vector<16xi32>,
          %swap3A_278 = vector.shape_cast %swap3A_277 : vector<16xi32> to vector<16xi32>
          %swap3A_279 = vector.shape_cast %select_n3A_275 : vector<16xi32> to vector<16xi32>
          tpu.vector_store %arg23[%swap3A_276], %swap3A_279 {strides = array<i32>} : memref<128xi32, #tpu.memory_space<vmem>>, vector<16xi32>,
          %add3A_280 = arith.constant 80 : i32
          %add3A_281 = arith.addi %multiple_of3A_125, %add3A_280 : i32
          %add3A_282 = vector.broadcast %add3A_281 : i32 to vector<16xi32>
          %add3A_283 = arith.addi %add3A_282, %iota3A : vector<16xi32>
          %ge3A_284 = vector.broadcast %add3A_28 : i32 to vector<16xi32>
          %ge3A_285 = arith.cmpi sge, %add3A_283, %ge3A_284 : vector<16xi32>
          %lt3A_286 = vector.broadcast %add3A_35 : i32 to vector<16xi32>
          %lt3A_287 = arith.cmpi slt, %add3A_283, %lt3A_286 : vector<16xi32>
          %and3A_288 = arith.andi %ge3A_285, %lt3A_287 : vector<16xi1>
          %get3A_289 = arith.constant 80 : index
          %get3A_290 = tpu.vector_load %arg19[%get3A_289] {strides = array<i32>} : memref<128xi32, #tpu.memory_space<vmem>>, vector<16xi32>,
          %get3A_291 = vector.shape_cast %get3A_290 : vector<16xi32> to vector<16xi32>
          %jit3A_292 = arith.constant 10000 : i32
          %broadcast_in_dim3A_293 = vector.broadcast %jit3A_292 : i32 to vector<16xi32>
          %select_n3A_294 = arith.select %and3A_288, %get3A_291, %broadcast_in_dim3A_293 : vector<16xi1>, vector<16xi32>
          %swap3A_295 = arith.constant 80 : index
          %swap3A_296 = tpu.vector_load %arg21[%swap3A_295] {strides = array<i32>} : memref<128xi32, #tpu.memory_space<vmem>>, vector<16xi32>,
          %swap3A_297 = vector.shape_cast %swap3A_296 : vector<16xi32> to vector<16xi32>
          %swap3A_298 = vector.shape_cast %select_n3A_294 : vector<16xi32> to vector<16xi32>
          tpu.vector_store %arg21[%swap3A_295], %swap3A_298 {strides = array<i32>} : memref<128xi32, #tpu.memory_space<vmem>>, vector<16xi32>,
          %get3A_299 = arith.constant 80 : index
          %get3A_300 = tpu.vector_load %arg17[%get3A_299] {strides = array<i32>} : memref<128xi32, #tpu.memory_space<vmem>>, vector<16xi32>,
          %get3A_301 = vector.shape_cast %get3A_300 : vector<16xi32> to vector<16xi32>
          %sub3A_302 = vector.broadcast %shift_left3A_7 : i32 to vector<16xi32>
          %sub3A_303 = arith.subi %get3A_301, %sub3A_302 : vector<16xi32>
          %jit3A_304 = arith.constant 0 : i32
          %broadcast_in_dim3A_305 = vector.broadcast %jit3A_304 : i32 to vector<16xi32>
          %select_n3A_306 = arith.select %and3A_288, %sub3A_303, %broadcast_in_dim3A_305 : vector<16xi1>, vector<16xi32>
          %swap3A_307 = arith.constant 80 : index
          %swap3A_308 = tpu.vector_load %arg23[%swap3A_307] {strides = array<i32>} : memref<128xi32, #tpu.memory_space<vmem>>, vector<16xi32>,
          %swap3A_309 = vector.shape_cast %swap3A_308 : vector<16xi32> to vector<16xi32>
          %swap3A_310 = vector.shape_cast %select_n3A_306 : vector<16xi32> to vector<16xi32>
          tpu.vector_store %arg23[%swap3A_307], %swap3A_310 {strides = array<i32>} : memref<128xi32, #tpu.memory_space<vmem>>, vector<16xi32>,
          %add3A_311 = arith.constant 96 : i32
          %add3A_312 = arith.addi %multiple_of3A_125, %add3A_311 : i32
          %add3A_313 = vector.broadcast %add3A_312 : i32 to vector<16xi32>
          %add3A_314 = arith.addi %add3A_313, %iota3A : vector<16xi32>
          %ge3A_315 = vector.broadcast %add3A_28 : i32 to vector<16xi32>
          %ge3A_316 = arith.cmpi sge, %add3A_314, %ge3A_315 : vector<16xi32>
          %lt3A_317 = vector.broadcast %add3A_35 : i32 to vector<16xi32>
          %lt3A_318 = arith.cmpi slt, %add3A_314, %lt3A_317 : vector<16xi32>
          %and3A_319 = arith.andi %ge3A_316, %lt3A_318 : vector<16xi1>
          %get3A_320 = arith.constant 96 : index
          %get3A_321 = tpu.vector_load %arg19[%get3A_320] {strides = array<i32>} : memref<128xi32, #tpu.memory_space<vmem>>, vector<16xi32>,
          %get3A_322 = vector.shape_cast %get3A_321 : vector<16xi32> to vector<16xi32>
          %jit3A_323 = arith.constant 10000 : i32
          %broadcast_in_dim3A_324 = vector.broadcast %jit3A_323 : i32 to vector<16xi32>
          %select_n3A_325 = arith.select %and3A_319, %get3A_322, %broadcast_in_dim3A_324 : vector<16xi1>, vector<16xi32>
          %swap3A_326 = arith.constant 96 : index
          %swap3A_327 = tpu.vector_load %arg21[%swap3A_326] {strides = array<i32>} : memref<128xi32, #tpu.memory_space<vmem>>, vector<16xi32>,
          %swap3A_328 = vector.shape_cast %swap3A_327 : vector<16xi32> to vector<16xi32>
          %swap3A_329 = vector.shape_cast %select_n3A_325 : vector<16xi32> to vector<16xi32>
          tpu.vector_store %arg21[%swap3A_326], %swap3A_329 {strides = array<i32>} : memref<128xi32, #tpu.memory_space<vmem>>, vector<16xi32>,
          %get3A_330 = arith.constant 96 : index
          %get3A_331 = tpu.vector_load %arg17[%get3A_330] {strides = array<i32>} : memref<128xi32, #tpu.memory_space<vmem>>, vector<16xi32>,
          %get3A_332 = vector.shape_cast %get3A_331 : vector<16xi32> to vector<16xi32>
          %sub3A_333 = vector.broadcast %shift_left3A_7 : i32 to vector<16xi32>
          %sub3A_334 = arith.subi %get3A_332, %sub3A_333 : vector<16xi32>
          %jit3A_335 = arith.constant 0 : i32
          %broadcast_in_dim3A_336 = vector.broadcast %jit3A_335 : i32 to vector<16xi32>
          %select_n3A_337 = arith.select %and3A_319, %sub3A_334, %broadcast_in_dim3A_336 : vector<16xi1>, vector<16xi32>
          %swap3A_338 = arith.constant 96 : index
          %swap3A_339 = tpu.vector_load %arg23[%swap3A_338] {strides = array<i32>} : memref<128xi32, #tpu.memory_space<vmem>>, vector<16xi32>,
          %swap3A_340 = vector.shape_cast %swap3A_339 : vector<16xi32> to vector<16xi32>
          %swap3A_341 = vector.shape_cast %select_n3A_337 : vector<16xi32> to vector<16xi32>
          tpu.vector_store %arg23[%swap3A_338], %swap3A_341 {strides = array<i32>} : memref<128xi32, #tpu.memory_space<vmem>>, vector<16xi32>,
          %add3A_342 = arith.constant 112 : i32
          %add3A_343 = arith.addi %multiple_of3A_125, %add3A_342 : i32
          %add3A_344 = vector.broadcast %add3A_343 : i32 to vector<16xi32>
          %add3A_345 = arith.addi %add3A_344, %iota3A : vector<16xi32>
          %ge3A_346 = vector.broadcast %add3A_28 : i32 to vector<16xi32>
          %ge3A_347 = arith.cmpi sge, %add3A_345, %ge3A_346 : vector<16xi32>
          %lt3A_348 = vector.broadcast %add3A_35 : i32 to vector<16xi32>
          %lt3A_349 = arith.cmpi slt, %add3A_345, %lt3A_348 : vector<16xi32>
          %and3A_350 = arith.andi %ge3A_347, %lt3A_349 : vector<16xi1>
          %get3A_351 = arith.constant 112 : index
          %get3A_352 = tpu.vector_load %arg19[%get3A_351] {strides = array<i32>} : memref<128xi32, #tpu.memory_space<vmem>>, vector<16xi32>,
          %get3A_353 = vector.shape_cast %get3A_352 : vector<16xi32> to vector<16xi32>
          %jit3A_354 = arith.constant 10000 : i32
          %broadcast_in_dim3A_355 = vector.broadcast %jit3A_354 : i32 to vector<16xi32>
          %select_n3A_356 = arith.select %and3A_350, %get3A_353, %broadcast_in_dim3A_355 : vector<16xi1>, vector<16xi32>
          %swap3A_357 = arith.constant 112 : index
          %swap3A_358 = tpu.vector_load %arg21[%swap3A_357] {strides = array<i32>} : memref<128xi32, #tpu.memory_space<vmem>>, vector<16xi32>,
          %swap3A_359 = vector.shape_cast %swap3A_358 : vector<16xi32> to vector<16xi32>
          %swap3A_360 = vector.shape_cast %select_n3A_356 : vector<16xi32> to vector<16xi32>
          tpu.vector_store %arg21[%swap3A_357], %swap3A_360 {strides = array<i32>} : memref<128xi32, #tpu.memory_space<vmem>>, vector<16xi32>,
          %get3A_361 = arith.constant 112 : index
          %get3A_362 = tpu.vector_load %arg17[%get3A_361] {strides = array<i32>} : memref<128xi32, #tpu.memory_space<vmem>>, vector<16xi32>,
          %get3A_363 = vector.shape_cast %get3A_362 : vector<16xi32> to vector<16xi32>
          %sub3A_364 = vector.broadcast %shift_left3A_7 : i32 to vector<16xi32>
          %sub3A_365 = arith.subi %get3A_363, %sub3A_364 : vector<16xi32>
          %jit3A_366 = arith.constant 0 : i32
          %broadcast_in_dim3A_367 = vector.broadcast %jit3A_366 : i32 to vector<16xi32>
          %select_n3A_368 = arith.select %and3A_350, %sub3A_365, %broadcast_in_dim3A_367 : vector<16xi1>, vector<16xi32>
          %swap3A_369 = arith.constant 112 : index
          %swap3A_370 = tpu.vector_load %arg23[%swap3A_369] {strides = array<i32>} : memref<128xi32, #tpu.memory_space<vmem>>, vector<16xi32>,
          %swap3A_371 = vector.shape_cast %swap3A_370 : vector<16xi32> to vector<16xi32>
          %swap3A_372 = vector.shape_cast %select_n3A_368 : vector<16xi32> to vector<16xi32>
          tpu.vector_store %arg23[%swap3A_369], %swap3A_372 {strides = array<i32>} : memref<128xi32, #tpu.memory_space<vmem>>, vector<16xi32>,
          %dma_start3A_373 = arith.constant 0 : i32
          %dma_start3A_374 = arith.constant 0 : i32
          %dma_start3A_375 = tpu.memref_slice %arg2[%dma_start3A_373, %dma_start3A_374] : memref<10240x128xf32, #tpu.memory_space<hbm>> -> memref<10240x128xf32, #tpu.memory_space<hbm>>
          tpu.enqueue_indirect_dma source(%dma_start3A_375 : memref<10240x128xf32, #tpu.memory_space<hbm>>) target(%arg15 : memref<128x128xf32, #tpu.memory_space<vmem>>) offsets(%arg21 : memref<128xi32, #tpu.memory_space<vmem>>) semaphore(%arg27 : memref<!tpu.dma_semaphore, #tpu.memory_space<semaphore_mem>>)
        } else {
        }
        %add3A_88 = arith.constant 1 : i32
        %add3A_89 = arith.addi %while3A_73, %add3A_88 : i32
        %lt3A_90 = arith.cmpi slt, %add3A_89, %shift_right_arithmetic3A_42 : i32
        %eq3A_91 = arith.constant 0 : i32
        %eq3A_92 = arith.cmpi eq, %and3A_75, %eq3A_91 : i32
        %and3A_93 = arith.andi %lt3A_90, %eq3A_92 : i1
        %convert_element_type3A_94 = arith.extui %and3A_93 : i1 to i32
        %cond3A_95 = arith.constant 0 : i32
        %cond3A_96 = arith.cmpi ne, %convert_element_type3A_94, %cond3A_95 : i32
        scf.if %cond3A_96 {
          %add3A_122 = arith.constant 1 : i32
          %add3A_123 = arith.addi %while3A_73, %add3A_122 : i32
          %shift_left3A_124 = arith.constant 7 : i32
          %shift_left3A_125 = arith.shli %add3A_123, %shift_left3A_124 : i32
          %add3A_126 = arith.addi %sub3A_37, %shift_left3A_125 : i32
          %multiple_of3A_127 = tpu.assume_multiple %add3A_126, 8 : i32
          %dma_start3A_128 = tpu.memref_slice %arg5[%multiple_of3A_127] : memref<320512xi32, #tpu.memory_space<hbm>> -> memref<128xi32, #tpu.memory_space<hbm>>
          %dma_start3A_129 = tpu.memref_slice %arg5[%multiple_of3A_127] : memref<320512xi32, #tpu.memory_space<hbm>> -> memref<128xi32, #tpu.memory_space<hbm>>
          tpu.enqueue_dma source(%dma_start3A_129 : memref<128xi32, #tpu.memory_space<hbm>>) target(%arg17 : memref<128xi32, #tpu.memory_space<vmem>>) target_semaphore(%arg30 : memref<!tpu.dma_semaphore, #tpu.memory_space<semaphore_mem>>)
          %dma_start3A_130 = tpu.memref_slice %arg6[%multiple_of3A_127] : memref<320512xi32, #tpu.memory_space<hbm>> -> memref<128xi32, #tpu.memory_space<hbm>>
          %dma_start3A_131 = tpu.memref_slice %arg6[%multiple_of3A_127] : memref<320512xi32, #tpu.memory_space<hbm>> -> memref<128xi32, #tpu.memory_space<hbm>>
          tpu.enqueue_dma source(%dma_start3A_131 : memref<128xi32, #tpu.memory_space<hbm>>) target(%arg19 : memref<128xi32, #tpu.memory_space<vmem>>) target_semaphore(%arg30 : memref<!tpu.dma_semaphore, #tpu.memory_space<semaphore_mem>>)
        } else {
        }
        %add3A_97 = arith.constant 1 : i32
        %add3A_98 = arith.addi %while3A_73, %add3A_97 : i32
        %lt3A_99 = arith.cmpi slt, %add3A_98, %shift_right_arithmetic3A_42 : i32
        %eq3A_100 = arith.constant 1 : i32
        %eq3A_101 = arith.cmpi eq, %and3A_75, %eq3A_100 : i32
        %and3A_102 = arith.andi %lt3A_99, %eq3A_101 : i1
        %convert_element_type3A_103 = arith.extui %and3A_102 : i1 to i32
        %cond3A_104 = arith.constant 0 : i32
        %cond3A_105 = arith.cmpi ne, %convert_element_type3A_103, %cond3A_104 : i32
        scf.if %cond3A_105 {
          %add3A_122 = arith.constant 1 : i32
          %add3A_123 = arith.addi %while3A_73, %add3A_122 : i32
          %shift_left3A_124 = arith.constant 7 : i32
          %shift_left3A_125 = arith.shli %add3A_123, %shift_left3A_124 : i32
          %add3A_126 = arith.addi %sub3A_37, %shift_left3A_125 : i32
          %multiple_of3A_127 = tpu.assume_multiple %add3A_126, 8 : i32
          %dma_start3A_128 = tpu.memref_slice %arg5[%multiple_of3A_127] : memref<320512xi32, #tpu.memory_space<hbm>> -> memref<128xi32, #tpu.memory_space<hbm>>
          %dma_start3A_129 = tpu.memref_slice %arg5[%multiple_of3A_127] : memref<320512xi32, #tpu.memory_space<hbm>> -> memref<128xi32, #tpu.memory_space<hbm>>
          tpu.enqueue_dma source(%dma_start3A_129 : memref<128xi32, #tpu.memory_space<hbm>>) target(%arg16 : memref<128xi32, #tpu.memory_space<vmem>>) target_semaphore(%arg29 : memref<!tpu.dma_semaphore, #tpu.memory_space<semaphore_mem>>)
          %dma_start3A_130 = tpu.memref_slice %arg6[%multiple_of3A_127] : memref<320512xi32, #tpu.memory_space<hbm>> -> memref<128xi32, #tpu.memory_space<hbm>>
          %dma_start3A_131 = tpu.memref_slice %arg6[%multiple_of3A_127] : memref<320512xi32, #tpu.memory_space<hbm>> -> memref<128xi32, #tpu.memory_space<hbm>>
          tpu.enqueue_dma source(%dma_start3A_131 : memref<128xi32, #tpu.memory_space<hbm>>) target(%arg18 : memref<128xi32, #tpu.memory_space<vmem>>) target_semaphore(%arg29 : memref<!tpu.dma_semaphore, #tpu.memory_space<semaphore_mem>>)
        } else {
        }
        %ge3A_106 = arith.constant 1 : i32
        %ge3A_107 = arith.cmpi sge, %while3A_73, %ge3A_106 : i32
        %eq3A_108 = arith.constant 1 : i32
        %eq3A_109 = arith.cmpi eq, %and3A_75, %eq3A_108 : i32
        %and3A_110 = arith.andi %ge3A_107, %eq3A_109 : i1
        %convert_element_type3A_111 = arith.extui %and3A_110 : i1 to i32
        %cond3A_112 = arith.constant 0 : i32
        %cond3A_113 = arith.cmpi ne, %convert_element_type3A_111, %cond3A_112 : i32
        scf.if %cond3A_113 {
          %dma_wait3A = arith.constant 0 : i32
          %dma_wait3A_122 = arith.constant 0 : i32
          %dma_wait3A_123 = tpu.memref_slice %arg2[%dma_wait3A, %dma_wait3A_122] : memref<10240x128xf32, #tpu.memory_space<hbm>> -> memref<10240x128xf32, #tpu.memory_space<hbm>>
          tpu.wait_indirect_dma semaphore(%arg26 : memref<!tpu.dma_semaphore, #tpu.memory_space<semaphore_mem>>) src(%dma_wait3A_123 : memref<10240x128xf32, #tpu.memory_space<hbm>>) dst(%arg14 : memref<128x128xf32, #tpu.memory_space<vmem>>)
          %dma_start3A_124 = arith.constant 0 : i32
          %dma_start3A_125 = arith.constant 0 : i32
          %dma_start3A_126 = tpu.memref_slice %arg12[%dma_start3A_124, %dma_start3A_125] : memref<8192x128xf32, #tpu.memory_space<vmem_shared>> -> memref<8192x128xf32, #tpu.memory_space<vmem_shared>>
          tpu.enqueue_indirect_dma source(%arg14 : memref<128x128xf32, #tpu.memory_space<vmem>>) target(%dma_start3A_126 : memref<8192x128xf32, #tpu.memory_space<vmem_shared>>) offsets(%arg22 : memref<128xi32, #tpu.memory_space<vmem>>) semaphore(%arg28 : memref<!tpu.dma_semaphore, #tpu.memory_space<semaphore_mem>>) {add = true}
          %dma_wait3A_127 = arith.constant 0 : i32
          %dma_wait3A_128 = arith.constant 0 : i32
          %dma_wait3A_129 = tpu.memref_slice %arg12[%dma_wait3A_127, %dma_wait3A_128] : memref<8192x128xf32, #tpu.memory_space<vmem_shared>> -> memref<8192x128xf32, #tpu.memory_space<vmem_shared>>
          tpu.wait_indirect_dma semaphore(%arg28 : memref<!tpu.dma_semaphore, #tpu.memory_space<semaphore_mem>>) src(%arg14 : memref<128x128xf32, #tpu.memory_space<vmem>>) dst(%dma_wait3A_129 : memref<8192x128xf32, #tpu.memory_space<vmem_shared>>)
        } else {
        }
        %ge3A_114 = arith.constant 1 : i32
        %ge3A_115 = arith.cmpi sge, %while3A_73, %ge3A_114 : i32
        %eq3A_116 = arith.constant 0 : i32
        %eq3A_117 = arith.cmpi eq, %and3A_75, %eq3A_116 : i32
        %and3A_118 = arith.andi %ge3A_115, %eq3A_117 : i1
        %convert_element_type3A_119 = arith.extui %and3A_118 : i1 to i32
        %cond3A_120 = arith.constant 0 : i32
        %cond3A_121 = arith.cmpi ne, %convert_element_type3A_119, %cond3A_120 : i32
        scf.if %cond3A_121 {
          %dma_wait3A = arith.constant 0 : i32
          %dma_wait3A_122 = arith.constant 0 : i32
          %dma_wait3A_123 = tpu.memref_slice %arg2[%dma_wait3A, %dma_wait3A_122] : memref<10240x128xf32, #tpu.memory_space<hbm>> -> memref<10240x128xf32, #tpu.memory_space<hbm>>
          tpu.wait_indirect_dma semaphore(%arg27 : memref<!tpu.dma_semaphore, #tpu.memory_space<semaphore_mem>>) src(%dma_wait3A_123 : memref<10240x128xf32, #tpu.memory_space<hbm>>) dst(%arg15 : memref<128x128xf32, #tpu.memory_space<vmem>>)
          %dma_start3A_124 = arith.constant 0 : i32
          %dma_start3A_125 = arith.constant 0 : i32
          %dma_start3A_126 = tpu.memref_slice %arg12[%dma_start3A_124, %dma_start3A_125] : memref<8192x128xf32, #tpu.memory_space<vmem_shared>> -> memref<8192x128xf32, #tpu.memory_space<vmem_shared>>
          tpu.enqueue_indirect_dma source(%arg15 : memref<128x128xf32, #tpu.memory_space<vmem>>) target(%dma_start3A_126 : memref<8192x128xf32, #tpu.memory_space<vmem_shared>>) offsets(%arg23 : memref<128xi32, #tpu.memory_space<vmem>>) semaphore(%arg28 : memref<!tpu.dma_semaphore, #tpu.memory_space<semaphore_mem>>) {add = true}
          %dma_wait3A_127 = arith.constant 0 : i32
          %dma_wait3A_128 = arith.constant 0 : i32
          %dma_wait3A_129 = tpu.memref_slice %arg12[%dma_wait3A_127, %dma_wait3A_128] : memref<8192x128xf32, #tpu.memory_space<vmem_shared>> -> memref<8192x128xf32, #tpu.memory_space<vmem_shared>>
          tpu.wait_indirect_dma semaphore(%arg28 : memref<!tpu.dma_semaphore, #tpu.memory_space<semaphore_mem>>) src(%arg15 : memref<128x128xf32, #tpu.memory_space<vmem>>) dst(%dma_wait3A_129 : memref<8192x128xf32, #tpu.memory_space<vmem_shared>>)
        } else {
        }
      }
      %while3A_55 = arith.constant 1 : i32
      scf.for %while3A_73 = %while3A_53 to %while3A_49 step %while3A_55  : i32 {
        %and3A_74 = arith.constant 1 : i32
        %and3A_75 = arith.andi %while3A_73, %and3A_74 : i32
        %lt3A = arith.cmpi slt, %while3A_73, %shift_right_arithmetic3A_42 : i32
        %eq3A = arith.constant 0 : i32
        %eq3A_76 = arith.cmpi eq, %and3A_75, %eq3A : i32
        %and3A_77 = arith.andi %lt3A, %eq3A_76 : i1
        %convert_element_type3A_78 = arith.extui %and3A_77 : i1 to i32
        %cond3A_79 = arith.constant 0 : i32
        %cond3A_80 = arith.cmpi ne, %convert_element_type3A_78, %cond3A_79 : i32
        scf.if %cond3A_80 {
          %shift_left3A_122 = arith.constant 7 : i32
          %shift_left3A_123 = arith.shli %while3A_73, %shift_left3A_122 : i32
          %add3A_124 = arith.addi %sub3A_37, %shift_left3A_123 : i32
          %multiple_of3A_125 = tpu.assume_multiple %add3A_124, 8 : i32
          %dma_wait3A = tpu.memref_slice %arg5[%multiple_of3A_125] : memref<320512xi32, #tpu.memory_space<hbm>> -> memref<128xi32, #tpu.memory_space<hbm>>
          %dma_wait3A_126 = tpu.memref_slice %arg5[%multiple_of3A_125] : memref<320512xi32, #tpu.memory_space<hbm>> -> memref<128xi32, #tpu.memory_space<hbm>>
          tpu.wait_dma2 semaphore(%arg29 : memref<!tpu.dma_semaphore, #tpu.memory_space<semaphore_mem>>) src(%dma_wait3A_126 : memref<128xi32, #tpu.memory_space<hbm>>) dst(%arg16 : memref<128xi32, #tpu.memory_space<vmem>>)
          %dma_wait3A_127 = tpu.memref_slice %arg6[%multiple_of3A_125] : memref<320512xi32, #tpu.memory_space<hbm>> -> memref<128xi32, #tpu.memory_space<hbm>>
          %dma_wait3A_128 = tpu.memref_slice %arg6[%multiple_of3A_125] : memref<320512xi32, #tpu.memory_space<hbm>> -> memref<128xi32, #tpu.memory_space<hbm>>
          tpu.wait_dma2 semaphore(%arg29 : memref<!tpu.dma_semaphore, #tpu.memory_space<semaphore_mem>>) src(%dma_wait3A_128 : memref<128xi32, #tpu.memory_space<hbm>>) dst(%arg18 : memref<128xi32, #tpu.memory_space<vmem>>)
          %add3A_129 = arith.constant 0 : i32
          %add3A_130 = arith.addi %multiple_of3A_125, %add3A_129 : i32
          %add3A_131 = vector.broadcast %add3A_130 : i32 to vector<16xi32>
          %add3A_132 = arith.addi %add3A_131, %iota3A : vector<16xi32>
          %ge3A_133 = vector.broadcast %add3A_28 : i32 to vector<16xi32>
          %ge3A_134 = arith.cmpi sge, %add3A_132, %ge3A_133 : vector<16xi32>
          %lt3A_135 = vector.broadcast %add3A_35 : i32 to vector<16xi32>
          %lt3A_136 = arith.cmpi slt, %add3A_132, %lt3A_135 : vector<16xi32>
          %and3A_137 = arith.andi %ge3A_134, %lt3A_136 : vector<16xi1>
          %get3A_138 = arith.constant 0 : index
          %get3A_139 = tpu.vector_load %arg18[%get3A_138] {strides = array<i32>} : memref<128xi32, #tpu.memory_space<vmem>>, vector<16xi32>,
          %get3A_140 = vector.shape_cast %get3A_139 : vector<16xi32> to vector<16xi32>
          %jit3A = arith.constant 10000 : i32
          %broadcast_in_dim3A = vector.broadcast %jit3A : i32 to vector<16xi32>
          %select_n3A = arith.select %and3A_137, %get3A_140, %broadcast_in_dim3A : vector<16xi1>, vector<16xi32>
          %swap3A = arith.constant 0 : index
          %swap3A_141 = tpu.vector_load %arg20[%swap3A] {strides = array<i32>} : memref<128xi32, #tpu.memory_space<vmem>>, vector<16xi32>,
          %swap3A_142 = vector.shape_cast %swap3A_141 : vector<16xi32> to vector<16xi32>
          %swap3A_143 = vector.shape_cast %select_n3A : vector<16xi32> to vector<16xi32>
          tpu.vector_store %arg20[%swap3A], %swap3A_143 {strides = array<i32>} : memref<128xi32, #tpu.memory_space<vmem>>, vector<16xi32>,
          %get3A_144 = arith.constant 0 : index
          %get3A_145 = tpu.vector_load %arg16[%get3A_144] {strides = array<i32>} : memref<128xi32, #tpu.memory_space<vmem>>, vector<16xi32>,
          %get3A_146 = vector.shape_cast %get3A_145 : vector<16xi32> to vector<16xi32>
          %sub3A_147 = vector.broadcast %shift_left3A_7 : i32 to vector<16xi32>
          %sub3A_148 = arith.subi %get3A_146, %sub3A_147 : vector<16xi32>
          %jit3A_149 = arith.constant 0 : i32
          %broadcast_in_dim3A_150 = vector.broadcast %jit3A_149 : i32 to vector<16xi32>
          %select_n3A_151 = arith.select %and3A_137, %sub3A_148, %broadcast_in_dim3A_150 : vector<16xi1>, vector<16xi32>
          %swap3A_152 = arith.constant 0 : index
          %swap3A_153 = tpu.vector_load %arg22[%swap3A_152] {strides = array<i32>} : memref<128xi32, #tpu.memory_space<vmem>>, vector<16xi32>,
          %swap3A_154 = vector.shape_cast %swap3A_153 : vector<16xi32> to vector<16xi32>
          %swap3A_155 = vector.shape_cast %select_n3A_151 : vector<16xi32> to vector<16xi32>
          tpu.vector_store %arg22[%swap3A_152], %swap3A_155 {strides = array<i32>} : memref<128xi32, #tpu.memory_space<vmem>>, vector<16xi32>,
          %add3A_156 = arith.constant 16 : i32
          %add3A_157 = arith.addi %multiple_of3A_125, %add3A_156 : i32
          %add3A_158 = vector.broadcast %add3A_157 : i32 to vector<16xi32>
          %add3A_159 = arith.addi %add3A_158, %iota3A : vector<16xi32>
          %ge3A_160 = vector.broadcast %add3A_28 : i32 to vector<16xi32>
          %ge3A_161 = arith.cmpi sge, %add3A_159, %ge3A_160 : vector<16xi32>
          %lt3A_162 = vector.broadcast %add3A_35 : i32 to vector<16xi32>
          %lt3A_163 = arith.cmpi slt, %add3A_159, %lt3A_162 : vector<16xi32>
          %and3A_164 = arith.andi %ge3A_161, %lt3A_163 : vector<16xi1>
          %get3A_165 = arith.constant 16 : index
          %get3A_166 = tpu.vector_load %arg18[%get3A_165] {strides = array<i32>} : memref<128xi32, #tpu.memory_space<vmem>>, vector<16xi32>,
          %get3A_167 = vector.shape_cast %get3A_166 : vector<16xi32> to vector<16xi32>
          %jit3A_168 = arith.constant 10000 : i32
          %broadcast_in_dim3A_169 = vector.broadcast %jit3A_168 : i32 to vector<16xi32>
          %select_n3A_170 = arith.select %and3A_164, %get3A_167, %broadcast_in_dim3A_169 : vector<16xi1>, vector<16xi32>
          %swap3A_171 = arith.constant 16 : index
          %swap3A_172 = tpu.vector_load %arg20[%swap3A_171] {strides = array<i32>} : memref<128xi32, #tpu.memory_space<vmem>>, vector<16xi32>,
          %swap3A_173 = vector.shape_cast %swap3A_172 : vector<16xi32> to vector<16xi32>
          %swap3A_174 = vector.shape_cast %select_n3A_170 : vector<16xi32> to vector<16xi32>
          tpu.vector_store %arg20[%swap3A_171], %swap3A_174 {strides = array<i32>} : memref<128xi32, #tpu.memory_space<vmem>>, vector<16xi32>,
          %get3A_175 = arith.constant 16 : index
          %get3A_176 = tpu.vector_load %arg16[%get3A_175] {strides = array<i32>} : memref<128xi32, #tpu.memory_space<vmem>>, vector<16xi32>,
          %get3A_177 = vector.shape_cast %get3A_176 : vector<16xi32> to vector<16xi32>
          %sub3A_178 = vector.broadcast %shift_left3A_7 : i32 to vector<16xi32>
          %sub3A_179 = arith.subi %get3A_177, %sub3A_178 : vector<16xi32>
          %jit3A_180 = arith.constant 0 : i32
          %broadcast_in_dim3A_181 = vector.broadcast %jit3A_180 : i32 to vector<16xi32>
          %select_n3A_182 = arith.select %and3A_164, %sub3A_179, %broadcast_in_dim3A_181 : vector<16xi1>, vector<16xi32>
          %swap3A_183 = arith.constant 16 : index
          %swap3A_184 = tpu.vector_load %arg22[%swap3A_183] {strides = array<i32>} : memref<128xi32, #tpu.memory_space<vmem>>, vector<16xi32>,
          %swap3A_185 = vector.shape_cast %swap3A_184 : vector<16xi32> to vector<16xi32>
          %swap3A_186 = vector.shape_cast %select_n3A_182 : vector<16xi32> to vector<16xi32>
          tpu.vector_store %arg22[%swap3A_183], %swap3A_186 {strides = array<i32>} : memref<128xi32, #tpu.memory_space<vmem>>, vector<16xi32>,
          %add3A_187 = arith.constant 32 : i32
          %add3A_188 = arith.addi %multiple_of3A_125, %add3A_187 : i32
          %add3A_189 = vector.broadcast %add3A_188 : i32 to vector<16xi32>
          %add3A_190 = arith.addi %add3A_189, %iota3A : vector<16xi32>
          %ge3A_191 = vector.broadcast %add3A_28 : i32 to vector<16xi32>
          %ge3A_192 = arith.cmpi sge, %add3A_190, %ge3A_191 : vector<16xi32>
          %lt3A_193 = vector.broadcast %add3A_35 : i32 to vector<16xi32>
          %lt3A_194 = arith.cmpi slt, %add3A_190, %lt3A_193 : vector<16xi32>
          %and3A_195 = arith.andi %ge3A_192, %lt3A_194 : vector<16xi1>
          %get3A_196 = arith.constant 32 : index
          %get3A_197 = tpu.vector_load %arg18[%get3A_196] {strides = array<i32>} : memref<128xi32, #tpu.memory_space<vmem>>, vector<16xi32>,
          %get3A_198 = vector.shape_cast %get3A_197 : vector<16xi32> to vector<16xi32>
          %jit3A_199 = arith.constant 10000 : i32
          %broadcast_in_dim3A_200 = vector.broadcast %jit3A_199 : i32 to vector<16xi32>
          %select_n3A_201 = arith.select %and3A_195, %get3A_198, %broadcast_in_dim3A_200 : vector<16xi1>, vector<16xi32>
          %swap3A_202 = arith.constant 32 : index
          %swap3A_203 = tpu.vector_load %arg20[%swap3A_202] {strides = array<i32>} : memref<128xi32, #tpu.memory_space<vmem>>, vector<16xi32>,
          %swap3A_204 = vector.shape_cast %swap3A_203 : vector<16xi32> to vector<16xi32>
          %swap3A_205 = vector.shape_cast %select_n3A_201 : vector<16xi32> to vector<16xi32>
          tpu.vector_store %arg20[%swap3A_202], %swap3A_205 {strides = array<i32>} : memref<128xi32, #tpu.memory_space<vmem>>, vector<16xi32>,
          %get3A_206 = arith.constant 32 : index
          %get3A_207 = tpu.vector_load %arg16[%get3A_206] {strides = array<i32>} : memref<128xi32, #tpu.memory_space<vmem>>, vector<16xi32>,
          %get3A_208 = vector.shape_cast %get3A_207 : vector<16xi32> to vector<16xi32>
          %sub3A_209 = vector.broadcast %shift_left3A_7 : i32 to vector<16xi32>
          %sub3A_210 = arith.subi %get3A_208, %sub3A_209 : vector<16xi32>
          %jit3A_211 = arith.constant 0 : i32
          %broadcast_in_dim3A_212 = vector.broadcast %jit3A_211 : i32 to vector<16xi32>
          %select_n3A_213 = arith.select %and3A_195, %sub3A_210, %broadcast_in_dim3A_212 : vector<16xi1>, vector<16xi32>
          %swap3A_214 = arith.constant 32 : index
          %swap3A_215 = tpu.vector_load %arg22[%swap3A_214] {strides = array<i32>} : memref<128xi32, #tpu.memory_space<vmem>>, vector<16xi32>,
          %swap3A_216 = vector.shape_cast %swap3A_215 : vector<16xi32> to vector<16xi32>
          %swap3A_217 = vector.shape_cast %select_n3A_213 : vector<16xi32> to vector<16xi32>
          tpu.vector_store %arg22[%swap3A_214], %swap3A_217 {strides = array<i32>} : memref<128xi32, #tpu.memory_space<vmem>>, vector<16xi32>,
          %add3A_218 = arith.constant 48 : i32
          %add3A_219 = arith.addi %multiple_of3A_125, %add3A_218 : i32
          %add3A_220 = vector.broadcast %add3A_219 : i32 to vector<16xi32>
          %add3A_221 = arith.addi %add3A_220, %iota3A : vector<16xi32>
          %ge3A_222 = vector.broadcast %add3A_28 : i32 to vector<16xi32>
          %ge3A_223 = arith.cmpi sge, %add3A_221, %ge3A_222 : vector<16xi32>
          %lt3A_224 = vector.broadcast %add3A_35 : i32 to vector<16xi32>
          %lt3A_225 = arith.cmpi slt, %add3A_221, %lt3A_224 : vector<16xi32>
          %and3A_226 = arith.andi %ge3A_223, %lt3A_225 : vector<16xi1>
          %get3A_227 = arith.constant 48 : index
          %get3A_228 = tpu.vector_load %arg18[%get3A_227] {strides = array<i32>} : memref<128xi32, #tpu.memory_space<vmem>>, vector<16xi32>,
          %get3A_229 = vector.shape_cast %get3A_228 : vector<16xi32> to vector<16xi32>
          %jit3A_230 = arith.constant 10000 : i32
          %broadcast_in_dim3A_231 = vector.broadcast %jit3A_230 : i32 to vector<16xi32>
          %select_n3A_232 = arith.select %and3A_226, %get3A_229, %broadcast_in_dim3A_231 : vector<16xi1>, vector<16xi32>
          %swap3A_233 = arith.constant 48 : index
          %swap3A_234 = tpu.vector_load %arg20[%swap3A_233] {strides = array<i32>} : memref<128xi32, #tpu.memory_space<vmem>>, vector<16xi32>,
          %swap3A_235 = vector.shape_cast %swap3A_234 : vector<16xi32> to vector<16xi32>
          %swap3A_236 = vector.shape_cast %select_n3A_232 : vector<16xi32> to vector<16xi32>
          tpu.vector_store %arg20[%swap3A_233], %swap3A_236 {strides = array<i32>} : memref<128xi32, #tpu.memory_space<vmem>>, vector<16xi32>,
          %get3A_237 = arith.constant 48 : index
          %get3A_238 = tpu.vector_load %arg16[%get3A_237] {strides = array<i32>} : memref<128xi32, #tpu.memory_space<vmem>>, vector<16xi32>,
          %get3A_239 = vector.shape_cast %get3A_238 : vector<16xi32> to vector<16xi32>
          %sub3A_240 = vector.broadcast %shift_left3A_7 : i32 to vector<16xi32>
          %sub3A_241 = arith.subi %get3A_239, %sub3A_240 : vector<16xi32>
          %jit3A_242 = arith.constant 0 : i32
          %broadcast_in_dim3A_243 = vector.broadcast %jit3A_242 : i32 to vector<16xi32>
          %select_n3A_244 = arith.select %and3A_226, %sub3A_241, %broadcast_in_dim3A_243 : vector<16xi1>, vector<16xi32>
          %swap3A_245 = arith.constant 48 : index
          %swap3A_246 = tpu.vector_load %arg22[%swap3A_245] {strides = array<i32>} : memref<128xi32, #tpu.memory_space<vmem>>, vector<16xi32>,
          %swap3A_247 = vector.shape_cast %swap3A_246 : vector<16xi32> to vector<16xi32>
          %swap3A_248 = vector.shape_cast %select_n3A_244 : vector<16xi32> to vector<16xi32>
          tpu.vector_store %arg22[%swap3A_245], %swap3A_248 {strides = array<i32>} : memref<128xi32, #tpu.memory_space<vmem>>, vector<16xi32>,
          %add3A_249 = arith.constant 64 : i32
          %add3A_250 = arith.addi %multiple_of3A_125, %add3A_249 : i32
          %add3A_251 = vector.broadcast %add3A_250 : i32 to vector<16xi32>
          %add3A_252 = arith.addi %add3A_251, %iota3A : vector<16xi32>
          %ge3A_253 = vector.broadcast %add3A_28 : i32 to vector<16xi32>
          %ge3A_254 = arith.cmpi sge, %add3A_252, %ge3A_253 : vector<16xi32>
          %lt3A_255 = vector.broadcast %add3A_35 : i32 to vector<16xi32>
          %lt3A_256 = arith.cmpi slt, %add3A_252, %lt3A_255 : vector<16xi32>
          %and3A_257 = arith.andi %ge3A_254, %lt3A_256 : vector<16xi1>
          %get3A_258 = arith.constant 64 : index
          %get3A_259 = tpu.vector_load %arg18[%get3A_258] {strides = array<i32>} : memref<128xi32, #tpu.memory_space<vmem>>, vector<16xi32>,
          %get3A_260 = vector.shape_cast %get3A_259 : vector<16xi32> to vector<16xi32>
          %jit3A_261 = arith.constant 10000 : i32
          %broadcast_in_dim3A_262 = vector.broadcast %jit3A_261 : i32 to vector<16xi32>
          %select_n3A_263 = arith.select %and3A_257, %get3A_260, %broadcast_in_dim3A_262 : vector<16xi1>, vector<16xi32>
          %swap3A_264 = arith.constant 64 : index
          %swap3A_265 = tpu.vector_load %arg20[%swap3A_264] {strides = array<i32>} : memref<128xi32, #tpu.memory_space<vmem>>, vector<16xi32>,
          %swap3A_266 = vector.shape_cast %swap3A_265 : vector<16xi32> to vector<16xi32>
          %swap3A_267 = vector.shape_cast %select_n3A_263 : vector<16xi32> to vector<16xi32>
          tpu.vector_store %arg20[%swap3A_264], %swap3A_267 {strides = array<i32>} : memref<128xi32, #tpu.memory_space<vmem>>, vector<16xi32>,
          %get3A_268 = arith.constant 64 : index
          %get3A_269 = tpu.vector_load %arg16[%get3A_268] {strides = array<i32>} : memref<128xi32, #tpu.memory_space<vmem>>, vector<16xi32>,
          %get3A_270 = vector.shape_cast %get3A_269 : vector<16xi32> to vector<16xi32>
          %sub3A_271 = vector.broadcast %shift_left3A_7 : i32 to vector<16xi32>
          %sub3A_272 = arith.subi %get3A_270, %sub3A_271 : vector<16xi32>
          %jit3A_273 = arith.constant 0 : i32
          %broadcast_in_dim3A_274 = vector.broadcast %jit3A_273 : i32 to vector<16xi32>
          %select_n3A_275 = arith.select %and3A_257, %sub3A_272, %broadcast_in_dim3A_274 : vector<16xi1>, vector<16xi32>
          %swap3A_276 = arith.constant 64 : index
          %swap3A_277 = tpu.vector_load %arg22[%swap3A_276] {strides = array<i32>} : memref<128xi32, #tpu.memory_space<vmem>>, vector<16xi32>,
          %swap3A_278 = vector.shape_cast %swap3A_277 : vector<16xi32> to vector<16xi32>
          %swap3A_279 = vector.shape_cast %select_n3A_275 : vector<16xi32> to vector<16xi32>
          tpu.vector_store %arg22[%swap3A_276], %swap3A_279 {strides = array<i32>} : memref<128xi32, #tpu.memory_space<vmem>>, vector<16xi32>,
          %add3A_280 = arith.constant 80 : i32
          %add3A_281 = arith.addi %multiple_of3A_125, %add3A_280 : i32
          %add3A_282 = vector.broadcast %add3A_281 : i32 to vector<16xi32>
          %add3A_283 = arith.addi %add3A_282, %iota3A : vector<16xi32>
          %ge3A_284 = vector.broadcast %add3A_28 : i32 to vector<16xi32>
          %ge3A_285 = arith.cmpi sge, %add3A_283, %ge3A_284 : vector<16xi32>
          %lt3A_286 = vector.broadcast %add3A_35 : i32 to vector<16xi32>
          %lt3A_287 = arith.cmpi slt, %add3A_283, %lt3A_286 : vector<16xi32>
          %and3A_288 = arith.andi %ge3A_285, %lt3A_287 : vector<16xi1>
          %get3A_289 = arith.constant 80 : index
          %get3A_290 = tpu.vector_load %arg18[%get3A_289] {strides = array<i32>} : memref<128xi32, #tpu.memory_space<vmem>>, vector<16xi32>,
          %get3A_291 = vector.shape_cast %get3A_290 : vector<16xi32> to vector<16xi32>
          %jit3A_292 = arith.constant 10000 : i32
          %broadcast_in_dim3A_293 = vector.broadcast %jit3A_292 : i32 to vector<16xi32>
          %select_n3A_294 = arith.select %and3A_288, %get3A_291, %broadcast_in_dim3A_293 : vector<16xi1>, vector<16xi32>
          %swap3A_295 = arith.constant 80 : index
          %swap3A_296 = tpu.vector_load %arg20[%swap3A_295] {strides = array<i32>} : memref<128xi32, #tpu.memory_space<vmem>>, vector<16xi32>,
          %swap3A_297 = vector.shape_cast %swap3A_296 : vector<16xi32> to vector<16xi32>
          %swap3A_298 = vector.shape_cast %select_n3A_294 : vector<16xi32> to vector<16xi32>
          tpu.vector_store %arg20[%swap3A_295], %swap3A_298 {strides = array<i32>} : memref<128xi32, #tpu.memory_space<vmem>>, vector<16xi32>,
          %get3A_299 = arith.constant 80 : index
          %get3A_300 = tpu.vector_load %arg16[%get3A_299] {strides = array<i32>} : memref<128xi32, #tpu.memory_space<vmem>>, vector<16xi32>,
          %get3A_301 = vector.shape_cast %get3A_300 : vector<16xi32> to vector<16xi32>
          %sub3A_302 = vector.broadcast %shift_left3A_7 : i32 to vector<16xi32>
          %sub3A_303 = arith.subi %get3A_301, %sub3A_302 : vector<16xi32>
          %jit3A_304 = arith.constant 0 : i32
          %broadcast_in_dim3A_305 = vector.broadcast %jit3A_304 : i32 to vector<16xi32>
          %select_n3A_306 = arith.select %and3A_288, %sub3A_303, %broadcast_in_dim3A_305 : vector<16xi1>, vector<16xi32>
          %swap3A_307 = arith.constant 80 : index
          %swap3A_308 = tpu.vector_load %arg22[%swap3A_307] {strides = array<i32>} : memref<128xi32, #tpu.memory_space<vmem>>, vector<16xi32>,
          %swap3A_309 = vector.shape_cast %swap3A_308 : vector<16xi32> to vector<16xi32>
          %swap3A_310 = vector.shape_cast %select_n3A_306 : vector<16xi32> to vector<16xi32>
          tpu.vector_store %arg22[%swap3A_307], %swap3A_310 {strides = array<i32>} : memref<128xi32, #tpu.memory_space<vmem>>, vector<16xi32>,
          %add3A_311 = arith.constant 96 : i32
          %add3A_312 = arith.addi %multiple_of3A_125, %add3A_311 : i32
          %add3A_313 = vector.broadcast %add3A_312 : i32 to vector<16xi32>
          %add3A_314 = arith.addi %add3A_313, %iota3A : vector<16xi32>
          %ge3A_315 = vector.broadcast %add3A_28 : i32 to vector<16xi32>
          %ge3A_316 = arith.cmpi sge, %add3A_314, %ge3A_315 : vector<16xi32>
          %lt3A_317 = vector.broadcast %add3A_35 : i32 to vector<16xi32>
          %lt3A_318 = arith.cmpi slt, %add3A_314, %lt3A_317 : vector<16xi32>
          %and3A_319 = arith.andi %ge3A_316, %lt3A_318 : vector<16xi1>
          %get3A_320 = arith.constant 96 : index
          %get3A_321 = tpu.vector_load %arg18[%get3A_320] {strides = array<i32>} : memref<128xi32, #tpu.memory_space<vmem>>, vector<16xi32>,
          %get3A_322 = vector.shape_cast %get3A_321 : vector<16xi32> to vector<16xi32>
          %jit3A_323 = arith.constant 10000 : i32
          %broadcast_in_dim3A_324 = vector.broadcast %jit3A_323 : i32 to vector<16xi32>
          %select_n3A_325 = arith.select %and3A_319, %get3A_322, %broadcast_in_dim3A_324 : vector<16xi1>, vector<16xi32>
          %swap3A_326 = arith.constant 96 : index
          %swap3A_327 = tpu.vector_load %arg20[%swap3A_326] {strides = array<i32>} : memref<128xi32, #tpu.memory_space<vmem>>, vector<16xi32>,
          %swap3A_328 = vector.shape_cast %swap3A_327 : vector<16xi32> to vector<16xi32>
          %swap3A_329 = vector.shape_cast %select_n3A_325 : vector<16xi32> to vector<16xi32>
          tpu.vector_store %arg20[%swap3A_326], %swap3A_329 {strides = array<i32>} : memref<128xi32, #tpu.memory_space<vmem>>, vector<16xi32>,
          %get3A_330 = arith.constant 96 : index
          %get3A_331 = tpu.vector_load %arg16[%get3A_330] {strides = array<i32>} : memref<128xi32, #tpu.memory_space<vmem>>, vector<16xi32>,
          %get3A_332 = vector.shape_cast %get3A_331 : vector<16xi32> to vector<16xi32>
          %sub3A_333 = vector.broadcast %shift_left3A_7 : i32 to vector<16xi32>
          %sub3A_334 = arith.subi %get3A_332, %sub3A_333 : vector<16xi32>
          %jit3A_335 = arith.constant 0 : i32
          %broadcast_in_dim3A_336 = vector.broadcast %jit3A_335 : i32 to vector<16xi32>
          %select_n3A_337 = arith.select %and3A_319, %sub3A_334, %broadcast_in_dim3A_336 : vector<16xi1>, vector<16xi32>
          %swap3A_338 = arith.constant 96 : index
          %swap3A_339 = tpu.vector_load %arg22[%swap3A_338] {strides = array<i32>} : memref<128xi32, #tpu.memory_space<vmem>>, vector<16xi32>,
          %swap3A_340 = vector.shape_cast %swap3A_339 : vector<16xi32> to vector<16xi32>
          %swap3A_341 = vector.shape_cast %select_n3A_337 : vector<16xi32> to vector<16xi32>
          tpu.vector_store %arg22[%swap3A_338], %swap3A_341 {strides = array<i32>} : memref<128xi32, #tpu.memory_space<vmem>>, vector<16xi32>,
          %add3A_342 = arith.constant 112 : i32
          %add3A_343 = arith.addi %multiple_of3A_125, %add3A_342 : i32
          %add3A_344 = vector.broadcast %add3A_343 : i32 to vector<16xi32>
          %add3A_345 = arith.addi %add3A_344, %iota3A : vector<16xi32>
          %ge3A_346 = vector.broadcast %add3A_28 : i32 to vector<16xi32>
          %ge3A_347 = arith.cmpi sge, %add3A_345, %ge3A_346 : vector<16xi32>
          %lt3A_348 = vector.broadcast %add3A_35 : i32 to vector<16xi32>
          %lt3A_349 = arith.cmpi slt, %add3A_345, %lt3A_348 : vector<16xi32>
          %and3A_350 = arith.andi %ge3A_347, %lt3A_349 : vector<16xi1>
          %get3A_351 = arith.constant 112 : index
          %get3A_352 = tpu.vector_load %arg18[%get3A_351] {strides = array<i32>} : memref<128xi32, #tpu.memory_space<vmem>>, vector<16xi32>,
          %get3A_353 = vector.shape_cast %get3A_352 : vector<16xi32> to vector<16xi32>
          %jit3A_354 = arith.constant 10000 : i32
          %broadcast_in_dim3A_355 = vector.broadcast %jit3A_354 : i32 to vector<16xi32>
          %select_n3A_356 = arith.select %and3A_350, %get3A_353, %broadcast_in_dim3A_355 : vector<16xi1>, vector<16xi32>
          %swap3A_357 = arith.constant 112 : index
          %swap3A_358 = tpu.vector_load %arg20[%swap3A_357] {strides = array<i32>} : memref<128xi32, #tpu.memory_space<vmem>>, vector<16xi32>,
          %swap3A_359 = vector.shape_cast %swap3A_358 : vector<16xi32> to vector<16xi32>
          %swap3A_360 = vector.shape_cast %select_n3A_356 : vector<16xi32> to vector<16xi32>
          tpu.vector_store %arg20[%swap3A_357], %swap3A_360 {strides = array<i32>} : memref<128xi32, #tpu.memory_space<vmem>>, vector<16xi32>,
          %get3A_361 = arith.constant 112 : index
          %get3A_362 = tpu.vector_load %arg16[%get3A_361] {strides = array<i32>} : memref<128xi32, #tpu.memory_space<vmem>>, vector<16xi32>,
          %get3A_363 = vector.shape_cast %get3A_362 : vector<16xi32> to vector<16xi32>
          %sub3A_364 = vector.broadcast %shift_left3A_7 : i32 to vector<16xi32>
          %sub3A_365 = arith.subi %get3A_363, %sub3A_364 : vector<16xi32>
          %jit3A_366 = arith.constant 0 : i32
          %broadcast_in_dim3A_367 = vector.broadcast %jit3A_366 : i32 to vector<16xi32>
          %select_n3A_368 = arith.select %and3A_350, %sub3A_365, %broadcast_in_dim3A_367 : vector<16xi1>, vector<16xi32>
          %swap3A_369 = arith.constant 112 : index
          %swap3A_370 = tpu.vector_load %arg22[%swap3A_369] {strides = array<i32>} : memref<128xi32, #tpu.memory_space<vmem>>, vector<16xi32>,
          %swap3A_371 = vector.shape_cast %swap3A_370 : vector<16xi32> to vector<16xi32>
          %swap3A_372 = vector.shape_cast %select_n3A_368 : vector<16xi32> to vector<16xi32>
          tpu.vector_store %arg22[%swap3A_369], %swap3A_372 {strides = array<i32>} : memref<128xi32, #tpu.memory_space<vmem>>, vector<16xi32>,
          %dma_start3A_373 = arith.constant 0 : i32
          %dma_start3A_374 = arith.constant 0 : i32
          %dma_start3A_375 = tpu.memref_slice %arg2[%dma_start3A_373, %dma_start3A_374] : memref<10240x128xf32, #tpu.memory_space<hbm>> -> memref<10240x128xf32, #tpu.memory_space<hbm>>
          tpu.enqueue_indirect_dma source(%dma_start3A_375 : memref<10240x128xf32, #tpu.memory_space<hbm>>) target(%arg14 : memref<128x128xf32, #tpu.memory_space<vmem>>) offsets(%arg20 : memref<128xi32, #tpu.memory_space<vmem>>) semaphore(%arg26 : memref<!tpu.dma_semaphore, #tpu.memory_space<semaphore_mem>>)
        } else {
        }
        %lt3A_81 = arith.cmpi slt, %while3A_73, %shift_right_arithmetic3A_42 : i32
        %eq3A_82 = arith.constant 1 : i32
        %eq3A_83 = arith.cmpi eq, %and3A_75, %eq3A_82 : i32
        %and3A_84 = arith.andi %lt3A_81, %eq3A_83 : i1
        %convert_element_type3A_85 = arith.extui %and3A_84 : i1 to i32
        %cond3A_86 = arith.constant 0 : i32
        %cond3A_87 = arith.cmpi ne, %convert_element_type3A_85, %cond3A_86 : i32
        scf.if %cond3A_87 {
          %shift_left3A_122 = arith.constant 7 : i32
          %shift_left3A_123 = arith.shli %while3A_73, %shift_left3A_122 : i32
          %add3A_124 = arith.addi %sub3A_37, %shift_left3A_123 : i32
          %multiple_of3A_125 = tpu.assume_multiple %add3A_124, 8 : i32
          %dma_wait3A = tpu.memref_slice %arg5[%multiple_of3A_125] : memref<320512xi32, #tpu.memory_space<hbm>> -> memref<128xi32, #tpu.memory_space<hbm>>
          %dma_wait3A_126 = tpu.memref_slice %arg5[%multiple_of3A_125] : memref<320512xi32, #tpu.memory_space<hbm>> -> memref<128xi32, #tpu.memory_space<hbm>>
          tpu.wait_dma2 semaphore(%arg30 : memref<!tpu.dma_semaphore, #tpu.memory_space<semaphore_mem>>) src(%dma_wait3A_126 : memref<128xi32, #tpu.memory_space<hbm>>) dst(%arg17 : memref<128xi32, #tpu.memory_space<vmem>>)
          %dma_wait3A_127 = tpu.memref_slice %arg6[%multiple_of3A_125] : memref<320512xi32, #tpu.memory_space<hbm>> -> memref<128xi32, #tpu.memory_space<hbm>>
          %dma_wait3A_128 = tpu.memref_slice %arg6[%multiple_of3A_125] : memref<320512xi32, #tpu.memory_space<hbm>> -> memref<128xi32, #tpu.memory_space<hbm>>
          tpu.wait_dma2 semaphore(%arg30 : memref<!tpu.dma_semaphore, #tpu.memory_space<semaphore_mem>>) src(%dma_wait3A_128 : memref<128xi32, #tpu.memory_space<hbm>>) dst(%arg19 : memref<128xi32, #tpu.memory_space<vmem>>)
          %add3A_129 = arith.constant 0 : i32
          %add3A_130 = arith.addi %multiple_of3A_125, %add3A_129 : i32
          %add3A_131 = vector.broadcast %add3A_130 : i32 to vector<16xi32>
          %add3A_132 = arith.addi %add3A_131, %iota3A : vector<16xi32>
          %ge3A_133 = vector.broadcast %add3A_28 : i32 to vector<16xi32>
          %ge3A_134 = arith.cmpi sge, %add3A_132, %ge3A_133 : vector<16xi32>
          %lt3A_135 = vector.broadcast %add3A_35 : i32 to vector<16xi32>
          %lt3A_136 = arith.cmpi slt, %add3A_132, %lt3A_135 : vector<16xi32>
          %and3A_137 = arith.andi %ge3A_134, %lt3A_136 : vector<16xi1>
          %get3A_138 = arith.constant 0 : index
          %get3A_139 = tpu.vector_load %arg19[%get3A_138] {strides = array<i32>} : memref<128xi32, #tpu.memory_space<vmem>>, vector<16xi32>,
          %get3A_140 = vector.shape_cast %get3A_139 : vector<16xi32> to vector<16xi32>
          %jit3A = arith.constant 10000 : i32
          %broadcast_in_dim3A = vector.broadcast %jit3A : i32 to vector<16xi32>
          %select_n3A = arith.select %and3A_137, %get3A_140, %broadcast_in_dim3A : vector<16xi1>, vector<16xi32>
          %swap3A = arith.constant 0 : index
          %swap3A_141 = tpu.vector_load %arg21[%swap3A] {strides = array<i32>} : memref<128xi32, #tpu.memory_space<vmem>>, vector<16xi32>,
          %swap3A_142 = vector.shape_cast %swap3A_141 : vector<16xi32> to vector<16xi32>
          %swap3A_143 = vector.shape_cast %select_n3A : vector<16xi32> to vector<16xi32>
          tpu.vector_store %arg21[%swap3A], %swap3A_143 {strides = array<i32>} : memref<128xi32, #tpu.memory_space<vmem>>, vector<16xi32>,
          %get3A_144 = arith.constant 0 : index
          %get3A_145 = tpu.vector_load %arg17[%get3A_144] {strides = array<i32>} : memref<128xi32, #tpu.memory_space<vmem>>, vector<16xi32>,
          %get3A_146 = vector.shape_cast %get3A_145 : vector<16xi32> to vector<16xi32>
          %sub3A_147 = vector.broadcast %shift_left3A_7 : i32 to vector<16xi32>
          %sub3A_148 = arith.subi %get3A_146, %sub3A_147 : vector<16xi32>
          %jit3A_149 = arith.constant 0 : i32
          %broadcast_in_dim3A_150 = vector.broadcast %jit3A_149 : i32 to vector<16xi32>
          %select_n3A_151 = arith.select %and3A_137, %sub3A_148, %broadcast_in_dim3A_150 : vector<16xi1>, vector<16xi32>
          %swap3A_152 = arith.constant 0 : index
          %swap3A_153 = tpu.vector_load %arg23[%swap3A_152] {strides = array<i32>} : memref<128xi32, #tpu.memory_space<vmem>>, vector<16xi32>,
          %swap3A_154 = vector.shape_cast %swap3A_153 : vector<16xi32> to vector<16xi32>
          %swap3A_155 = vector.shape_cast %select_n3A_151 : vector<16xi32> to vector<16xi32>
          tpu.vector_store %arg23[%swap3A_152], %swap3A_155 {strides = array<i32>} : memref<128xi32, #tpu.memory_space<vmem>>, vector<16xi32>,
          %add3A_156 = arith.constant 16 : i32
          %add3A_157 = arith.addi %multiple_of3A_125, %add3A_156 : i32
          %add3A_158 = vector.broadcast %add3A_157 : i32 to vector<16xi32>
          %add3A_159 = arith.addi %add3A_158, %iota3A : vector<16xi32>
          %ge3A_160 = vector.broadcast %add3A_28 : i32 to vector<16xi32>
          %ge3A_161 = arith.cmpi sge, %add3A_159, %ge3A_160 : vector<16xi32>
          %lt3A_162 = vector.broadcast %add3A_35 : i32 to vector<16xi32>
          %lt3A_163 = arith.cmpi slt, %add3A_159, %lt3A_162 : vector<16xi32>
          %and3A_164 = arith.andi %ge3A_161, %lt3A_163 : vector<16xi1>
          %get3A_165 = arith.constant 16 : index
          %get3A_166 = tpu.vector_load %arg19[%get3A_165] {strides = array<i32>} : memref<128xi32, #tpu.memory_space<vmem>>, vector<16xi32>,
          %get3A_167 = vector.shape_cast %get3A_166 : vector<16xi32> to vector<16xi32>
          %jit3A_168 = arith.constant 10000 : i32
          %broadcast_in_dim3A_169 = vector.broadcast %jit3A_168 : i32 to vector<16xi32>
          %select_n3A_170 = arith.select %and3A_164, %get3A_167, %broadcast_in_dim3A_169 : vector<16xi1>, vector<16xi32>
          %swap3A_171 = arith.constant 16 : index
          %swap3A_172 = tpu.vector_load %arg21[%swap3A_171] {strides = array<i32>} : memref<128xi32, #tpu.memory_space<vmem>>, vector<16xi32>,
          %swap3A_173 = vector.shape_cast %swap3A_172 : vector<16xi32> to vector<16xi32>
          %swap3A_174 = vector.shape_cast %select_n3A_170 : vector<16xi32> to vector<16xi32>
          tpu.vector_store %arg21[%swap3A_171], %swap3A_174 {strides = array<i32>} : memref<128xi32, #tpu.memory_space<vmem>>, vector<16xi32>,
          %get3A_175 = arith.constant 16 : index
          %get3A_176 = tpu.vector_load %arg17[%get3A_175] {strides = array<i32>} : memref<128xi32, #tpu.memory_space<vmem>>, vector<16xi32>,
          %get3A_177 = vector.shape_cast %get3A_176 : vector<16xi32> to vector<16xi32>
          %sub3A_178 = vector.broadcast %shift_left3A_7 : i32 to vector<16xi32>
          %sub3A_179 = arith.subi %get3A_177, %sub3A_178 : vector<16xi32>
          %jit3A_180 = arith.constant 0 : i32
          %broadcast_in_dim3A_181 = vector.broadcast %jit3A_180 : i32 to vector<16xi32>
          %select_n3A_182 = arith.select %and3A_164, %sub3A_179, %broadcast_in_dim3A_181 : vector<16xi1>, vector<16xi32>
          %swap3A_183 = arith.constant 16 : index
          %swap3A_184 = tpu.vector_load %arg23[%swap3A_183] {strides = array<i32>} : memref<128xi32, #tpu.memory_space<vmem>>, vector<16xi32>,
          %swap3A_185 = vector.shape_cast %swap3A_184 : vector<16xi32> to vector<16xi32>
          %swap3A_186 = vector.shape_cast %select_n3A_182 : vector<16xi32> to vector<16xi32>
          tpu.vector_store %arg23[%swap3A_183], %swap3A_186 {strides = array<i32>} : memref<128xi32, #tpu.memory_space<vmem>>, vector<16xi32>,
          %add3A_187 = arith.constant 32 : i32
          %add3A_188 = arith.addi %multiple_of3A_125, %add3A_187 : i32
          %add3A_189 = vector.broadcast %add3A_188 : i32 to vector<16xi32>
          %add3A_190 = arith.addi %add3A_189, %iota3A : vector<16xi32>
          %ge3A_191 = vector.broadcast %add3A_28 : i32 to vector<16xi32>
          %ge3A_192 = arith.cmpi sge, %add3A_190, %ge3A_191 : vector<16xi32>
          %lt3A_193 = vector.broadcast %add3A_35 : i32 to vector<16xi32>
          %lt3A_194 = arith.cmpi slt, %add3A_190, %lt3A_193 : vector<16xi32>
          %and3A_195 = arith.andi %ge3A_192, %lt3A_194 : vector<16xi1>
          %get3A_196 = arith.constant 32 : index
          %get3A_197 = tpu.vector_load %arg19[%get3A_196] {strides = array<i32>} : memref<128xi32, #tpu.memory_space<vmem>>, vector<16xi32>,
          %get3A_198 = vector.shape_cast %get3A_197 : vector<16xi32> to vector<16xi32>
          %jit3A_199 = arith.constant 10000 : i32
          %broadcast_in_dim3A_200 = vector.broadcast %jit3A_199 : i32 to vector<16xi32>
          %select_n3A_201 = arith.select %and3A_195, %get3A_198, %broadcast_in_dim3A_200 : vector<16xi1>, vector<16xi32>
          %swap3A_202 = arith.constant 32 : index
          %swap3A_203 = tpu.vector_load %arg21[%swap3A_202] {strides = array<i32>} : memref<128xi32, #tpu.memory_space<vmem>>, vector<16xi32>,
          %swap3A_204 = vector.shape_cast %swap3A_203 : vector<16xi32> to vector<16xi32>
          %swap3A_205 = vector.shape_cast %select_n3A_201 : vector<16xi32> to vector<16xi32>
          tpu.vector_store %arg21[%swap3A_202], %swap3A_205 {strides = array<i32>} : memref<128xi32, #tpu.memory_space<vmem>>, vector<16xi32>,
          %get3A_206 = arith.constant 32 : index
          %get3A_207 = tpu.vector_load %arg17[%get3A_206] {strides = array<i32>} : memref<128xi32, #tpu.memory_space<vmem>>, vector<16xi32>,
          %get3A_208 = vector.shape_cast %get3A_207 : vector<16xi32> to vector<16xi32>
          %sub3A_209 = vector.broadcast %shift_left3A_7 : i32 to vector<16xi32>
          %sub3A_210 = arith.subi %get3A_208, %sub3A_209 : vector<16xi32>
          %jit3A_211 = arith.constant 0 : i32
          %broadcast_in_dim3A_212 = vector.broadcast %jit3A_211 : i32 to vector<16xi32>
          %select_n3A_213 = arith.select %and3A_195, %sub3A_210, %broadcast_in_dim3A_212 : vector<16xi1>, vector<16xi32>
          %swap3A_214 = arith.constant 32 : index
          %swap3A_215 = tpu.vector_load %arg23[%swap3A_214] {strides = array<i32>} : memref<128xi32, #tpu.memory_space<vmem>>, vector<16xi32>,
          %swap3A_216 = vector.shape_cast %swap3A_215 : vector<16xi32> to vector<16xi32>
          %swap3A_217 = vector.shape_cast %select_n3A_213 : vector<16xi32> to vector<16xi32>
          tpu.vector_store %arg23[%swap3A_214], %swap3A_217 {strides = array<i32>} : memref<128xi32, #tpu.memory_space<vmem>>, vector<16xi32>,
          %add3A_218 = arith.constant 48 : i32
          %add3A_219 = arith.addi %multiple_of3A_125, %add3A_218 : i32
          %add3A_220 = vector.broadcast %add3A_219 : i32 to vector<16xi32>
          %add3A_221 = arith.addi %add3A_220, %iota3A : vector<16xi32>
          %ge3A_222 = vector.broadcast %add3A_28 : i32 to vector<16xi32>
          %ge3A_223 = arith.cmpi sge, %add3A_221, %ge3A_222 : vector<16xi32>
          %lt3A_224 = vector.broadcast %add3A_35 : i32 to vector<16xi32>
          %lt3A_225 = arith.cmpi slt, %add3A_221, %lt3A_224 : vector<16xi32>
          %and3A_226 = arith.andi %ge3A_223, %lt3A_225 : vector<16xi1>
          %get3A_227 = arith.constant 48 : index
          %get3A_228 = tpu.vector_load %arg19[%get3A_227] {strides = array<i32>} : memref<128xi32, #tpu.memory_space<vmem>>, vector<16xi32>,
          %get3A_229 = vector.shape_cast %get3A_228 : vector<16xi32> to vector<16xi32>
          %jit3A_230 = arith.constant 10000 : i32
          %broadcast_in_dim3A_231 = vector.broadcast %jit3A_230 : i32 to vector<16xi32>
          %select_n3A_232 = arith.select %and3A_226, %get3A_229, %broadcast_in_dim3A_231 : vector<16xi1>, vector<16xi32>
          %swap3A_233 = arith.constant 48 : index
          %swap3A_234 = tpu.vector_load %arg21[%swap3A_233] {strides = array<i32>} : memref<128xi32, #tpu.memory_space<vmem>>, vector<16xi32>,
          %swap3A_235 = vector.shape_cast %swap3A_234 : vector<16xi32> to vector<16xi32>
          %swap3A_236 = vector.shape_cast %select_n3A_232 : vector<16xi32> to vector<16xi32>
          tpu.vector_store %arg21[%swap3A_233], %swap3A_236 {strides = array<i32>} : memref<128xi32, #tpu.memory_space<vmem>>, vector<16xi32>,
          %get3A_237 = arith.constant 48 : index
          %get3A_238 = tpu.vector_load %arg17[%get3A_237] {strides = array<i32>} : memref<128xi32, #tpu.memory_space<vmem>>, vector<16xi32>,
          %get3A_239 = vector.shape_cast %get3A_238 : vector<16xi32> to vector<16xi32>
          %sub3A_240 = vector.broadcast %shift_left3A_7 : i32 to vector<16xi32>
          %sub3A_241 = arith.subi %get3A_239, %sub3A_240 : vector<16xi32>
          %jit3A_242 = arith.constant 0 : i32
          %broadcast_in_dim3A_243 = vector.broadcast %jit3A_242 : i32 to vector<16xi32>
          %select_n3A_244 = arith.select %and3A_226, %sub3A_241, %broadcast_in_dim3A_243 : vector<16xi1>, vector<16xi32>
          %swap3A_245 = arith.constant 48 : index
          %swap3A_246 = tpu.vector_load %arg23[%swap3A_245] {strides = array<i32>} : memref<128xi32, #tpu.memory_space<vmem>>, vector<16xi32>,
          %swap3A_247 = vector.shape_cast %swap3A_246 : vector<16xi32> to vector<16xi32>
          %swap3A_248 = vector.shape_cast %select_n3A_244 : vector<16xi32> to vector<16xi32>
          tpu.vector_store %arg23[%swap3A_245], %swap3A_248 {strides = array<i32>} : memref<128xi32, #tpu.memory_space<vmem>>, vector<16xi32>,
          %add3A_249 = arith.constant 64 : i32
          %add3A_250 = arith.addi %multiple_of3A_125, %add3A_249 : i32
          %add3A_251 = vector.broadcast %add3A_250 : i32 to vector<16xi32>
          %add3A_252 = arith.addi %add3A_251, %iota3A : vector<16xi32>
          %ge3A_253 = vector.broadcast %add3A_28 : i32 to vector<16xi32>
          %ge3A_254 = arith.cmpi sge, %add3A_252, %ge3A_253 : vector<16xi32>
          %lt3A_255 = vector.broadcast %add3A_35 : i32 to vector<16xi32>
          %lt3A_256 = arith.cmpi slt, %add3A_252, %lt3A_255 : vector<16xi32>
          %and3A_257 = arith.andi %ge3A_254, %lt3A_256 : vector<16xi1>
          %get3A_258 = arith.constant 64 : index
          %get3A_259 = tpu.vector_load %arg19[%get3A_258] {strides = array<i32>} : memref<128xi32, #tpu.memory_space<vmem>>, vector<16xi32>,
          %get3A_260 = vector.shape_cast %get3A_259 : vector<16xi32> to vector<16xi32>
          %jit3A_261 = arith.constant 10000 : i32
          %broadcast_in_dim3A_262 = vector.broadcast %jit3A_261 : i32 to vector<16xi32>
          %select_n3A_263 = arith.select %and3A_257, %get3A_260, %broadcast_in_dim3A_262 : vector<16xi1>, vector<16xi32>
          %swap3A_264 = arith.constant 64 : index
          %swap3A_265 = tpu.vector_load %arg21[%swap3A_264] {strides = array<i32>} : memref<128xi32, #tpu.memory_space<vmem>>, vector<16xi32>,
          %swap3A_266 = vector.shape_cast %swap3A_265 : vector<16xi32> to vector<16xi32>
          %swap3A_267 = vector.shape_cast %select_n3A_263 : vector<16xi32> to vector<16xi32>
          tpu.vector_store %arg21[%swap3A_264], %swap3A_267 {strides = array<i32>} : memref<128xi32, #tpu.memory_space<vmem>>, vector<16xi32>,
          %get3A_268 = arith.constant 64 : index
          %get3A_269 = tpu.vector_load %arg17[%get3A_268] {strides = array<i32>} : memref<128xi32, #tpu.memory_space<vmem>>, vector<16xi32>,
          %get3A_270 = vector.shape_cast %get3A_269 : vector<16xi32> to vector<16xi32>
          %sub3A_271 = vector.broadcast %shift_left3A_7 : i32 to vector<16xi32>
          %sub3A_272 = arith.subi %get3A_270, %sub3A_271 : vector<16xi32>
          %jit3A_273 = arith.constant 0 : i32
          %broadcast_in_dim3A_274 = vector.broadcast %jit3A_273 : i32 to vector<16xi32>
          %select_n3A_275 = arith.select %and3A_257, %sub3A_272, %broadcast_in_dim3A_274 : vector<16xi1>, vector<16xi32>
          %swap3A_276 = arith.constant 64 : index
          %swap3A_277 = tpu.vector_load %arg23[%swap3A_276] {strides = array<i32>} : memref<128xi32, #tpu.memory_space<vmem>>, vector<16xi32>,
          %swap3A_278 = vector.shape_cast %swap3A_277 : vector<16xi32> to vector<16xi32>
          %swap3A_279 = vector.shape_cast %select_n3A_275 : vector<16xi32> to vector<16xi32>
          tpu.vector_store %arg23[%swap3A_276], %swap3A_279 {strides = array<i32>} : memref<128xi32, #tpu.memory_space<vmem>>, vector<16xi32>,
          %add3A_280 = arith.constant 80 : i32
          %add3A_281 = arith.addi %multiple_of3A_125, %add3A_280 : i32
          %add3A_282 = vector.broadcast %add3A_281 : i32 to vector<16xi32>
          %add3A_283 = arith.addi %add3A_282, %iota3A : vector<16xi32>
          %ge3A_284 = vector.broadcast %add3A_28 : i32 to vector<16xi32>
          %ge3A_285 = arith.cmpi sge, %add3A_283, %ge3A_284 : vector<16xi32>
          %lt3A_286 = vector.broadcast %add3A_35 : i32 to vector<16xi32>
          %lt3A_287 = arith.cmpi slt, %add3A_283, %lt3A_286 : vector<16xi32>
          %and3A_288 = arith.andi %ge3A_285, %lt3A_287 : vector<16xi1>
          %get3A_289 = arith.constant 80 : index
          %get3A_290 = tpu.vector_load %arg19[%get3A_289] {strides = array<i32>} : memref<128xi32, #tpu.memory_space<vmem>>, vector<16xi32>,
          %get3A_291 = vector.shape_cast %get3A_290 : vector<16xi32> to vector<16xi32>
          %jit3A_292 = arith.constant 10000 : i32
          %broadcast_in_dim3A_293 = vector.broadcast %jit3A_292 : i32 to vector<16xi32>
          %select_n3A_294 = arith.select %and3A_288, %get3A_291, %broadcast_in_dim3A_293 : vector<16xi1>, vector<16xi32>
          %swap3A_295 = arith.constant 80 : index
          %swap3A_296 = tpu.vector_load %arg21[%swap3A_295] {strides = array<i32>} : memref<128xi32, #tpu.memory_space<vmem>>, vector<16xi32>,
          %swap3A_297 = vector.shape_cast %swap3A_296 : vector<16xi32> to vector<16xi32>
          %swap3A_298 = vector.shape_cast %select_n3A_294 : vector<16xi32> to vector<16xi32>
          tpu.vector_store %arg21[%swap3A_295], %swap3A_298 {strides = array<i32>} : memref<128xi32, #tpu.memory_space<vmem>>, vector<16xi32>,
          %get3A_299 = arith.constant 80 : index
          %get3A_300 = tpu.vector_load %arg17[%get3A_299] {strides = array<i32>} : memref<128xi32, #tpu.memory_space<vmem>>, vector<16xi32>,
          %get3A_301 = vector.shape_cast %get3A_300 : vector<16xi32> to vector<16xi32>
          %sub3A_302 = vector.broadcast %shift_left3A_7 : i32 to vector<16xi32>
          %sub3A_303 = arith.subi %get3A_301, %sub3A_302 : vector<16xi32>
          %jit3A_304 = arith.constant 0 : i32
          %broadcast_in_dim3A_305 = vector.broadcast %jit3A_304 : i32 to vector<16xi32>
          %select_n3A_306 = arith.select %and3A_288, %sub3A_303, %broadcast_in_dim3A_305 : vector<16xi1>, vector<16xi32>
          %swap3A_307 = arith.constant 80 : index
          %swap3A_308 = tpu.vector_load %arg23[%swap3A_307] {strides = array<i32>} : memref<128xi32, #tpu.memory_space<vmem>>, vector<16xi32>,
          %swap3A_309 = vector.shape_cast %swap3A_308 : vector<16xi32> to vector<16xi32>
          %swap3A_310 = vector.shape_cast %select_n3A_306 : vector<16xi32> to vector<16xi32>
          tpu.vector_store %arg23[%swap3A_307], %swap3A_310 {strides = array<i32>} : memref<128xi32, #tpu.memory_space<vmem>>, vector<16xi32>,
          %add3A_311 = arith.constant 96 : i32
          %add3A_312 = arith.addi %multiple_of3A_125, %add3A_311 : i32
          %add3A_313 = vector.broadcast %add3A_312 : i32 to vector<16xi32>
          %add3A_314 = arith.addi %add3A_313, %iota3A : vector<16xi32>
          %ge3A_315 = vector.broadcast %add3A_28 : i32 to vector<16xi32>
          %ge3A_316 = arith.cmpi sge, %add3A_314, %ge3A_315 : vector<16xi32>
          %lt3A_317 = vector.broadcast %add3A_35 : i32 to vector<16xi32>
          %lt3A_318 = arith.cmpi slt, %add3A_314, %lt3A_317 : vector<16xi32>
          %and3A_319 = arith.andi %ge3A_316, %lt3A_318 : vector<16xi1>
          %get3A_320 = arith.constant 96 : index
          %get3A_321 = tpu.vector_load %arg19[%get3A_320] {strides = array<i32>} : memref<128xi32, #tpu.memory_space<vmem>>, vector<16xi32>,
          %get3A_322 = vector.shape_cast %get3A_321 : vector<16xi32> to vector<16xi32>
          %jit3A_323 = arith.constant 10000 : i32
          %broadcast_in_dim3A_324 = vector.broadcast %jit3A_323 : i32 to vector<16xi32>
          %select_n3A_325 = arith.select %and3A_319, %get3A_322, %broadcast_in_dim3A_324 : vector<16xi1>, vector<16xi32>
          %swap3A_326 = arith.constant 96 : index
          %swap3A_327 = tpu.vector_load %arg21[%swap3A_326] {strides = array<i32>} : memref<128xi32, #tpu.memory_space<vmem>>, vector<16xi32>,
          %swap3A_328 = vector.shape_cast %swap3A_327 : vector<16xi32> to vector<16xi32>
          %swap3A_329 = vector.shape_cast %select_n3A_325 : vector<16xi32> to vector<16xi32>
          tpu.vector_store %arg21[%swap3A_326], %swap3A_329 {strides = array<i32>} : memref<128xi32, #tpu.memory_space<vmem>>, vector<16xi32>,
          %get3A_330 = arith.constant 96 : index
          %get3A_331 = tpu.vector_load %arg17[%get3A_330] {strides = array<i32>} : memref<128xi32, #tpu.memory_space<vmem>>, vector<16xi32>,
          %get3A_332 = vector.shape_cast %get3A_331 : vector<16xi32> to vector<16xi32>
          %sub3A_333 = vector.broadcast %shift_left3A_7 : i32 to vector<16xi32>
          %sub3A_334 = arith.subi %get3A_332, %sub3A_333 : vector<16xi32>
          %jit3A_335 = arith.constant 0 : i32
          %broadcast_in_dim3A_336 = vector.broadcast %jit3A_335 : i32 to vector<16xi32>
          %select_n3A_337 = arith.select %and3A_319, %sub3A_334, %broadcast_in_dim3A_336 : vector<16xi1>, vector<16xi32>
          %swap3A_338 = arith.constant 96 : index
          %swap3A_339 = tpu.vector_load %arg23[%swap3A_338] {strides = array<i32>} : memref<128xi32, #tpu.memory_space<vmem>>, vector<16xi32>,
          %swap3A_340 = vector.shape_cast %swap3A_339 : vector<16xi32> to vector<16xi32>
          %swap3A_341 = vector.shape_cast %select_n3A_337 : vector<16xi32> to vector<16xi32>
          tpu.vector_store %arg23[%swap3A_338], %swap3A_341 {strides = array<i32>} : memref<128xi32, #tpu.memory_space<vmem>>, vector<16xi32>,
          %add3A_342 = arith.constant 112 : i32
          %add3A_343 = arith.addi %multiple_of3A_125, %add3A_342 : i32
          %add3A_344 = vector.broadcast %add3A_343 : i32 to vector<16xi32>
          %add3A_345 = arith.addi %add3A_344, %iota3A : vector<16xi32>
          %ge3A_346 = vector.broadcast %add3A_28 : i32 to vector<16xi32>
          %ge3A_347 = arith.cmpi sge, %add3A_345, %ge3A_346 : vector<16xi32>
          %lt3A_348 = vector.broadcast %add3A_35 : i32 to vector<16xi32>
          %lt3A_349 = arith.cmpi slt, %add3A_345, %lt3A_348 : vector<16xi32>
          %and3A_350 = arith.andi %ge3A_347, %lt3A_349 : vector<16xi1>
          %get3A_351 = arith.constant 112 : index
          %get3A_352 = tpu.vector_load %arg19[%get3A_351] {strides = array<i32>} : memref<128xi32, #tpu.memory_space<vmem>>, vector<16xi32>,
          %get3A_353 = vector.shape_cast %get3A_352 : vector<16xi32> to vector<16xi32>
          %jit3A_354 = arith.constant 10000 : i32
          %broadcast_in_dim3A_355 = vector.broadcast %jit3A_354 : i32 to vector<16xi32>
          %select_n3A_356 = arith.select %and3A_350, %get3A_353, %broadcast_in_dim3A_355 : vector<16xi1>, vector<16xi32>
          %swap3A_357 = arith.constant 112 : index
          %swap3A_358 = tpu.vector_load %arg21[%swap3A_357] {strides = array<i32>} : memref<128xi32, #tpu.memory_space<vmem>>, vector<16xi32>,
          %swap3A_359 = vector.shape_cast %swap3A_358 : vector<16xi32> to vector<16xi32>
          %swap3A_360 = vector.shape_cast %select_n3A_356 : vector<16xi32> to vector<16xi32>
          tpu.vector_store %arg21[%swap3A_357], %swap3A_360 {strides = array<i32>} : memref<128xi32, #tpu.memory_space<vmem>>, vector<16xi32>,
          %get3A_361 = arith.constant 112 : index
          %get3A_362 = tpu.vector_load %arg17[%get3A_361] {strides = array<i32>} : memref<128xi32, #tpu.memory_space<vmem>>, vector<16xi32>,
          %get3A_363 = vector.shape_cast %get3A_362 : vector<16xi32> to vector<16xi32>
          %sub3A_364 = vector.broadcast %shift_left3A_7 : i32 to vector<16xi32>
          %sub3A_365 = arith.subi %get3A_363, %sub3A_364 : vector<16xi32>
          %jit3A_366 = arith.constant 0 : i32
          %broadcast_in_dim3A_367 = vector.broadcast %jit3A_366 : i32 to vector<16xi32>
          %select_n3A_368 = arith.select %and3A_350, %sub3A_365, %broadcast_in_dim3A_367 : vector<16xi1>, vector<16xi32>
          %swap3A_369 = arith.constant 112 : index
          %swap3A_370 = tpu.vector_load %arg23[%swap3A_369] {strides = array<i32>} : memref<128xi32, #tpu.memory_space<vmem>>, vector<16xi32>,
          %swap3A_371 = vector.shape_cast %swap3A_370 : vector<16xi32> to vector<16xi32>
          %swap3A_372 = vector.shape_cast %select_n3A_368 : vector<16xi32> to vector<16xi32>
          tpu.vector_store %arg23[%swap3A_369], %swap3A_372 {strides = array<i32>} : memref<128xi32, #tpu.memory_space<vmem>>, vector<16xi32>,
          %dma_start3A_373 = arith.constant 0 : i32
          %dma_start3A_374 = arith.constant 0 : i32
          %dma_start3A_375 = tpu.memref_slice %arg2[%dma_start3A_373, %dma_start3A_374] : memref<10240x128xf32, #tpu.memory_space<hbm>> -> memref<10240x128xf32, #tpu.memory_space<hbm>>
          tpu.enqueue_indirect_dma source(%dma_start3A_375 : memref<10240x128xf32, #tpu.memory_space<hbm>>) target(%arg15 : memref<128x128xf32, #tpu.memory_space<vmem>>) offsets(%arg21 : memref<128xi32, #tpu.memory_space<vmem>>) semaphore(%arg27 : memref<!tpu.dma_semaphore, #tpu.memory_space<semaphore_mem>>)
        } else {
        }
        %add3A_88 = arith.constant 1 : i32
        %add3A_89 = arith.addi %while3A_73, %add3A_88 : i32
        %lt3A_90 = arith.cmpi slt, %add3A_89, %shift_right_arithmetic3A_42 : i32
        %eq3A_91 = arith.constant 0 : i32
        %eq3A_92 = arith.cmpi eq, %and3A_75, %eq3A_91 : i32
        %and3A_93 = arith.andi %lt3A_90, %eq3A_92 : i1
        %convert_element_type3A_94 = arith.extui %and3A_93 : i1 to i32
        %cond3A_95 = arith.constant 0 : i32
        %cond3A_96 = arith.cmpi ne, %convert_element_type3A_94, %cond3A_95 : i32
        scf.if %cond3A_96 {
          %add3A_122 = arith.constant 1 : i32
          %add3A_123 = arith.addi %while3A_73, %add3A_122 : i32
          %shift_left3A_124 = arith.constant 7 : i32
          %shift_left3A_125 = arith.shli %add3A_123, %shift_left3A_124 : i32
          %add3A_126 = arith.addi %sub3A_37, %shift_left3A_125 : i32
          %multiple_of3A_127 = tpu.assume_multiple %add3A_126, 8 : i32
          %dma_start3A_128 = tpu.memref_slice %arg5[%multiple_of3A_127] : memref<320512xi32, #tpu.memory_space<hbm>> -> memref<128xi32, #tpu.memory_space<hbm>>
          %dma_start3A_129 = tpu.memref_slice %arg5[%multiple_of3A_127] : memref<320512xi32, #tpu.memory_space<hbm>> -> memref<128xi32, #tpu.memory_space<hbm>>
          tpu.enqueue_dma source(%dma_start3A_129 : memref<128xi32, #tpu.memory_space<hbm>>) target(%arg17 : memref<128xi32, #tpu.memory_space<vmem>>) target_semaphore(%arg30 : memref<!tpu.dma_semaphore, #tpu.memory_space<semaphore_mem>>)
          %dma_start3A_130 = tpu.memref_slice %arg6[%multiple_of3A_127] : memref<320512xi32, #tpu.memory_space<hbm>> -> memref<128xi32, #tpu.memory_space<hbm>>
          %dma_start3A_131 = tpu.memref_slice %arg6[%multiple_of3A_127] : memref<320512xi32, #tpu.memory_space<hbm>> -> memref<128xi32, #tpu.memory_space<hbm>>
          tpu.enqueue_dma source(%dma_start3A_131 : memref<128xi32, #tpu.memory_space<hbm>>) target(%arg19 : memref<128xi32, #tpu.memory_space<vmem>>) target_semaphore(%arg30 : memref<!tpu.dma_semaphore, #tpu.memory_space<semaphore_mem>>)
        } else {
        }
        %add3A_97 = arith.constant 1 : i32
        %add3A_98 = arith.addi %while3A_73, %add3A_97 : i32
        %lt3A_99 = arith.cmpi slt, %add3A_98, %shift_right_arithmetic3A_42 : i32
        %eq3A_100 = arith.constant 1 : i32
        %eq3A_101 = arith.cmpi eq, %and3A_75, %eq3A_100 : i32
        %and3A_102 = arith.andi %lt3A_99, %eq3A_101 : i1
        %convert_element_type3A_103 = arith.extui %and3A_102 : i1 to i32
        %cond3A_104 = arith.constant 0 : i32
        %cond3A_105 = arith.cmpi ne, %convert_element_type3A_103, %cond3A_104 : i32
        scf.if %cond3A_105 {
          %add3A_122 = arith.constant 1 : i32
          %add3A_123 = arith.addi %while3A_73, %add3A_122 : i32
          %shift_left3A_124 = arith.constant 7 : i32
          %shift_left3A_125 = arith.shli %add3A_123, %shift_left3A_124 : i32
          %add3A_126 = arith.addi %sub3A_37, %shift_left3A_125 : i32
          %multiple_of3A_127 = tpu.assume_multiple %add3A_126, 8 : i32
          %dma_start3A_128 = tpu.memref_slice %arg5[%multiple_of3A_127] : memref<320512xi32, #tpu.memory_space<hbm>> -> memref<128xi32, #tpu.memory_space<hbm>>
          %dma_start3A_129 = tpu.memref_slice %arg5[%multiple_of3A_127] : memref<320512xi32, #tpu.memory_space<hbm>> -> memref<128xi32, #tpu.memory_space<hbm>>
          tpu.enqueue_dma source(%dma_start3A_129 : memref<128xi32, #tpu.memory_space<hbm>>) target(%arg16 : memref<128xi32, #tpu.memory_space<vmem>>) target_semaphore(%arg29 : memref<!tpu.dma_semaphore, #tpu.memory_space<semaphore_mem>>)
          %dma_start3A_130 = tpu.memref_slice %arg6[%multiple_of3A_127] : memref<320512xi32, #tpu.memory_space<hbm>> -> memref<128xi32, #tpu.memory_space<hbm>>
          %dma_start3A_131 = tpu.memref_slice %arg6[%multiple_of3A_127] : memref<320512xi32, #tpu.memory_space<hbm>> -> memref<128xi32, #tpu.memory_space<hbm>>
          tpu.enqueue_dma source(%dma_start3A_131 : memref<128xi32, #tpu.memory_space<hbm>>) target(%arg18 : memref<128xi32, #tpu.memory_space<vmem>>) target_semaphore(%arg29 : memref<!tpu.dma_semaphore, #tpu.memory_space<semaphore_mem>>)
        } else {
        }
        %ge3A_106 = arith.constant 1 : i32
        %ge3A_107 = arith.cmpi sge, %while3A_73, %ge3A_106 : i32
        %eq3A_108 = arith.constant 1 : i32
        %eq3A_109 = arith.cmpi eq, %and3A_75, %eq3A_108 : i32
        %and3A_110 = arith.andi %ge3A_107, %eq3A_109 : i1
        %convert_element_type3A_111 = arith.extui %and3A_110 : i1 to i32
        %cond3A_112 = arith.constant 0 : i32
        %cond3A_113 = arith.cmpi ne, %convert_element_type3A_111, %cond3A_112 : i32
        scf.if %cond3A_113 {
          %dma_wait3A = arith.constant 0 : i32
          %dma_wait3A_122 = arith.constant 0 : i32
          %dma_wait3A_123 = tpu.memref_slice %arg2[%dma_wait3A, %dma_wait3A_122] : memref<10240x128xf32, #tpu.memory_space<hbm>> -> memref<10240x128xf32, #tpu.memory_space<hbm>>
          tpu.wait_indirect_dma semaphore(%arg26 : memref<!tpu.dma_semaphore, #tpu.memory_space<semaphore_mem>>) src(%dma_wait3A_123 : memref<10240x128xf32, #tpu.memory_space<hbm>>) dst(%arg14 : memref<128x128xf32, #tpu.memory_space<vmem>>)
          %dma_start3A_124 = arith.constant 0 : i32
          %dma_start3A_125 = arith.constant 0 : i32
          %dma_start3A_126 = tpu.memref_slice %arg12[%dma_start3A_124, %dma_start3A_125] : memref<8192x128xf32, #tpu.memory_space<vmem_shared>> -> memref<8192x128xf32, #tpu.memory_space<vmem_shared>>
          tpu.enqueue_indirect_dma source(%arg14 : memref<128x128xf32, #tpu.memory_space<vmem>>) target(%dma_start3A_126 : memref<8192x128xf32, #tpu.memory_space<vmem_shared>>) offsets(%arg22 : memref<128xi32, #tpu.memory_space<vmem>>) semaphore(%arg28 : memref<!tpu.dma_semaphore, #tpu.memory_space<semaphore_mem>>) {add = true}
          %dma_wait3A_127 = arith.constant 0 : i32
          %dma_wait3A_128 = arith.constant 0 : i32
          %dma_wait3A_129 = tpu.memref_slice %arg12[%dma_wait3A_127, %dma_wait3A_128] : memref<8192x128xf32, #tpu.memory_space<vmem_shared>> -> memref<8192x128xf32, #tpu.memory_space<vmem_shared>>
          tpu.wait_indirect_dma semaphore(%arg28 : memref<!tpu.dma_semaphore, #tpu.memory_space<semaphore_mem>>) src(%arg14 : memref<128x128xf32, #tpu.memory_space<vmem>>) dst(%dma_wait3A_129 : memref<8192x128xf32, #tpu.memory_space<vmem_shared>>)
        } else {
        }
        %ge3A_114 = arith.constant 1 : i32
        %ge3A_115 = arith.cmpi sge, %while3A_73, %ge3A_114 : i32
        %eq3A_116 = arith.constant 0 : i32
        %eq3A_117 = arith.cmpi eq, %and3A_75, %eq3A_116 : i32
        %and3A_118 = arith.andi %ge3A_115, %eq3A_117 : i1
        %convert_element_type3A_119 = arith.extui %and3A_118 : i1 to i32
        %cond3A_120 = arith.constant 0 : i32
        %cond3A_121 = arith.cmpi ne, %convert_element_type3A_119, %cond3A_120 : i32
        scf.if %cond3A_121 {
          %dma_wait3A = arith.constant 0 : i32
          %dma_wait3A_122 = arith.constant 0 : i32
          %dma_wait3A_123 = tpu.memref_slice %arg2[%dma_wait3A, %dma_wait3A_122] : memref<10240x128xf32, #tpu.memory_space<hbm>> -> memref<10240x128xf32, #tpu.memory_space<hbm>>
          tpu.wait_indirect_dma semaphore(%arg27 : memref<!tpu.dma_semaphore, #tpu.memory_space<semaphore_mem>>) src(%dma_wait3A_123 : memref<10240x128xf32, #tpu.memory_space<hbm>>) dst(%arg15 : memref<128x128xf32, #tpu.memory_space<vmem>>)
          %dma_start3A_124 = arith.constant 0 : i32
          %dma_start3A_125 = arith.constant 0 : i32
          %dma_start3A_126 = tpu.memref_slice %arg12[%dma_start3A_124, %dma_start3A_125] : memref<8192x128xf32, #tpu.memory_space<vmem_shared>> -> memref<8192x128xf32, #tpu.memory_space<vmem_shared>>
          tpu.enqueue_indirect_dma source(%arg15 : memref<128x128xf32, #tpu.memory_space<vmem>>) target(%dma_start3A_126 : memref<8192x128xf32, #tpu.memory_space<vmem_shared>>) offsets(%arg23 : memref<128xi32, #tpu.memory_space<vmem>>) semaphore(%arg28 : memref<!tpu.dma_semaphore, #tpu.memory_space<semaphore_mem>>) {add = true}
          %dma_wait3A_127 = arith.constant 0 : i32
          %dma_wait3A_128 = arith.constant 0 : i32
          %dma_wait3A_129 = tpu.memref_slice %arg12[%dma_wait3A_127, %dma_wait3A_128] : memref<8192x128xf32, #tpu.memory_space<vmem_shared>> -> memref<8192x128xf32, #tpu.memory_space<vmem_shared>>
          tpu.wait_indirect_dma semaphore(%arg28 : memref<!tpu.dma_semaphore, #tpu.memory_space<semaphore_mem>>) src(%arg15 : memref<128x128xf32, #tpu.memory_space<vmem>>) dst(%dma_wait3A_129 : memref<8192x128xf32, #tpu.memory_space<vmem_shared>>)
        } else {
        }
      }
      %barrier3A_56 = arith.constant 0 : index
      tpu.barrier barrier_id(%barrier3A_56)
      %mul3A_57 = arith.constant 512 : i32
      %mul3A_58 = arith.muli %mul3A_57, %arg1 : i32
      %add3A_59 = arith.addi %shift_left3A_7, %mul3A_58 : i32
      %add3A_60 = arith.constant 0 : i32
      %add3A_61 = arith.addi %add3A_59, %add3A_60 : i32
      %multiple_of3A_62 = tpu.assume_multiple %add3A_61, 8 : i32
      %dma_start3A = tpu.memref_slice %arg8[%multiple_of3A_62] : memref<163840xi32, #tpu.memory_space<hbm>> -> memref<128xi32, #tpu.memory_space<hbm>>
      %dma_start3A_63 = tpu.memref_slice %arg8[%multiple_of3A_62] : memref<163840xi32, #tpu.memory_space<hbm>> -> memref<128xi32, #tpu.memory_space<hbm>>
      tpu.enqueue_dma source(%dma_start3A_63 : memref<128xi32, #tpu.memory_space<hbm>>) target(%arg16 : memref<128xi32, #tpu.memory_space<vmem>>) target_semaphore(%arg29 : memref<!tpu.dma_semaphore, #tpu.memory_space<semaphore_mem>>)
      %dma_start3A_64 = tpu.memref_slice %arg7[%multiple_of3A_62] : memref<163840xi32, #tpu.memory_space<hbm>> -> memref<128xi32, #tpu.memory_space<hbm>>
      %dma_start3A_65 = tpu.memref_slice %arg7[%multiple_of3A_62] : memref<163840xi32, #tpu.memory_space<hbm>> -> memref<128xi32, #tpu.memory_space<hbm>>
      tpu.enqueue_dma source(%dma_start3A_65 : memref<128xi32, #tpu.memory_space<hbm>>) target(%arg18 : memref<128xi32, #tpu.memory_space<vmem>>) target_semaphore(%arg29 : memref<!tpu.dma_semaphore, #tpu.memory_space<semaphore_mem>>)
      %scan3A_66 = arith.constant 0 : i32
      %scan3A_67 = arith.constant 0 : i32
      %scan3A_68 = arith.constant 4 : i32
      %scan3A_69 = arith.addi %scan3A_67, %scan3A_68 : i32
      %scan3A_70 = arith.constant 1 : i32
      scf.for %scan3A_73 = %scan3A_67 to %scan3A_69 step %scan3A_70  : i32 {
        %and3A_74 = arith.constant 1 : i32
        %and3A_75 = arith.andi %scan3A_73, %and3A_74 : i32
        %add3A_76 = arith.constant 1 : i32
        %add3A_77 = arith.addi %scan3A_73, %add3A_76 : i32
        %lt3A = arith.constant 4 : i32
        %lt3A_78 = arith.cmpi slt, %add3A_77, %lt3A : i32
        %eq3A = arith.constant 0 : i32
        %eq3A_79 = arith.cmpi eq, %and3A_75, %eq3A : i32
        %and3A_80 = arith.andi %lt3A_78, %eq3A_79 : i1
        %convert_element_type3A_81 = arith.extui %and3A_80 : i1 to i32
        %cond3A_82 = arith.constant 0 : i32
        %cond3A_83 = arith.cmpi ne, %convert_element_type3A_81, %cond3A_82 : i32
        scf.if %cond3A_83 {
          %add3A_104 = arith.constant 1 : i32
          %add3A_105 = arith.addi %scan3A_73, %add3A_104 : i32
          %mul3A_106 = arith.constant 512 : i32
          %mul3A_107 = arith.muli %mul3A_106, %arg1 : i32
          %add3A_108 = arith.addi %shift_left3A_7, %mul3A_107 : i32
          %mul3A_109 = arith.constant 128 : i32
          %mul3A_110 = arith.muli %mul3A_109, %add3A_105 : i32
          %add3A_111 = arith.addi %add3A_108, %mul3A_110 : i32
          %multiple_of3A_112 = tpu.assume_multiple %add3A_111, 8 : i32
          %dma_start3A_113 = tpu.memref_slice %arg8[%multiple_of3A_112] : memref<163840xi32, #tpu.memory_space<hbm>> -> memref<128xi32, #tpu.memory_space<hbm>>
          %dma_start3A_114 = tpu.memref_slice %arg8[%multiple_of3A_112] : memref<163840xi32, #tpu.memory_space<hbm>> -> memref<128xi32, #tpu.memory_space<hbm>>
          tpu.enqueue_dma source(%dma_start3A_114 : memref<128xi32, #tpu.memory_space<hbm>>) target(%arg17 : memref<128xi32, #tpu.memory_space<vmem>>) target_semaphore(%arg30 : memref<!tpu.dma_semaphore, #tpu.memory_space<semaphore_mem>>)
          %dma_start3A_115 = tpu.memref_slice %arg7[%multiple_of3A_112] : memref<163840xi32, #tpu.memory_space<hbm>> -> memref<128xi32, #tpu.memory_space<hbm>>
          %dma_start3A_116 = tpu.memref_slice %arg7[%multiple_of3A_112] : memref<163840xi32, #tpu.memory_space<hbm>> -> memref<128xi32, #tpu.memory_space<hbm>>
          tpu.enqueue_dma source(%dma_start3A_116 : memref<128xi32, #tpu.memory_space<hbm>>) target(%arg19 : memref<128xi32, #tpu.memory_space<vmem>>) target_semaphore(%arg30 : memref<!tpu.dma_semaphore, #tpu.memory_space<semaphore_mem>>)
        } else {
        }
        %add3A_84 = arith.constant 1 : i32
        %add3A_85 = arith.addi %scan3A_73, %add3A_84 : i32
        %lt3A_86 = arith.constant 4 : i32
        %lt3A_87 = arith.cmpi slt, %add3A_85, %lt3A_86 : i32
        %eq3A_88 = arith.constant 1 : i32
        %eq3A_89 = arith.cmpi eq, %and3A_75, %eq3A_88 : i32
        %and3A_90 = arith.andi %lt3A_87, %eq3A_89 : i1
        %convert_element_type3A_91 = arith.extui %and3A_90 : i1 to i32
        %cond3A_92 = arith.constant 0 : i32
        %cond3A_93 = arith.cmpi ne, %convert_element_type3A_91, %cond3A_92 : i32
        scf.if %cond3A_93 {
          %add3A_104 = arith.constant 1 : i32
          %add3A_105 = arith.addi %scan3A_73, %add3A_104 : i32
          %mul3A_106 = arith.constant 512 : i32
          %mul3A_107 = arith.muli %mul3A_106, %arg1 : i32
          %add3A_108 = arith.addi %shift_left3A_7, %mul3A_107 : i32
          %mul3A_109 = arith.constant 128 : i32
          %mul3A_110 = arith.muli %mul3A_109, %add3A_105 : i32
          %add3A_111 = arith.addi %add3A_108, %mul3A_110 : i32
          %multiple_of3A_112 = tpu.assume_multiple %add3A_111, 8 : i32
          %dma_start3A_113 = tpu.memref_slice %arg8[%multiple_of3A_112] : memref<163840xi32, #tpu.memory_space<hbm>> -> memref<128xi32, #tpu.memory_space<hbm>>
          %dma_start3A_114 = tpu.memref_slice %arg8[%multiple_of3A_112] : memref<163840xi32, #tpu.memory_space<hbm>> -> memref<128xi32, #tpu.memory_space<hbm>>
          tpu.enqueue_dma source(%dma_start3A_114 : memref<128xi32, #tpu.memory_space<hbm>>) target(%arg16 : memref<128xi32, #tpu.memory_space<vmem>>) target_semaphore(%arg29 : memref<!tpu.dma_semaphore, #tpu.memory_space<semaphore_mem>>)
          %dma_start3A_115 = tpu.memref_slice %arg7[%multiple_of3A_112] : memref<163840xi32, #tpu.memory_space<hbm>> -> memref<128xi32, #tpu.memory_space<hbm>>
          %dma_start3A_116 = tpu.memref_slice %arg7[%multiple_of3A_112] : memref<163840xi32, #tpu.memory_space<hbm>> -> memref<128xi32, #tpu.memory_space<hbm>>
          tpu.enqueue_dma source(%dma_start3A_116 : memref<128xi32, #tpu.memory_space<hbm>>) target(%arg18 : memref<128xi32, #tpu.memory_space<vmem>>) target_semaphore(%arg29 : memref<!tpu.dma_semaphore, #tpu.memory_space<semaphore_mem>>)
        } else {
        }
        %eq3A_94 = arith.constant 0 : i32
        %eq3A_95 = arith.cmpi eq, %and3A_75, %eq3A_94 : i32
        %convert_element_type3A_96 = arith.extui %eq3A_95 : i1 to i32
        %cond3A_97 = arith.constant 0 : i32
        %cond3A_98 = arith.cmpi ne, %convert_element_type3A_96, %cond3A_97 : i32
        scf.if %cond3A_98 {
          %mul3A_104 = arith.constant 512 : i32
          %mul3A_105 = arith.muli %mul3A_104, %arg1 : i32
          %mul3A_106 = arith.constant 128 : i32
          %mul3A_107 = arith.muli %mul3A_106, %scan3A_73 : i32
          %add3A_108 = arith.addi %mul3A_105, %mul3A_107 : i32
          %add3A_109 = arith.addi %shift_left3A_7, %add3A_108 : i32
          %multiple_of3A_110 = tpu.assume_multiple %add3A_109, 8 : i32
          %add3A_111 = arith.constant 0 : i32
          %add3A_112 = arith.addi %add3A_108, %add3A_111 : i32
          %add3A_113 = vector.broadcast %add3A_112 : i32 to vector<16xi32>
          %add3A_114 = arith.addi %add3A_113, %iota3A : vector<16xi32>
          %swap3A = arith.constant 0 : index
          %swap3A_115 = tpu.vector_load %arg24[%swap3A] {strides = array<i32>} : memref<128xi32, #tpu.memory_space<vmem>>, vector<16xi32>,
          %swap3A_116 = vector.shape_cast %swap3A_115 : vector<16xi32> to vector<16xi32>
          %swap3A_117 = vector.shape_cast %add3A_114 : vector<16xi32> to vector<16xi32>
          tpu.vector_store %arg24[%swap3A], %swap3A_117 {strides = array<i32>} : memref<128xi32, #tpu.memory_space<vmem>>, vector<16xi32>,
          %add3A_118 = arith.constant 16 : i32
          %add3A_119 = arith.addi %add3A_108, %add3A_118 : i32
          %add3A_120 = vector.broadcast %add3A_119 : i32 to vector<16xi32>
          %add3A_121 = arith.addi %add3A_120, %iota3A : vector<16xi32>
          %swap3A_122 = arith.constant 16 : index
          %swap3A_123 = tpu.vector_load %arg24[%swap3A_122] {strides = array<i32>} : memref<128xi32, #tpu.memory_space<vmem>>, vector<16xi32>,
          %swap3A_124 = vector.shape_cast %swap3A_123 : vector<16xi32> to vector<16xi32>
          %swap3A_125 = vector.shape_cast %add3A_121 : vector<16xi32> to vector<16xi32>
          tpu.vector_store %arg24[%swap3A_122], %swap3A_125 {strides = array<i32>} : memref<128xi32, #tpu.memory_space<vmem>>, vector<16xi32>,
          %add3A_126 = arith.constant 32 : i32
          %add3A_127 = arith.addi %add3A_108, %add3A_126 : i32
          %add3A_128 = vector.broadcast %add3A_127 : i32 to vector<16xi32>
          %add3A_129 = arith.addi %add3A_128, %iota3A : vector<16xi32>
          %swap3A_130 = arith.constant 32 : index
          %swap3A_131 = tpu.vector_load %arg24[%swap3A_130] {strides = array<i32>} : memref<128xi32, #tpu.memory_space<vmem>>, vector<16xi32>,
          %swap3A_132 = vector.shape_cast %swap3A_131 : vector<16xi32> to vector<16xi32>
          %swap3A_133 = vector.shape_cast %add3A_129 : vector<16xi32> to vector<16xi32>
          tpu.vector_store %arg24[%swap3A_130], %swap3A_133 {strides = array<i32>} : memref<128xi32, #tpu.memory_space<vmem>>, vector<16xi32>,
          %add3A_134 = arith.constant 48 : i32
          %add3A_135 = arith.addi %add3A_108, %add3A_134 : i32
          %add3A_136 = vector.broadcast %add3A_135 : i32 to vector<16xi32>
          %add3A_137 = arith.addi %add3A_136, %iota3A : vector<16xi32>
          %swap3A_138 = arith.constant 48 : index
          %swap3A_139 = tpu.vector_load %arg24[%swap3A_138] {strides = array<i32>} : memref<128xi32, #tpu.memory_space<vmem>>, vector<16xi32>,
          %swap3A_140 = vector.shape_cast %swap3A_139 : vector<16xi32> to vector<16xi32>
          %swap3A_141 = vector.shape_cast %add3A_137 : vector<16xi32> to vector<16xi32>
          tpu.vector_store %arg24[%swap3A_138], %swap3A_141 {strides = array<i32>} : memref<128xi32, #tpu.memory_space<vmem>>, vector<16xi32>,
          %add3A_142 = arith.constant 64 : i32
          %add3A_143 = arith.addi %add3A_108, %add3A_142 : i32
          %add3A_144 = vector.broadcast %add3A_143 : i32 to vector<16xi32>
          %add3A_145 = arith.addi %add3A_144, %iota3A : vector<16xi32>
          %swap3A_146 = arith.constant 64 : index
          %swap3A_147 = tpu.vector_load %arg24[%swap3A_146] {strides = array<i32>} : memref<128xi32, #tpu.memory_space<vmem>>, vector<16xi32>,
          %swap3A_148 = vector.shape_cast %swap3A_147 : vector<16xi32> to vector<16xi32>
          %swap3A_149 = vector.shape_cast %add3A_145 : vector<16xi32> to vector<16xi32>
          tpu.vector_store %arg24[%swap3A_146], %swap3A_149 {strides = array<i32>} : memref<128xi32, #tpu.memory_space<vmem>>, vector<16xi32>,
          %add3A_150 = arith.constant 80 : i32
          %add3A_151 = arith.addi %add3A_108, %add3A_150 : i32
          %add3A_152 = vector.broadcast %add3A_151 : i32 to vector<16xi32>
          %add3A_153 = arith.addi %add3A_152, %iota3A : vector<16xi32>
          %swap3A_154 = arith.constant 80 : index
          %swap3A_155 = tpu.vector_load %arg24[%swap3A_154] {strides = array<i32>} : memref<128xi32, #tpu.memory_space<vmem>>, vector<16xi32>,
          %swap3A_156 = vector.shape_cast %swap3A_155 : vector<16xi32> to vector<16xi32>
          %swap3A_157 = vector.shape_cast %add3A_153 : vector<16xi32> to vector<16xi32>
          tpu.vector_store %arg24[%swap3A_154], %swap3A_157 {strides = array<i32>} : memref<128xi32, #tpu.memory_space<vmem>>, vector<16xi32>,
          %add3A_158 = arith.constant 96 : i32
          %add3A_159 = arith.addi %add3A_108, %add3A_158 : i32
          %add3A_160 = vector.broadcast %add3A_159 : i32 to vector<16xi32>
          %add3A_161 = arith.addi %add3A_160, %iota3A : vector<16xi32>
          %swap3A_162 = arith.constant 96 : index
          %swap3A_163 = tpu.vector_load %arg24[%swap3A_162] {strides = array<i32>} : memref<128xi32, #tpu.memory_space<vmem>>, vector<16xi32>,
          %swap3A_164 = vector.shape_cast %swap3A_163 : vector<16xi32> to vector<16xi32>
          %swap3A_165 = vector.shape_cast %add3A_161 : vector<16xi32> to vector<16xi32>
          tpu.vector_store %arg24[%swap3A_162], %swap3A_165 {strides = array<i32>} : memref<128xi32, #tpu.memory_space<vmem>>, vector<16xi32>,
          %add3A_166 = arith.constant 112 : i32
          %add3A_167 = arith.addi %add3A_108, %add3A_166 : i32
          %add3A_168 = vector.broadcast %add3A_167 : i32 to vector<16xi32>
          %add3A_169 = arith.addi %add3A_168, %iota3A : vector<16xi32>
          %swap3A_170 = arith.constant 112 : index
          %swap3A_171 = tpu.vector_load %arg24[%swap3A_170] {strides = array<i32>} : memref<128xi32, #tpu.memory_space<vmem>>, vector<16xi32>,
          %swap3A_172 = vector.shape_cast %swap3A_171 : vector<16xi32> to vector<16xi32>
          %swap3A_173 = vector.shape_cast %add3A_169 : vector<16xi32> to vector<16xi32>
          tpu.vector_store %arg24[%swap3A_170], %swap3A_173 {strides = array<i32>} : memref<128xi32, #tpu.memory_space<vmem>>, vector<16xi32>,
          %dma_wait3A = tpu.memref_slice %arg8[%multiple_of3A_110] : memref<163840xi32, #tpu.memory_space<hbm>> -> memref<128xi32, #tpu.memory_space<hbm>>
          %dma_wait3A_174 = tpu.memref_slice %arg8[%multiple_of3A_110] : memref<163840xi32, #tpu.memory_space<hbm>> -> memref<128xi32, #tpu.memory_space<hbm>>
          tpu.wait_dma2 semaphore(%arg29 : memref<!tpu.dma_semaphore, #tpu.memory_space<semaphore_mem>>) src(%dma_wait3A_174 : memref<128xi32, #tpu.memory_space<hbm>>) dst(%arg16 : memref<128xi32, #tpu.memory_space<vmem>>)
          %dma_wait3A_175 = tpu.memref_slice %arg7[%multiple_of3A_110] : memref<163840xi32, #tpu.memory_space<hbm>> -> memref<128xi32, #tpu.memory_space<hbm>>
          %dma_wait3A_176 = tpu.memref_slice %arg7[%multiple_of3A_110] : memref<163840xi32, #tpu.memory_space<hbm>> -> memref<128xi32, #tpu.memory_space<hbm>>
          tpu.wait_dma2 semaphore(%arg29 : memref<!tpu.dma_semaphore, #tpu.memory_space<semaphore_mem>>) src(%dma_wait3A_176 : memref<128xi32, #tpu.memory_space<hbm>>) dst(%arg18 : memref<128xi32, #tpu.memory_space<vmem>>)
          %dma_start3A_177 = arith.constant 0 : i32
          %dma_start3A_178 = arith.constant 0 : i32
          %dma_start3A_179 = tpu.memref_slice %arg4[%dma_start3A_177, %dma_start3A_178] : memref<10240x128xf32, #tpu.memory_space<hbm>> -> memref<10240x128xf32, #tpu.memory_space<hbm>>
          tpu.enqueue_indirect_dma source(%dma_start3A_179 : memref<10240x128xf32, #tpu.memory_space<hbm>>) target(%arg14 : memref<128x128xf32, #tpu.memory_space<vmem>>) offsets(%arg16 : memref<128xi32, #tpu.memory_space<vmem>>) semaphore(%arg26 : memref<!tpu.dma_semaphore, #tpu.memory_space<semaphore_mem>>)
          %dma_start3A_180 = arith.constant 0 : i32
          %dma_start3A_181 = arith.constant 0 : i32
          %dma_start3A_182 = tpu.memref_slice %arg3[%dma_start3A_180, %dma_start3A_181] : memref<10240x128xf32, #tpu.memory_space<hbm>> -> memref<10240x128xf32, #tpu.memory_space<hbm>>
          tpu.enqueue_indirect_dma source(%dma_start3A_182 : memref<10240x128xf32, #tpu.memory_space<hbm>>) target(%arg15 : memref<128x128xf32, #tpu.memory_space<vmem>>) offsets(%arg18 : memref<128xi32, #tpu.memory_space<vmem>>) semaphore(%arg27 : memref<!tpu.dma_semaphore, #tpu.memory_space<semaphore_mem>>)
          %dma_wait3A_183 = arith.constant 0 : i32
          %dma_wait3A_184 = arith.constant 0 : i32
          %dma_wait3A_185 = tpu.memref_slice %arg4[%dma_wait3A_183, %dma_wait3A_184] : memref<10240x128xf32, #tpu.memory_space<hbm>> -> memref<10240x128xf32, #tpu.memory_space<hbm>>
          tpu.wait_indirect_dma semaphore(%arg26 : memref<!tpu.dma_semaphore, #tpu.memory_space<semaphore_mem>>) src(%dma_wait3A_185 : memref<10240x128xf32, #tpu.memory_space<hbm>>) dst(%arg14 : memref<128x128xf32, #tpu.memory_space<vmem>>)
          %dma_wait3A_186 = arith.constant 0 : i32
          %dma_wait3A_187 = arith.constant 0 : i32
          %dma_wait3A_188 = tpu.memref_slice %arg3[%dma_wait3A_186, %dma_wait3A_187] : memref<10240x128xf32, #tpu.memory_space<hbm>> -> memref<10240x128xf32, #tpu.memory_space<hbm>>
          tpu.wait_indirect_dma semaphore(%arg27 : memref<!tpu.dma_semaphore, #tpu.memory_space<semaphore_mem>>) src(%dma_wait3A_188 : memref<10240x128xf32, #tpu.memory_space<hbm>>) dst(%arg15 : memref<128x128xf32, #tpu.memory_space<vmem>>)
          %dma_start3A_189 = arith.constant 0 : i32
          %dma_start3A_190 = arith.constant 0 : i32
          %dma_start3A_191 = tpu.memref_slice %arg12[%dma_start3A_189, %dma_start3A_190] : memref<8192x128xf32, #tpu.memory_space<vmem_shared>> -> memref<8192x128xf32, #tpu.memory_space<vmem_shared>>
          tpu.enqueue_indirect_dma source(%arg14 : memref<128x128xf32, #tpu.memory_space<vmem>>) target(%dma_start3A_191 : memref<8192x128xf32, #tpu.memory_space<vmem_shared>>) offsets(%arg24 : memref<128xi32, #tpu.memory_space<vmem>>) semaphore(%arg28 : memref<!tpu.dma_semaphore, #tpu.memory_space<semaphore_mem>>) {add = true}
          %dma_start3A_192 = arith.constant 0 : i32
          %dma_start3A_193 = arith.constant 0 : i32
          %dma_start3A_194 = tpu.memref_slice %arg12[%dma_start3A_192, %dma_start3A_193] : memref<8192x128xf32, #tpu.memory_space<vmem_shared>> -> memref<8192x128xf32, #tpu.memory_space<vmem_shared>>
          tpu.enqueue_indirect_dma source(%arg15 : memref<128x128xf32, #tpu.memory_space<vmem>>) target(%dma_start3A_194 : memref<8192x128xf32, #tpu.memory_space<vmem_shared>>) offsets(%arg24 : memref<128xi32, #tpu.memory_space<vmem>>) semaphore(%arg28 : memref<!tpu.dma_semaphore, #tpu.memory_space<semaphore_mem>>) {add = true}
          %dma_wait3A_195 = arith.constant 0 : i32
          %dma_wait3A_196 = arith.constant 0 : i32
          %dma_wait3A_197 = tpu.memref_slice %arg12[%dma_wait3A_195, %dma_wait3A_196] : memref<8192x128xf32, #tpu.memory_space<vmem_shared>> -> memref<8192x128xf32, #tpu.memory_space<vmem_shared>>
          tpu.wait_indirect_dma semaphore(%arg28 : memref<!tpu.dma_semaphore, #tpu.memory_space<semaphore_mem>>) src(%arg14 : memref<128x128xf32, #tpu.memory_space<vmem>>) dst(%dma_wait3A_197 : memref<8192x128xf32, #tpu.memory_space<vmem_shared>>)
          %dma_wait3A_198 = arith.constant 0 : i32
          %dma_wait3A_199 = arith.constant 0 : i32
          %dma_wait3A_200 = tpu.memref_slice %arg12[%dma_wait3A_198, %dma_wait3A_199] : memref<8192x128xf32, #tpu.memory_space<vmem_shared>> -> memref<8192x128xf32, #tpu.memory_space<vmem_shared>>
          tpu.wait_indirect_dma semaphore(%arg28 : memref<!tpu.dma_semaphore, #tpu.memory_space<semaphore_mem>>) src(%arg15 : memref<128x128xf32, #tpu.memory_space<vmem>>) dst(%dma_wait3A_200 : memref<8192x128xf32, #tpu.memory_space<vmem_shared>>)
          %multiple_of3A_201 = tpu.assume_multiple %add3A_108, 8 : i32
          "tpu.region"() ({
            %run_scoped3A = tpu.sem_alloc : memref<!tpu.dma_semaphore, #tpu.memory_space<semaphore_mem>>
            %dma_start3A_202 = arith.constant 0 : i32
            %dma_start3A_203 = tpu.memref_slice %arg11[%multiple_of3A_110, %dma_start3A_202] : memref<163840x128xf32, #tpu.memory_space<hbm>> -> memref<128x128xf32, #tpu.memory_space<hbm>>
            %dma_start3A_204 = arith.constant 0 : i32
            %dma_start3A_205 = tpu.memref_slice %arg12[%multiple_of3A_201, %dma_start3A_204] : memref<8192x128xf32, #tpu.memory_space<vmem_shared>> -> memref<128x128xf32, #tpu.memory_space<vmem_shared>>
            tpu.enqueue_dma source(%dma_start3A_205 : memref<128x128xf32, #tpu.memory_space<vmem_shared>>) target(%dma_start3A_203 : memref<128x128xf32, #tpu.memory_space<hbm>>) target_semaphore(%run_scoped3A : memref<!tpu.dma_semaphore, #tpu.memory_space<semaphore_mem>>)
            %dma_wait3A_206 = arith.constant 0 : i32
            %dma_wait3A_207 = tpu.memref_slice %arg11[%multiple_of3A_110, %dma_wait3A_206] : memref<163840x128xf32, #tpu.memory_space<hbm>> -> memref<128x128xf32, #tpu.memory_space<hbm>>
            %dma_wait3A_208 = arith.constant 0 : i32
            %dma_wait3A_209 = tpu.memref_slice %arg12[%multiple_of3A_201, %dma_wait3A_208] : memref<8192x128xf32, #tpu.memory_space<vmem_shared>> -> memref<128x128xf32, #tpu.memory_space<vmem_shared>>
            tpu.wait_dma2 semaphore(%run_scoped3A : memref<!tpu.dma_semaphore, #tpu.memory_space<semaphore_mem>>) src(%dma_wait3A_209 : memref<128x128xf32, #tpu.memory_space<vmem_shared>>) dst(%dma_wait3A_207 : memref<128x128xf32, #tpu.memory_space<hbm>>)
            tpu.yield
          }) : () -> ()
        } else {
        }
        %eq3A_99 = arith.constant 1 : i32
        %eq3A_100 = arith.cmpi eq, %and3A_75, %eq3A_99 : i32
        %convert_element_type3A_101 = arith.extui %eq3A_100 : i1 to i32
        %cond3A_102 = arith.constant 0 : i32
        %cond3A_103 = arith.cmpi ne, %convert_element_type3A_101, %cond3A_102 : i32
        scf.if %cond3A_103 {
          %mul3A_104 = arith.constant 512 : i32
          %mul3A_105 = arith.muli %mul3A_104, %arg1 : i32
          %mul3A_106 = arith.constant 128 : i32
          %mul3A_107 = arith.muli %mul3A_106, %scan3A_73 : i32
          %add3A_108 = arith.addi %mul3A_105, %mul3A_107 : i32
          %add3A_109 = arith.addi %shift_left3A_7, %add3A_108 : i32
          %multiple_of3A_110 = tpu.assume_multiple %add3A_109, 8 : i32
          %add3A_111 = arith.constant 0 : i32
          %add3A_112 = arith.addi %add3A_108, %add3A_111 : i32
          %add3A_113 = vector.broadcast %add3A_112 : i32 to vector<16xi32>
          %add3A_114 = arith.addi %add3A_113, %iota3A : vector<16xi32>
          %swap3A = arith.constant 0 : index
          %swap3A_115 = tpu.vector_load %arg24[%swap3A] {strides = array<i32>} : memref<128xi32, #tpu.memory_space<vmem>>, vector<16xi32>,
          %swap3A_116 = vector.shape_cast %swap3A_115 : vector<16xi32> to vector<16xi32>
          %swap3A_117 = vector.shape_cast %add3A_114 : vector<16xi32> to vector<16xi32>
          tpu.vector_store %arg24[%swap3A], %swap3A_117 {strides = array<i32>} : memref<128xi32, #tpu.memory_space<vmem>>, vector<16xi32>,
          %add3A_118 = arith.constant 16 : i32
          %add3A_119 = arith.addi %add3A_108, %add3A_118 : i32
          %add3A_120 = vector.broadcast %add3A_119 : i32 to vector<16xi32>
          %add3A_121 = arith.addi %add3A_120, %iota3A : vector<16xi32>
          %swap3A_122 = arith.constant 16 : index
          %swap3A_123 = tpu.vector_load %arg24[%swap3A_122] {strides = array<i32>} : memref<128xi32, #tpu.memory_space<vmem>>, vector<16xi32>,
          %swap3A_124 = vector.shape_cast %swap3A_123 : vector<16xi32> to vector<16xi32>
          %swap3A_125 = vector.shape_cast %add3A_121 : vector<16xi32> to vector<16xi32>
          tpu.vector_store %arg24[%swap3A_122], %swap3A_125 {strides = array<i32>} : memref<128xi32, #tpu.memory_space<vmem>>, vector<16xi32>,
          %add3A_126 = arith.constant 32 : i32
          %add3A_127 = arith.addi %add3A_108, %add3A_126 : i32
          %add3A_128 = vector.broadcast %add3A_127 : i32 to vector<16xi32>
          %add3A_129 = arith.addi %add3A_128, %iota3A : vector<16xi32>
          %swap3A_130 = arith.constant 32 : index
          %swap3A_131 = tpu.vector_load %arg24[%swap3A_130] {strides = array<i32>} : memref<128xi32, #tpu.memory_space<vmem>>, vector<16xi32>,
          %swap3A_132 = vector.shape_cast %swap3A_131 : vector<16xi32> to vector<16xi32>
          %swap3A_133 = vector.shape_cast %add3A_129 : vector<16xi32> to vector<16xi32>
          tpu.vector_store %arg24[%swap3A_130], %swap3A_133 {strides = array<i32>} : memref<128xi32, #tpu.memory_space<vmem>>, vector<16xi32>,
          %add3A_134 = arith.constant 48 : i32
          %add3A_135 = arith.addi %add3A_108, %add3A_134 : i32
          %add3A_136 = vector.broadcast %add3A_135 : i32 to vector<16xi32>
          %add3A_137 = arith.addi %add3A_136, %iota3A : vector<16xi32>
          %swap3A_138 = arith.constant 48 : index
          %swap3A_139 = tpu.vector_load %arg24[%swap3A_138] {strides = array<i32>} : memref<128xi32, #tpu.memory_space<vmem>>, vector<16xi32>,
          %swap3A_140 = vector.shape_cast %swap3A_139 : vector<16xi32> to vector<16xi32>
          %swap3A_141 = vector.shape_cast %add3A_137 : vector<16xi32> to vector<16xi32>
          tpu.vector_store %arg24[%swap3A_138], %swap3A_141 {strides = array<i32>} : memref<128xi32, #tpu.memory_space<vmem>>, vector<16xi32>,
          %add3A_142 = arith.constant 64 : i32
          %add3A_143 = arith.addi %add3A_108, %add3A_142 : i32
          %add3A_144 = vector.broadcast %add3A_143 : i32 to vector<16xi32>
          %add3A_145 = arith.addi %add3A_144, %iota3A : vector<16xi32>
          %swap3A_146 = arith.constant 64 : index
          %swap3A_147 = tpu.vector_load %arg24[%swap3A_146] {strides = array<i32>} : memref<128xi32, #tpu.memory_space<vmem>>, vector<16xi32>,
          %swap3A_148 = vector.shape_cast %swap3A_147 : vector<16xi32> to vector<16xi32>
          %swap3A_149 = vector.shape_cast %add3A_145 : vector<16xi32> to vector<16xi32>
          tpu.vector_store %arg24[%swap3A_146], %swap3A_149 {strides = array<i32>} : memref<128xi32, #tpu.memory_space<vmem>>, vector<16xi32>,
          %add3A_150 = arith.constant 80 : i32
          %add3A_151 = arith.addi %add3A_108, %add3A_150 : i32
          %add3A_152 = vector.broadcast %add3A_151 : i32 to vector<16xi32>
          %add3A_153 = arith.addi %add3A_152, %iota3A : vector<16xi32>
          %swap3A_154 = arith.constant 80 : index
          %swap3A_155 = tpu.vector_load %arg24[%swap3A_154] {strides = array<i32>} : memref<128xi32, #tpu.memory_space<vmem>>, vector<16xi32>,
          %swap3A_156 = vector.shape_cast %swap3A_155 : vector<16xi32> to vector<16xi32>
          %swap3A_157 = vector.shape_cast %add3A_153 : vector<16xi32> to vector<16xi32>
          tpu.vector_store %arg24[%swap3A_154], %swap3A_157 {strides = array<i32>} : memref<128xi32, #tpu.memory_space<vmem>>, vector<16xi32>,
          %add3A_158 = arith.constant 96 : i32
          %add3A_159 = arith.addi %add3A_108, %add3A_158 : i32
          %add3A_160 = vector.broadcast %add3A_159 : i32 to vector<16xi32>
          %add3A_161 = arith.addi %add3A_160, %iota3A : vector<16xi32>
          %swap3A_162 = arith.constant 96 : index
          %swap3A_163 = tpu.vector_load %arg24[%swap3A_162] {strides = array<i32>} : memref<128xi32, #tpu.memory_space<vmem>>, vector<16xi32>,
          %swap3A_164 = vector.shape_cast %swap3A_163 : vector<16xi32> to vector<16xi32>
          %swap3A_165 = vector.shape_cast %add3A_161 : vector<16xi32> to vector<16xi32>
          tpu.vector_store %arg24[%swap3A_162], %swap3A_165 {strides = array<i32>} : memref<128xi32, #tpu.memory_space<vmem>>, vector<16xi32>,
          %add3A_166 = arith.constant 112 : i32
          %add3A_167 = arith.addi %add3A_108, %add3A_166 : i32
          %add3A_168 = vector.broadcast %add3A_167 : i32 to vector<16xi32>
          %add3A_169 = arith.addi %add3A_168, %iota3A : vector<16xi32>
          %swap3A_170 = arith.constant 112 : index
          %swap3A_171 = tpu.vector_load %arg24[%swap3A_170] {strides = array<i32>} : memref<128xi32, #tpu.memory_space<vmem>>, vector<16xi32>,
          %swap3A_172 = vector.shape_cast %swap3A_171 : vector<16xi32> to vector<16xi32>
          %swap3A_173 = vector.shape_cast %add3A_169 : vector<16xi32> to vector<16xi32>
          tpu.vector_store %arg24[%swap3A_170], %swap3A_173 {strides = array<i32>} : memref<128xi32, #tpu.memory_space<vmem>>, vector<16xi32>,
          %dma_wait3A = tpu.memref_slice %arg8[%multiple_of3A_110] : memref<163840xi32, #tpu.memory_space<hbm>> -> memref<128xi32, #tpu.memory_space<hbm>>
          %dma_wait3A_174 = tpu.memref_slice %arg8[%multiple_of3A_110] : memref<163840xi32, #tpu.memory_space<hbm>> -> memref<128xi32, #tpu.memory_space<hbm>>
          tpu.wait_dma2 semaphore(%arg30 : memref<!tpu.dma_semaphore, #tpu.memory_space<semaphore_mem>>) src(%dma_wait3A_174 : memref<128xi32, #tpu.memory_space<hbm>>) dst(%arg17 : memref<128xi32, #tpu.memory_space<vmem>>)
          %dma_wait3A_175 = tpu.memref_slice %arg7[%multiple_of3A_110] : memref<163840xi32, #tpu.memory_space<hbm>> -> memref<128xi32, #tpu.memory_space<hbm>>
          %dma_wait3A_176 = tpu.memref_slice %arg7[%multiple_of3A_110] : memref<163840xi32, #tpu.memory_space<hbm>> -> memref<128xi32, #tpu.memory_space<hbm>>
          tpu.wait_dma2 semaphore(%arg30 : memref<!tpu.dma_semaphore, #tpu.memory_space<semaphore_mem>>) src(%dma_wait3A_176 : memref<128xi32, #tpu.memory_space<hbm>>) dst(%arg19 : memref<128xi32, #tpu.memory_space<vmem>>)
          %dma_start3A_177 = arith.constant 0 : i32
          %dma_start3A_178 = arith.constant 0 : i32
          %dma_start3A_179 = tpu.memref_slice %arg4[%dma_start3A_177, %dma_start3A_178] : memref<10240x128xf32, #tpu.memory_space<hbm>> -> memref<10240x128xf32, #tpu.memory_space<hbm>>
          tpu.enqueue_indirect_dma source(%dma_start3A_179 : memref<10240x128xf32, #tpu.memory_space<hbm>>) target(%arg14 : memref<128x128xf32, #tpu.memory_space<vmem>>) offsets(%arg17 : memref<128xi32, #tpu.memory_space<vmem>>) semaphore(%arg26 : memref<!tpu.dma_semaphore, #tpu.memory_space<semaphore_mem>>)
          %dma_start3A_180 = arith.constant 0 : i32
          %dma_start3A_181 = arith.constant 0 : i32
          %dma_start3A_182 = tpu.memref_slice %arg3[%dma_start3A_180, %dma_start3A_181] : memref<10240x128xf32, #tpu.memory_space<hbm>> -> memref<10240x128xf32, #tpu.memory_space<hbm>>
          tpu.enqueue_indirect_dma source(%dma_start3A_182 : memref<10240x128xf32, #tpu.memory_space<hbm>>) target(%arg15 : memref<128x128xf32, #tpu.memory_space<vmem>>) offsets(%arg19 : memref<128xi32, #tpu.memory_space<vmem>>) semaphore(%arg27 : memref<!tpu.dma_semaphore, #tpu.memory_space<semaphore_mem>>)
          %dma_wait3A_183 = arith.constant 0 : i32
          %dma_wait3A_184 = arith.constant 0 : i32
          %dma_wait3A_185 = tpu.memref_slice %arg4[%dma_wait3A_183, %dma_wait3A_184] : memref<10240x128xf32, #tpu.memory_space<hbm>> -> memref<10240x128xf32, #tpu.memory_space<hbm>>
          tpu.wait_indirect_dma semaphore(%arg26 : memref<!tpu.dma_semaphore, #tpu.memory_space<semaphore_mem>>) src(%dma_wait3A_185 : memref<10240x128xf32, #tpu.memory_space<hbm>>) dst(%arg14 : memref<128x128xf32, #tpu.memory_space<vmem>>)
          %dma_wait3A_186 = arith.constant 0 : i32
          %dma_wait3A_187 = arith.constant 0 : i32
          %dma_wait3A_188 = tpu.memref_slice %arg3[%dma_wait3A_186, %dma_wait3A_187] : memref<10240x128xf32, #tpu.memory_space<hbm>> -> memref<10240x128xf32, #tpu.memory_space<hbm>>
          tpu.wait_indirect_dma semaphore(%arg27 : memref<!tpu.dma_semaphore, #tpu.memory_space<semaphore_mem>>) src(%dma_wait3A_188 : memref<10240x128xf32, #tpu.memory_space<hbm>>) dst(%arg15 : memref<128x128xf32, #tpu.memory_space<vmem>>)
          %dma_start3A_189 = arith.constant 0 : i32
          %dma_start3A_190 = arith.constant 0 : i32
          %dma_start3A_191 = tpu.memref_slice %arg12[%dma_start3A_189, %dma_start3A_190] : memref<8192x128xf32, #tpu.memory_space<vmem_shared>> -> memref<8192x128xf32, #tpu.memory_space<vmem_shared>>
          tpu.enqueue_indirect_dma source(%arg14 : memref<128x128xf32, #tpu.memory_space<vmem>>) target(%dma_start3A_191 : memref<8192x128xf32, #tpu.memory_space<vmem_shared>>) offsets(%arg24 : memref<128xi32, #tpu.memory_space<vmem>>) semaphore(%arg28 : memref<!tpu.dma_semaphore, #tpu.memory_space<semaphore_mem>>) {add = true}
          %dma_start3A_192 = arith.constant 0 : i32
          %dma_start3A_193 = arith.constant 0 : i32
          %dma_start3A_194 = tpu.memref_slice %arg12[%dma_start3A_192, %dma_start3A_193] : memref<8192x128xf32, #tpu.memory_space<vmem_shared>> -> memref<8192x128xf32, #tpu.memory_space<vmem_shared>>
          tpu.enqueue_indirect_dma source(%arg15 : memref<128x128xf32, #tpu.memory_space<vmem>>) target(%dma_start3A_194 : memref<8192x128xf32, #tpu.memory_space<vmem_shared>>) offsets(%arg24 : memref<128xi32, #tpu.memory_space<vmem>>) semaphore(%arg28 : memref<!tpu.dma_semaphore, #tpu.memory_space<semaphore_mem>>) {add = true}
          %dma_wait3A_195 = arith.constant 0 : i32
          %dma_wait3A_196 = arith.constant 0 : i32
          %dma_wait3A_197 = tpu.memref_slice %arg12[%dma_wait3A_195, %dma_wait3A_196] : memref<8192x128xf32, #tpu.memory_space<vmem_shared>> -> memref<8192x128xf32, #tpu.memory_space<vmem_shared>>
          tpu.wait_indirect_dma semaphore(%arg28 : memref<!tpu.dma_semaphore, #tpu.memory_space<semaphore_mem>>) src(%arg14 : memref<128x128xf32, #tpu.memory_space<vmem>>) dst(%dma_wait3A_197 : memref<8192x128xf32, #tpu.memory_space<vmem_shared>>)
          %dma_wait3A_198 = arith.constant 0 : i32
          %dma_wait3A_199 = arith.constant 0 : i32
          %dma_wait3A_200 = tpu.memref_slice %arg12[%dma_wait3A_198, %dma_wait3A_199] : memref<8192x128xf32, #tpu.memory_space<vmem_shared>> -> memref<8192x128xf32, #tpu.memory_space<vmem_shared>>
          tpu.wait_indirect_dma semaphore(%arg28 : memref<!tpu.dma_semaphore, #tpu.memory_space<semaphore_mem>>) src(%arg15 : memref<128x128xf32, #tpu.memory_space<vmem>>) dst(%dma_wait3A_200 : memref<8192x128xf32, #tpu.memory_space<vmem_shared>>)
          %multiple_of3A_201 = tpu.assume_multiple %add3A_108, 8 : i32
          "tpu.region"() ({
            %run_scoped3A = tpu.sem_alloc : memref<!tpu.dma_semaphore, #tpu.memory_space<semaphore_mem>>
            %dma_start3A_202 = arith.constant 0 : i32
            %dma_start3A_203 = tpu.memref_slice %arg11[%multiple_of3A_110, %dma_start3A_202] : memref<163840x128xf32, #tpu.memory_space<hbm>> -> memref<128x128xf32, #tpu.memory_space<hbm>>
            %dma_start3A_204 = arith.constant 0 : i32
            %dma_start3A_205 = tpu.memref_slice %arg12[%multiple_of3A_201, %dma_start3A_204] : memref<8192x128xf32, #tpu.memory_space<vmem_shared>> -> memref<128x128xf32, #tpu.memory_space<vmem_shared>>
            tpu.enqueue_dma source(%dma_start3A_205 : memref<128x128xf32, #tpu.memory_space<vmem_shared>>) target(%dma_start3A_203 : memref<128x128xf32, #tpu.memory_space<hbm>>) target_semaphore(%run_scoped3A : memref<!tpu.dma_semaphore, #tpu.memory_space<semaphore_mem>>)
            %dma_wait3A_206 = arith.constant 0 : i32
            %dma_wait3A_207 = tpu.memref_slice %arg11[%multiple_of3A_110, %dma_wait3A_206] : memref<163840x128xf32, #tpu.memory_space<hbm>> -> memref<128x128xf32, #tpu.memory_space<hbm>>
            %dma_wait3A_208 = arith.constant 0 : i32
            %dma_wait3A_209 = tpu.memref_slice %arg12[%multiple_of3A_201, %dma_wait3A_208] : memref<8192x128xf32, #tpu.memory_space<vmem_shared>> -> memref<128x128xf32, #tpu.memory_space<vmem_shared>>
            tpu.wait_dma2 semaphore(%run_scoped3A : memref<!tpu.dma_semaphore, #tpu.memory_space<semaphore_mem>>) src(%dma_wait3A_209 : memref<128x128xf32, #tpu.memory_space<vmem_shared>>) dst(%dma_wait3A_207 : memref<128x128xf32, #tpu.memory_space<hbm>>)
            tpu.yield
          }) : () -> ()
        } else {
        }
      }
      %scan3A_71 = arith.constant 4 : i32
      %barrier3A_72 = arith.constant 0 : index
      tpu.barrier barrier_id(%barrier3A_72)
    }
    %scan3A_4 = arith.constant 10 : i32
    return
  }
}

module attributes {stable_mosaic.version = 14 : i64} {
  func.func @_matmul_body(%arg0: i32, %arg1: memref<1024x128xf32, #tpu.memory_space<vmem>>, %arg2: memref<128x128xf32, #tpu.memory_space<vmem>>, %arg3: memref<128x128xf32, #tpu.memory_space<vmem>>, %arg4: memref<128x256xf32, #tpu.memory_space<vmem>>, %arg5: memref<1024x128xf32, #tpu.memory_space<vmem>>, %arg6: memref<1024x128xf32, #tpu.memory_space<vmem>>, %arg7: memref<1024x128xf32, #tpu.memory_space<vmem>>) attributes {dimension_semantics = [#tpu.dimension_semantics<arbitrary>], iteration_bounds = array<i64: 10>, scalar_prefetch = 0 : i64, scratch_operands = 0 : i64, tpu.core_type = #tpu.core_type<tc>, window_params = [{transform_indices = @transform_0, window_bounds = array<i64: 1024, 128>}, {pipeline_mode = #tpu.pipeline_mode<synchronous>, transform_indices = @transform_1, window_bounds = array<i64: 128, 128>}, {pipeline_mode = #tpu.pipeline_mode<synchronous>, transform_indices = @transform_2, window_bounds = array<i64: 128, 128>}, {pipeline_mode = #tpu.pipeline_mode<synchronous>, transform_indices = @transform_3, window_bounds = array<i64: 128, 256>}, {transform_indices = @transform_4, window_bounds = array<i64: 1024, 128>}, {transform_indices = @transform_5, window_bounds = array<i64: 1024, 128>}, {transform_indices = @transform_6, window_bounds = array<i64: 1024, 128>}]} {
    %get3A = arith.constant 0 : index
    %get3A_0 = arith.constant 0 : index
    %get3A_1 = vector.load %arg1[%get3A, %get3A_0] : memref<1024x128xf32, #tpu.memory_space<vmem>>, vector<1024x128xf32>
    %get3A_2 = arith.constant 0 : index
    %get3A_3 = arith.constant 0 : index
    %get3A_4 = vector.load %arg2[%get3A_2, %get3A_3] : memref<128x128xf32, #tpu.memory_space<vmem>>, vector<128x128xf32>
    %dot_general3A = arith.constant dense<0.000000e+00> : vector<1024x128xf32>
    %dot_general3A_5 = tpu.matmul %get3A_1, %get3A_4, %dot_general3A {dimension_numbers = #tpu.dot_dimension_numbers<[1], [0], [0], [1], [0, 0, 1, 1], [], []>, transpose_lhs_hint = false} : vector<1024x128xf32>, vector<128x128xf32>, vector<1024x128xf32> -> vector<1024x128xf32>
    %swap3A = arith.constant 0 : index
    %swap3A_6 = arith.constant 0 : index
    %swap3A_7 = vector.load %arg5[%swap3A, %swap3A_6] : memref<1024x128xf32, #tpu.memory_space<vmem>>, vector<1024x128xf32>
    tpu.vector_store %arg5[%swap3A, %swap3A_6], %dot_general3A_5 {strides = array<i32>} : memref<1024x128xf32, #tpu.memory_space<vmem>>, vector<1024x128xf32>,
    %get3A_8 = arith.constant 0 : index
    %get3A_9 = arith.constant 0 : index
    %get3A_10 = vector.load %arg3[%get3A_8, %get3A_9] : memref<128x128xf32, #tpu.memory_space<vmem>>, vector<128x128xf32>
    %dot_general3A_11 = arith.constant dense<0.000000e+00> : vector<1024x128xf32>
    %dot_general3A_12 = tpu.matmul %get3A_1, %get3A_10, %dot_general3A_11 {dimension_numbers = #tpu.dot_dimension_numbers<[1], [0], [0], [1], [0, 0, 1, 1], [], []>, transpose_lhs_hint = false} : vector<1024x128xf32>, vector<128x128xf32>, vector<1024x128xf32> -> vector<1024x128xf32>
    %swap3A_13 = arith.constant 0 : index
    %swap3A_14 = arith.constant 0 : index
    %swap3A_15 = vector.load %arg6[%swap3A_13, %swap3A_14] : memref<1024x128xf32, #tpu.memory_space<vmem>>, vector<1024x128xf32>
    tpu.vector_store %arg6[%swap3A_13, %swap3A_14], %dot_general3A_12 {strides = array<i32>} : memref<1024x128xf32, #tpu.memory_space<vmem>>, vector<1024x128xf32>,
    %get3A_16 = arith.constant 0 : index
    %get3A_17 = arith.constant 0 : index
    %get3A_18 = vector.load %arg4[%get3A_16, %get3A_17] : memref<128x256xf32, #tpu.memory_space<vmem>>, vector<128x128xf32>
    %get3A_19 = arith.constant 0 : index
    %get3A_20 = arith.constant 128 : index
    %get3A_21 = vector.load %arg4[%get3A_19, %get3A_20] : memref<128x256xf32, #tpu.memory_space<vmem>>, vector<128x128xf32>
    %add3A = arith.addf %get3A_18, %get3A_21 : vector<128x128xf32>
    %dot_general3A_22 = arith.constant dense<0.000000e+00> : vector<1024x128xf32>
    %dot_general3A_23 = tpu.matmul %get3A_1, %add3A, %dot_general3A_22 {dimension_numbers = #tpu.dot_dimension_numbers<[1], [0], [0], [1], [0, 0, 1, 1], [], []>, transpose_lhs_hint = false} : vector<1024x128xf32>, vector<128x128xf32>, vector<1024x128xf32> -> vector<1024x128xf32>
    %swap3A_24 = arith.constant 0 : index
    %swap3A_25 = arith.constant 0 : index
    %swap3A_26 = vector.load %arg7[%swap3A_24, %swap3A_25] : memref<1024x128xf32, #tpu.memory_space<vmem>>, vector<1024x128xf32>
    tpu.vector_store %arg7[%swap3A_24, %swap3A_25], %dot_general3A_23 {strides = array<i32>} : memref<1024x128xf32, #tpu.memory_space<vmem>>, vector<1024x128xf32>,
    return
  }
  func.func @transform_0(%arg0: i32) -> (i32, i32) {
    %c0_i32 = arith.constant 0 : i32
    %c0_i32_0 = arith.constant 0 : i32
    return %arg0, %c0_i32 : i32, i32
  }
  func.func @transform_1(%arg0: i32) -> (i32, i32) {
    %c0_i32 = arith.constant 0 : i32
    %c0_i32_0 = arith.constant 0 : i32
    %c0_i32_1 = arith.constant 0 : i32
    return %c0_i32, %c0_i32_0 : i32, i32
  }
  func.func @transform_2(%arg0: i32) -> (i32, i32) {
    %c0_i32 = arith.constant 0 : i32
    %c0_i32_0 = arith.constant 0 : i32
    %c0_i32_1 = arith.constant 0 : i32
    return %c0_i32, %c0_i32_0 : i32, i32
  }
  func.func @transform_3(%arg0: i32) -> (i32, i32) {
    %c0_i32 = arith.constant 0 : i32
    %c0_i32_0 = arith.constant 0 : i32
    %c0_i32_1 = arith.constant 0 : i32
    return %c0_i32, %c0_i32_0 : i32, i32
  }
  func.func @transform_4(%arg0: i32) -> (i32, i32) {
    %c0_i32 = arith.constant 0 : i32
    %c0_i32_0 = arith.constant 0 : i32
    return %arg0, %c0_i32 : i32, i32
  }
  func.func @transform_5(%arg0: i32) -> (i32, i32) {
    %c0_i32 = arith.constant 0 : i32
    %c0_i32_0 = arith.constant 0 : i32
    return %arg0, %c0_i32 : i32, i32
  }
  func.func @transform_6(%arg0: i32) -> (i32, i32) {
    %c0_i32 = arith.constant 0 : i32
    %c0_i32_0 = arith.constant 0 : i32
    return %arg0, %c0_i32 : i32, i32
  }
}

module attributes {stable_mosaic.version = 14 : i64} {
  func.func @_bn_body(%arg0: i32, %arg1: i32, %arg2: memref<2048x128xf32, #tpu.memory_space<vmem>>, %arg3: memref<1x128xf32, #tpu.memory_space<vmem>>, %arg4: memref<1x128xf32, #tpu.memory_space<vmem>>, %arg5: memref<2048x128xf32, #tpu.memory_space<vmem>>, %arg6: memref<1x128xf32, #tpu.memory_space<vmem>>, %arg7: memref<1x128xf32, #tpu.memory_space<vmem>>) attributes {dimension_semantics = [#tpu.dimension_semantics<arbitrary>, #tpu.dimension_semantics<arbitrary>], iteration_bounds = array<i64: 2, 80>, scalar_prefetch = 0 : i64, scratch_operands = 2 : i64, tpu.core_type = #tpu.core_type<tc>, window_params = [{transform_indices = @transform_0, window_bounds = array<i64: 2048, 128>}, {pipeline_mode = #tpu.pipeline_mode<synchronous>, transform_indices = @transform_1, window_bounds = array<i64: 1, 128>}, {pipeline_mode = #tpu.pipeline_mode<synchronous>, transform_indices = @transform_2, window_bounds = array<i64: 1, 128>}, {transform_indices = @transform_3, window_bounds = array<i64: 2048, 128>}]} {
    %eq3A = arith.constant 0 : i32
    %eq3A_0 = arith.cmpi eq, %arg0, %eq3A : i32
    %eq3A_1 = arith.constant 0 : i32
    %eq3A_2 = arith.cmpi eq, %arg1, %eq3A_1 : i32
    %and3A = arith.andi %eq3A_0, %eq3A_2 : i1
    %convert_element_type3A = arith.extui %and3A : i1 to i32
    %cond3A = arith.constant 0 : i32
    %cond3A_3 = arith.cmpi ne, %convert_element_type3A, %cond3A : i32
    scf.if %cond3A_3 {
      %broadcast_in_dim3A = arith.constant 0.000000e+00 : f32
      %broadcast_in_dim3A_16 = vector.broadcast %broadcast_in_dim3A : f32 to vector<1x128xf32>
      %swap3A = arith.constant 0 : index
      %swap3A_17 = arith.constant 0 : index
      %swap3A_18 = vector.load %arg6[%swap3A, %swap3A_17] : memref<1x128xf32, #tpu.memory_space<vmem>>, vector<1x128xf32>
      tpu.vector_store %arg6[%swap3A, %swap3A_17], %broadcast_in_dim3A_16 {strides = array<i32>} : memref<1x128xf32, #tpu.memory_space<vmem>>, vector<1x128xf32>,
      %broadcast_in_dim3A_19 = arith.constant 0.000000e+00 : f32
      %broadcast_in_dim3A_20 = vector.broadcast %broadcast_in_dim3A_19 : f32 to vector<1x128xf32>
      %swap3A_21 = arith.constant 0 : index
      %swap3A_22 = arith.constant 0 : index
      %swap3A_23 = vector.load %arg7[%swap3A_21, %swap3A_22] : memref<1x128xf32, #tpu.memory_space<vmem>>, vector<1x128xf32>
      tpu.vector_store %arg7[%swap3A_21, %swap3A_22], %broadcast_in_dim3A_20 {strides = array<i32>} : memref<1x128xf32, #tpu.memory_space<vmem>>, vector<1x128xf32>,
    } else {
    }
    %get3A = arith.constant 0 : index
    %get3A_4 = arith.constant 0 : index
    %get3A_5 = vector.load %arg2[%get3A, %get3A_4] : memref<2048x128xf32, #tpu.memory_space<vmem>>, vector<2048x128xf32>
    %eq3A_6 = arith.constant 0 : i32
    %eq3A_7 = arith.cmpi eq, %arg0, %eq3A_6 : i32
    %convert_element_type3A_8 = arith.extui %eq3A_7 : i1 to i32
    %cond3A_9 = arith.constant 0 : i32
    %cond3A_10 = arith.cmpi ne, %convert_element_type3A_8, %cond3A_9 : i32
    scf.if %cond3A_10 {
      %get3A_16 = arith.constant 0 : index
      %get3A_17 = arith.constant 0 : index
      %get3A_18 = vector.load %arg6[%get3A_16, %get3A_17] : memref<1x128xf32, #tpu.memory_space<vmem>>, vector<1x128xf32>
      %reduce_sum3A = arith.constant dense<0.000000e+00> : vector<128xf32>
      %reduce_sum3A_19 = vector.multi_reduction <add>, %get3A_5, %reduce_sum3A [0] : vector<2048x128xf32> to vector<128xf32>
      %broadcast_in_dim3A = vector.shape_cast %reduce_sum3A_19 : vector<128xf32> to vector<1x128xf32>
      %add3A = arith.addf %get3A_18, %broadcast_in_dim3A : vector<1x128xf32>
      %swap3A = arith.constant 0 : index
      %swap3A_20 = arith.constant 0 : index
      %swap3A_21 = vector.load %arg6[%swap3A, %swap3A_20] : memref<1x128xf32, #tpu.memory_space<vmem>>, vector<1x128xf32>
      tpu.vector_store %arg6[%swap3A, %swap3A_20], %add3A {strides = array<i32>} : memref<1x128xf32, #tpu.memory_space<vmem>>, vector<1x128xf32>,
      %get3A_22 = arith.constant 0 : index
      %get3A_23 = arith.constant 0 : index
      %get3A_24 = vector.load %arg7[%get3A_22, %get3A_23] : memref<1x128xf32, #tpu.memory_space<vmem>>, vector<1x128xf32>
      %mul3A = arith.mulf %get3A_5, %get3A_5 : vector<2048x128xf32>
      %reduce_sum3A_25 = arith.constant dense<0.000000e+00> : vector<128xf32>
      %reduce_sum3A_26 = vector.multi_reduction <add>, %mul3A, %reduce_sum3A_25 [0] : vector<2048x128xf32> to vector<128xf32>
      %broadcast_in_dim3A_27 = vector.shape_cast %reduce_sum3A_26 : vector<128xf32> to vector<1x128xf32>
      %add3A_28 = arith.addf %get3A_24, %broadcast_in_dim3A_27 : vector<1x128xf32>
      %swap3A_29 = arith.constant 0 : index
      %swap3A_30 = arith.constant 0 : index
      %swap3A_31 = vector.load %arg7[%swap3A_29, %swap3A_30] : memref<1x128xf32, #tpu.memory_space<vmem>>, vector<1x128xf32>
      tpu.vector_store %arg7[%swap3A_29, %swap3A_30], %add3A_28 {strides = array<i32>} : memref<1x128xf32, #tpu.memory_space<vmem>>, vector<1x128xf32>,
      %swap3A_32 = arith.constant 0 : index
      %swap3A_33 = arith.constant 0 : index
      %swap3A_34 = vector.load %arg5[%swap3A_32, %swap3A_33] : memref<2048x128xf32, #tpu.memory_space<vmem>>, vector<2048x128xf32>
      tpu.vector_store %arg5[%swap3A_32, %swap3A_33], %get3A_5 {strides = array<i32>} : memref<2048x128xf32, #tpu.memory_space<vmem>>, vector<2048x128xf32>,
    } else {
    }
    %eq3A_11 = arith.constant 1 : i32
    %eq3A_12 = arith.cmpi eq, %arg0, %eq3A_11 : i32
    %convert_element_type3A_13 = arith.extui %eq3A_12 : i1 to i32
    %cond3A_14 = arith.constant 0 : i32
    %cond3A_15 = arith.cmpi ne, %convert_element_type3A_13, %cond3A_14 : i32
    scf.if %cond3A_15 {
      %get3A_16 = arith.constant 0 : index
      %get3A_17 = arith.constant 0 : index
      %get3A_18 = vector.load %arg6[%get3A_16, %get3A_17] : memref<1x128xf32, #tpu.memory_space<vmem>>, vector<1x128xf32>
      %div3A = arith.constant 1.600000e+05 : f32
      %div3A_19 = vector.broadcast %div3A : f32 to vector<1x128xf32>
      %div3A_20 = arith.divf %get3A_18, %div3A_19 : vector<1x128xf32>
      %get3A_21 = arith.constant 0 : index
      %get3A_22 = arith.constant 0 : index
      %get3A_23 = vector.load %arg7[%get3A_21, %get3A_22] : memref<1x128xf32, #tpu.memory_space<vmem>>, vector<1x128xf32>
      %div3A_24 = arith.constant 1.600000e+05 : f32
      %div3A_25 = vector.broadcast %div3A_24 : f32 to vector<1x128xf32>
      %div3A_26 = arith.divf %get3A_23, %div3A_25 : vector<1x128xf32>
      %mul3A = arith.mulf %div3A_20, %div3A_20 : vector<1x128xf32>
      %sub3A = arith.subf %div3A_26, %mul3A : vector<1x128xf32>
      %add3A = arith.constant 9.99999974E-6 : f32
      %add3A_27 = vector.broadcast %add3A : f32 to vector<1x128xf32>
      %add3A_28 = arith.addf %sub3A, %add3A_27 : vector<1x128xf32>
      %rsqrt3A = math.rsqrt %add3A_28 : vector<1x128xf32>
      %get3A_29 = arith.constant 0 : index
      %get3A_30 = arith.constant 0 : index
      %get3A_31 = vector.load %arg3[%get3A_29, %get3A_30] : memref<1x128xf32, #tpu.memory_space<vmem>>, vector<1x128xf32>
      %mul3A_32 = arith.mulf %rsqrt3A, %get3A_31 : vector<1x128xf32>
      %sub3A_33 = vector.broadcast %div3A_20 : vector<1x128xf32> to vector<2048x128xf32>
      %sub3A_34 = arith.subf %get3A_5, %sub3A_33 : vector<2048x128xf32>
      %mul3A_35 = vector.broadcast %mul3A_32 : vector<1x128xf32> to vector<2048x128xf32>
      %mul3A_36 = arith.mulf %sub3A_34, %mul3A_35 : vector<2048x128xf32>
      %get3A_37 = arith.constant 0 : index
      %get3A_38 = arith.constant 0 : index
      %get3A_39 = vector.load %arg4[%get3A_37, %get3A_38] : memref<1x128xf32, #tpu.memory_space<vmem>>, vector<1x128xf32>
      %add3A_40 = vector.broadcast %get3A_39 : vector<1x128xf32> to vector<2048x128xf32>
      %add3A_41 = arith.addf %mul3A_36, %add3A_40 : vector<2048x128xf32>
      %max3A = arith.constant 0.000000e+00 : f32
      %max3A_42 = vector.broadcast %max3A : f32 to vector<2048x128xf32>
      %max3A_43 = arith.maximumf %add3A_41, %max3A_42 : vector<2048x128xf32>
      %swap3A = arith.constant 0 : index
      %swap3A_44 = arith.constant 0 : index
      %swap3A_45 = vector.load %arg5[%swap3A, %swap3A_44] : memref<2048x128xf32, #tpu.memory_space<vmem>>, vector<2048x128xf32>
      tpu.vector_store %arg5[%swap3A, %swap3A_44], %max3A_43 {strides = array<i32>} : memref<2048x128xf32, #tpu.memory_space<vmem>>, vector<2048x128xf32>,
    } else {
    }
    return
  }
  func.func @transform_0(%arg0: i32, %arg1: i32) -> (i32, i32) {
    %c0_i32 = arith.constant 0 : i32
    %c0_i32_0 = arith.constant 0 : i32
    return %arg1, %c0_i32 : i32, i32
  }
  func.func @transform_1(%arg0: i32, %arg1: i32) -> (i32, i32) {
    %c0_i32 = arith.constant 0 : i32
    %c0_i32_0 = arith.constant 0 : i32
    %c0_i32_1 = arith.constant 0 : i32
    return %c0_i32, %c0_i32_0 : i32, i32
  }
  func.func @transform_2(%arg0: i32, %arg1: i32) -> (i32, i32) {
    %c0_i32 = arith.constant 0 : i32
    %c0_i32_0 = arith.constant 0 : i32
    %c0_i32_1 = arith.constant 0 : i32
    return %c0_i32, %c0_i32_0 : i32, i32
  }
  func.func @transform_3(%arg0: i32, %arg1: i32) -> (i32, i32) {
    %c0_i32 = arith.constant 0 : i32
    %c0_i32_0 = arith.constant 0 : i32
    return %arg1, %c0_i32 : i32, i32
  }
}

</mosaic_0001>

<sc_bundles>
// kernel: kernel.6.cloned.1.call-start
scs
__scs_entry_jumppad:
0x0: {  	(pc) =	sbr.rel $0x88, $3  }
0x1: {  	(tag) =	ssettag $0x0;
	lr =	simm.s32 $0x1  }
0x2: {  	[smem:$0x3F97] =	sst lr;
	_ =	strace $0xD0000000  }
0x3: {  	_ = 	snop  }
0x4: {  	_ = 	snop  }
0x5: {  	_ = 	snop  }
0x6: {  	_ = 	snop  }
0x7: {  	_ = 	snop  }
__scs_overlays_trampoline_lowered:
0x8: {  	[smem:$0x3FA6] =	sst s0  }
0x9: {  	[smem:$0x3FA7] =	sst s1  }
0xa: {  	[smem:$0x3FA8] =	sst s2  }
0xb: {  	[smem:$0x3FA9] =	sst s3  }
0xc: {  	[smem:$0x3FAA] =	sst s4  }
0xd: {  	[smem:$0x3FAB] =	sst s5  }
0xe: {  	[smem:$0x3FAC] =	sst s6  }
0xf: {  	[smem:$0x3FAD] =	sst s7  }
0x10: {  	[smem:$0x3FAE] =	sst s8  }
0x11: {  	[smem:$0x3FAF] =	sst s9;
	s0 =	simm.s32 @!p0 $0x0  }
0x12: {  	s1 =	sld [smem:$0x3F95];
	s0 =	simm.s32 @p0 $0x1  }
0x13: {  	[smem:$0x3FB0] =	sst s0;
	s0 =	simm.s32 @!p1 $0x0  }
0x14: {  	s2 =	sld [smem:$0x3F94];
	s0 =	simm.s32 @p1 $0x1  }
0x15: {  	[smem:$0x3FB1] =	sst s0;
	s0 =	simm.s32 @!p2 $0x0  }
0x16: {  	s3 =	sld [smem:$0x3FDB];
	s0 =	simm.s32 @p2 $0x1  }
0x17: {  	s4 =	simm.s32 $0x1BF5;
	[smem:$0x3FB3] =	sst s0  }
0x18: {  	s0 =	sld [smem:$0x3F96];
	_ =	swait.ge [sflag:s4], $0x0  }
0x19: {  	s7 =	sld [smem:$0x3F97]  }
0x1a: {  	s8 =	sadd.s32 $0xFFFFE003, lr  }
0x1b: {  	s9 =	sadd.s32 $0xFFFFFEF7, lr;
	s5 =	simm.s32 $0xFFFFFFFF;
	p2 =	slt.u32 s8, $0xFFFFF086  }
0x1c: {  	p1 =	slt.u32 s9, $0xF7A;
	s5 =	simm.s32 @!p2 $0x0  }
0x1d: {  	s5 =	simm.s32 @p1 $0x1;
	p0 =	seq.s32 s7, s2  }
0x1e: {  	s7 =	smul.u32 @!p0 $0xF7A, s2;
	p2 =	seq.s32 @!p0 s5, $0x0  }
0x1f: {  	s9 =	smul.u32 $0xF7A, s1;
	s8 =	simm.s32 @!p0 $0x1BF5;
	p2 =	por !p2, p0  }
0x20: {  	[sflag:s8] =	ssyncset.s32 @!p0 $0xFFFFF086;
	s6 =	sadd.s32 @!p0 s3, s7;
	s7 =	simm.s32 @!p0 $0x108  }
0x21: {  	s3 =	sadd.s32 s3, s9;
	s6 =	sadd.s32 @!p0 $0x88, s6;
	s7 =	simm.s32 @p2 $0x1082  }
0x22: {  	[simem:s7], [sflag:s8] =	dma.local @!p0 [hbm:s6], $0xF7A  }
0x23: {  	s9 =	sor.u32 $0xD0000000, s2;
	s6 =	simm.s32 $0x108;
	_ =	swait.ge @!p0 [sflag:s8], $0x0  }
0x24: {  	s3 =	sadd.s32 $0x88, s3;
	s6 =	simm.s32 @!p1 $0x1082;
	[sflag:s4] =	ssyncset.s32 $0xFFFFF086  }
0x25: {  	[simem:s6], [sflag:s4] =	dma.local [hbm:s3], $0xF7A  }
0x26: {  	[smem:$0x3F97] =	sst s1;
	(tag) =	ssettag s2;
	_ =	strace s9  }
0x27: {  	s1 =	sld [smem:$0x3FA7]  }
0x28: {  	s2 =	sld [smem:$0x3FA8]  }
0x29: {  	s4 =	sld [smem:$0x3FAA]  }
0x2a: {  	p0 =	seq.s32 s5, $0x0;
	s5 =	sld [smem:$0x3FAB]  }
0x2b: {  	s6 =	sld [smem:$0x3FAC]  }
0x2c: {  	s7 =	sld [smem:$0x3FAD]  }
0x2d: {  	s3 =	simm.s32 $0x108;
	s8 =	sld [smem:$0x3FAE]  }
0x2e: {  	s3 =	simm.s32 @!p0 $0x1082;
	s9 =	sld [smem:$0x3FAF]  }
0x2f: {  	lr =	sadd.s32 s0, s3;
	s0 =	sld [smem:$0x3FA6]  }
0x30: {  	s3 =	sld [smem:$0x3FA9]  }
0x31: {  	[smem:$0x3FB2] =	sst s10  }
0x32: {  	s10 =	sld [smem:$0x3FB0];
	_ =	sdelay $0x3  }
0x33: {  	p0 =	seq.s32 s10, $0x1;
	s10 =	sld [smem:$0x3FB2];
	_ =	sdelay $0x3  }
0x34: {  	[smem:$0x3FB2] =	sst s10  }
0x35: {  	s10 =	sld [smem:$0x3FB1];
	_ =	sdelay $0x3  }
0x36: {  	p1 =	seq.s32 s10, $0x1;
	s10 =	sld [smem:$0x3FB2];
	_ =	sdelay $0x3  }
0x37: {  	[smem:$0x3FB2] =	sst s10  }
0x38: {  	s10 =	sld [smem:$0x3FB3]  }
0x39: {  	_ = 	snop;
	(pc) =	sbr.ind lr, $3  }
0x3a: {  	_ = 	snop  }
0x3b: {  	_ = 	snop  }
0x3c: {  	p2 =	seq.s32 s10, $0x1;
	s10 =	sld [smem:$0x3FB2]  }
0x3d: {  	_ =	shalt  }
0x3e: {  	_ =	shalt  }
0x3f: {  	_ =	shalt  }
0x40: {  	_ =	shalt  }
0x41: {  	_ =	shalt  }
0x42: {  	_ =	shalt  }
0x43: {  	_ =	shalt  }
0x44: {  	_ =	shalt  }
0x45: {  	_ =	shalt  }
0x46: {  	_ =	shalt  }
0x47: {  	_ =	shalt  }
0x48: {  	_ =	shalt  }
0x49: {  	_ =	shalt  }
0x4a: {  	_ =	shalt  }
0x4b: {  	_ =	shalt  }
0x4c: {  	_ =	shalt  }
0x4d: {  	_ =	shalt  }
0x4e: {  	_ =	shalt  }
0x4f: {  	_ =	shalt  }
0x50: {  	_ =	shalt  }
0x51: {  	_ =	shalt  }
0x52: {  	_ =	shalt  }
0x53: {  	_ =	shalt  }
0x54: {  	_ =	shalt  }
0x55: {  	_ =	shalt  }
0x56: {  	_ =	shalt  }
0x57: {  	_ =	shalt  }
0x58: {  	_ =	shalt  }
0x59: {  	_ =	shalt  }
0x5a: {  	_ =	shalt  }
0x5b: {  	_ =	shalt  }
0x5c: {  	_ =	shalt  }
0x5d: {  	_ =	shalt  }
0x5e: {  	_ =	shalt  }
0x5f: {  	_ =	shalt  }
0x60: {  	_ =	shalt  }
0x61: {  	_ =	shalt  }
0x62: {  	_ =	shalt  }
0x63: {  	_ =	shalt  }
0x64: {  	_ =	shalt  }
0x65: {  	_ =	shalt  }
0x66: {  	_ =	shalt  }
0x67: {  	_ =	shalt  }
0x68: {  	_ =	shalt  }
0x69: {  	_ =	shalt  }
0x6a: {  	_ =	shalt  }
0x6b: {  	_ =	shalt  }
0x6c: {  	_ =	shalt  }
0x6d: {  	_ =	shalt  }
0x6e: {  	_ =	shalt  }
0x6f: {  	_ =	shalt  }
0x70: {  	_ =	shalt  }
0x71: {  	_ =	shalt  }
0x72: {  	_ =	shalt  }
0x73: {  	_ =	shalt  }
0x74: {  	_ =	shalt  }
0x75: {  	_ =	shalt  }
0x76: {  	_ =	shalt  }
0x77: {  	_ =	shalt  }
0x78: {  	_ =	shalt  }
0x79: {  	_ =	shalt  }
0x7a: {  	_ =	shalt  }
0x7b: {  	_ =	shalt  }
0x7c: {  	_ =	shalt  }
0x7d: {  	_ =	shalt  }
0x7e: {  	_ =	shalt  }
0x7f: {  	_ =	shalt  }
0x80: {  	_ =	shalt  }
0x81: {  	_ =	shalt  }
0x82: {  	_ =	shalt  }
0x83: {  	_ =	shalt  }
0x84: {  	_ =	shalt  }
0x85: {  	_ =	shalt  }
0x86: {  	_ =	shalt  }
0x87: {  	_ =	shalt  }
.Lfunc_end0:
.L_simem_size_0:
called_computation_lowered:
.L_overlay_start_0:
0x88: {  	s2 =	sld [smem:$0x3FD9]  }
0x89: {  	s3 =	sld [smem:$0x3FFE];
	_ =	sdelay $0x1  }
0x8a: {  	s1 =	srdreg.scid  }
0x8b: {  	s0 =	sand.u32 $0x1, s1  }
0x8c: {  	s16 =	sshll.u32 s0, $0xA;
	s2 =	sadd.s32 s3, s2  }
0x8d: {  	s2 =	sadd.s32 s2, s16  }
0x8e: {  	[smem:$0x3FBE] =	sst s2  }
0x8f: {  	_ = 	snop  }
0x90: {  	(tm) =	ssettm $0x1  }
0x91: {  	s17 =	sld [smem:$0x3FFB];
	_ =	sdelay $0x3  }
0x92: {  	_ =	strace s17  }
0x93: {  	s2 =	sld [smem:$0x3FFC];
	_ =	sdelay $0x3  }
0x94: {  	_ =	strace s2  }
0x95: {  	s2 =	sld [smem:$0x3FFD];
	_ =	sdelay $0x3  }
0x96: {  	_ =	strace s2  }
0x97: {  	_ =	strace $0x8FFFFFFF  }
0x98: {  	s18 =	sld [smem:$0x3FDB];
	_ =	sdelay $0x1  }
0x99: {  	s19 =	simm.s32 $_scs_section_size  }
0x9a: {  	s4 =	simm.s32 $_size__tile_overlayer_lowered;
	s5 =	simm.s32 $_tile_overlayer_lowered  }
0x9b: {  	s22 =	simm.s32 $0x1BFF;
	s21 =	sshll.u32 s5, $0x1;
	s2 =	sadd.s32 s19, s18  }
0x9c: {  	s6 =	simm.s32 $0x0;
	s20 =	sshll.u32 s4, $0x1;
	s4 =	sadd.s32 s21, s2  }
0x9d: {  	[timem:s6], [sflag:s22] =	dma.local [hbm:s4], s20  }
0x9e: {  	_ =	swait.ge [sflag:s22], s20  }
0x9f: {  	s3 =	ssub.s32 $0x0, s20;
	[sflag:s22] =	ssyncset.done $0x0  }
0xa0: {  	[sflag:s22] =	ssyncadd.s32 s3;
	_ =	sdelay $0x1  }
0xa1: {  	s23 =	simm.s32 $0x1B8B  }
0xa2: {  	_ =	swait.ge [sflag:s23], $0x1  }
0xa3: {  	[sflag:s23] =	ssyncset.done $0x0  }
0xa4: {  	s25 =	simm.s32 $0x1B8E;
	s24 =	sld [smem:$0x3FFE];
	[sflag:s23] =	ssyncadd.s32 $0xFFFFFFFF  }
0xa5: {  	s26 =	simm.s32 $execute0_lowered;
	[smem:$0x3FD2] =	sst s25  }
0xa6: {  	s4 =	sshll.u32 s26, $0x1;
	_ =	strace $0x80000046;
	[dreg:$0x1] =	wrdreg $0xFFFFFFFF  }
0xa7: {  	s28 =	simm.s32 $_size_execute0_lowered;
	s2 =	sadd.s32 s2, s4;
	[dreg:$0x0] =	wrdreg $0x0  }
0xa8: {  	s4 =	sshll.u32 s28, $0x1;
	[dreg:$0x2] =	wrdreg s2  }
0xa9: {  	[dreg:$0x3] =	wrdreg s4  }
0xaa: {  	[dreg:$0x4] =	wrdreg $0xC0  }
0xab: {  	_ =	task [dreg:s6], $0x5FFFF  }
0xac: {  	[dreg:$0x1] =	wrdreg $0xFFFFFFFF  }
0xad: {  	[dreg:$0x0] =	wrdreg $0x60  }
0xae: {  	[dreg:$0x2] =	wrdreg s24  }
0xaf: {  	[dreg:$0x3] =	wrdreg $0x0  }
0xb0: {  	[dreg:$0x4] =	wrdreg $0x9  }
0xb1: {  	_ =	task.clear_ibuf [dreg:s6], $0x5FFFF;
	_ =	strace $0x90000046  }
0xb2: {  	s29 =	simm.s32 $0x9;
	_ =	strace $0x80000048  }
0xb3: {  	_ =	swait.ge [sflag:s29], $0x1  }
0xb4: {  	[sflag:s29] =	ssyncadd.s32 $0xFFFFFFFF  }
0xb5: {  	_ =	strace $0x90000048  }
0xb6: {  	_ =	sfence  }
0xb7: {  	s30 =	sld [smem:$0x0];
	_ =	sdelay $0x2  }
0xb8: {  	s31 =	sshll.u32 s1, $0xD;
	s1 =	sshrl.u32 s1, $0x2  }
0xb9: {  	s3 =	sand.u32 $0x4000, s31;
	s1 =	sadd.s32 s1, s30  }
0xba: {  	s0 =	sor.u32 s3, s0;
	s1 =	sshll.u32 s1, $0x11  }
0xbb: {  	s0 =	sor.u32 s1, s0  }
0xbc: {  	s0 =	sadd.s32 $0x8F2B, s0  }
0xbd: {  	[sflag:s0] =	ssyncadd.remote.s32 $0x1  }
0xbe: {  	_ =	sfence.sel $0xFFFF  }
0xbf: {  	[dreg:$0x0] =	wrdreg $0xFFFFFFFF;
	(pc) =	sbr.abs _section_cstart, $3  }
0xc0: {  	[dreg:$0x1] =	wrdreg $0xFFFFFFFF  }
0xc1: {  	_ =	task.clear_ibuf [dreg:s6], $0x2FFFF;
	_ =	strace $0x9FFFFFFF  }
0xc2: {  	(tm) =	ssettm $0x7FFFFFFF  }
0xc3: {  	_ =	shalt  }
tec
execute0_lowered:
.L_overlay_start_1:
0x0: {  	(tag) =	ssettag $0x1  }
0x1: {  	s0 =	rddreg [dreg:$0x0]  }
0x2: {  	s2 =	rddreg [dreg:$0x1];
	s3 =	simm.s32 $0x0;
	s1 =	srdreg.scid  }
0x3: {  	s6 =	stileid.u32;
	s21 =	simm.s32 $0xA040;
	s28 =	simm.s32 $0x120C0  }
0x4: {  	s29 =	simm.s32 $0x1;
	s30 =	simm.s32 $0x121C0;
	s31 =	simm.s32 $0x0  }
0x5: {  	[smem:$0x7FF] =	sst s3;
	s1 =	sand.u32 $0x1, s1;
	s4 =	smul.u32 $0x140, s6  }
0x6: {  	s5 =	sadd.s32 $0x2000, s0;
	s7 =	smul.u32 $0x28000, s6;
	s9 =	sadd.s32 $0x52000, s0  }
0x7: {  	s25 =	sadd.s32 $0xA0000, s2;
	_ =	strace $0x80000047;
	[dreg:$0x3] =	wrdreg s5  }
0x8: {  	s26 =	sadd.s32 $0x1, s6;
	p0 =	sne.s32 s6, $0xF;
	[dreg:$0x4] =	wrdreg s9  }
0x9: {  	s23 =	smul.u32 $0x1400, s1;
	s5 =	sadd.s32 $0x1A00, s0;
	[dreg:$0x6] =	wrdreg s25  }
0xa: {  	s8 =	sadd.s32 s1, s0;
	s1 =	ssub.s32 $0x2, s1;
	[dreg:$0x7] =	wrdreg s26  }
0xb: {  	s25 =	simm.s32 $0xE040;
	s26 =	simm.s32 $0x80;
	s22 =	sshrl.u32 s1, $0x1  }
0xc: {  	s7 =	sshrl.u32 s7, $0x2;
	s24 =	sadd.s32 $0x1600, s8;
	s4 =	sadd.s32 s4, s23  }
0xd: {  	s1 =	ssub.s32 s1, s22;
	s7 =	sadd.s32 s7, s2;
	[dreg:$0x5] =	wrdreg s24  }
.Ltmp0:
0xe: {  	s22 =	simm.s32 $0x2;
	s24 =	simm.s32 $0x12040;
	(pc) =	sbr.rel .LBB2_1-.Ltmp0, $4  }
0xf: {  	s4 =	sshll.u32 s4, $0x4;
	s9 =	sadd.s32 $0x4000, s7;
	s10 =	sadd.s32 $0x8000, s7  }
0x10: {  	s14 =	sadd.s32 $0x2000, s7;
	s17 =	sadd.s32 $0x6000, s7;
	s0 =	sadd.s32 s4, s0  }
0x11: {  	s20 =	smax.u32 s1, $0x1;
	s13 =	sadd.s32 $0x52800, s0;
	s15 =	sadd.s32 $0x52C00, s0  }
0x12: {  	v1 =	vlaneseq.u32;
	v0 =	vmov s23;
	s16 =	sadd.s32 $0x53000, s0;
	s18 =	sadd.s32 $0x53400, s0;
	s19 =	sadd.s32 $0x53800, s0  }
.LBB2_4:
0x13: {  	s0 =	sadd.s32 $0x60, s0;
	v7 =	vld [tilespmem:$0x12070]  }
0x14: {  	v9 =	vld [tilespmem:$0x12050];
	v8 =	vadd.s32 s0, v1  }
0x15: {  	v4 =	vsub.s32 v4, v0;
	vm8 =	vge.s32 v8, v2;
	vm9 =	vlt.s32 v8, v3;
	v2 =	vld [tilespmem:$0x12060]  }
0x16: {  	v60 =	vld [tilespmem:$0x12080];
	v4 =	vnsel vm2, $0x1400, v4;
	v3 =	vsub.s32 v6, v0;
	vm8 =	vmand vm8, vm9  }
0x17: {  	v5 =	vsub.s32 v5, v0;
	v61 =	vld [tilespmem:$0x12040];
	[tilespmem:$0x12110] =	vst v4;
	v3 =	vnsel vm8, $0x1400, v3  }
0x18: {  	[tilespmem:$0x12120] =	vst v3;
	v3 =	vnsel vm0, $0x1400, v5;
	v62 =	vsub.s32 v7, v0  }
0x19: {  	[tilespmem:$0x12130] =	vst v3;
	v3 =	vsub.s32 v9, v0;
	v5 =	vnsel vm1, $0x1400, v62  }
0x1a: {  	v3 =	vnsel vm3, $0x1400, v3;
	v2 =	vsub.s32 v2, v0;
	[tilespmem:$0x120F0] =	vst v5  }
0x1b: {  	v2 =	vnsel vm5, $0x1400, v2;
	[tilespmem:$0x120D0] =	vst v3;
	v3 =	vsub.s32 v60, v0  }
0x1c: {  	vm15 =	vmand vm6, vm7;
	v63 =	vsub.s32 v61, v0;
	[tilespmem:$0x120E0] =	vst v2;
	v2 =	vnsel vm4, $0x1400, v3  }
0x1d: {  	v3 =	vnsel vm15, $0x1400, v63;
	[tilespmem:$0x12100] =	vst v2  }
0x1e: {  	[tilespmem:$0x120C0] =	vst v3  }
0x1f: {  	[spmem:s2] =	stream.indirect.scatter.add.f32 [tilespmem:s25], [sflag:$0x1], $0x80, s28, s26, $0xb8;
	[tilespmem:$0x141C0] =	vst v63  }
0x20: {  	_ =	swait.ge [sflag:s29], $0x4000  }
0x21: {  	[sflag:s29] =	ssyncset.done $0x0  }
0x22: {  	[sflag:s29] =	ssyncadd.s32 $0xFFFFC000  }
.LBB2_5:
0x23: {  	[bflag:$0x0] =	sbarrier.arrive $0xFFFF  }
0x24: {  	[tilespmem:s30], [sflag:$0x2] =	stream.linear.gather [spmem:s7], $0x2000, $0x38;
	[tilespmem:$0x141C0] =	vst v63  }
0x25: {  	_ =	swait.ge [sflag:s22], $0x2000  }
0x26: {  	[sflag:s22] =	ssyncset.done $0x0  }
0x27: {  	[sflag:s22] =	ssyncadd.s32 $0xFFFFE000  }
0x28: {  	[hbm4b:s13+s3] =	stream.linear.scatter [tilespmem:s30], [sflag:$0x2], $0x2000, $0x38;
	[tilespmem:$0x141C0] =	vst v63  }
0x29: {  	_ =	swait.ge [sflag:s22], $0x2000  }
0x2a: {  	[sflag:s22] =	ssyncset.done $0x0  }
0x2b: {  	[sflag:s22] =	ssyncadd.s32 $0xFFFFE000  }
0x2c: {  	[tilespmem:s30], [sflag:$0x2] =	stream.linear.gather [spmem:s14], $0x2000, $0x38;
	[tilespmem:$0x141C0] =	vst v63  }
0x2d: {  	_ =	swait.ge [sflag:s22], $0x2000  }
0x2e: {  	[sflag:s22] =	ssyncset.done $0x0  }
0x2f: {  	[sflag:s22] =	ssyncadd.s32 $0xFFFFE000  }
0x30: {  	[hbm4b:s15+s3] =	stream.linear.scatter [tilespmem:s30], [sflag:$0x2], $0x2000, $0x38;
	[tilespmem:$0x141C0] =	vst v63  }
0x31: {  	_ =	swait.ge [sflag:s22], $0x2000  }
0x32: {  	[sflag:s22] =	ssyncset.done $0x0  }
0x33: {  	[sflag:s22] =	ssyncadd.s32 $0xFFFFE000  }
0x34: {  	[tilespmem:s30], [sflag:$0x2] =	stream.linear.gather [spmem:s9], $0x2000, $0x38;
	[tilespmem:$0x141C0] =	vst v63  }
0x35: {  	_ =	swait.ge [sflag:s22], $0x2000  }
0x36: {  	[sflag:s22] =	ssyncset.done $0x0  }
0x37: {  	[sflag:s22] =	ssyncadd.s32 $0xFFFFE000  }
0x38: {  	[hbm4b:s16+s3] =	stream.linear.scatter [tilespmem:s30], [sflag:$0x2], $0x2000, $0x38;
	[tilespmem:$0x141C0] =	vst v63  }
0x39: {  	_ =	swait.ge [sflag:s22], $0x2000  }
0x3a: {  	[sflag:s22] =	ssyncset.done $0x0  }
0x3b: {  	[sflag:s22] =	ssyncadd.s32 $0xFFFFE000  }
0x3c: {  	[tilespmem:s30], [sflag:$0x2] =	stream.linear.gather [spmem:s17], $0x2000, $0x38;
	[tilespmem:$0x141C0] =	vst v63  }
0x3d: {  	_ =	swait.ge [sflag:s22], $0x2000  }
0x3e: {  	[sflag:s22] =	ssyncset.done $0x0  }
0x3f: {  	[sflag:s22] =	ssyncadd.s32 $0xFFFFE000  }
0x40: {  	[hbm4b:s18+s3] =	stream.linear.scatter [tilespmem:s30], [sflag:$0x2], $0x2000, $0x38;
	[tilespmem:$0x141C0] =	vst v63  }
0x41: {  	_ =	swait.ge [sflag:s22], $0x2000  }
0x42: {  	[sflag:s22] =	ssyncset.done $0x0  }
0x43: {  	[sflag:s22] =	ssyncadd.s32 $0xFFFFE000  }
0x44: {  	[tilespmem:s30], [sflag:$0x2] =	stream.linear.gather [spmem:s10], $0x2000, $0x38;
	[tilespmem:$0x141C0] =	vst v63  }
0x45: {  	s31 =	sadd.s32 $0x1, s31;
	_ =	swait.ge [sflag:s22], $0x2000  }
0x46: {  	p1 =	sne.s32 s31, s20;
	[sflag:s22] =	ssyncset.done $0x0  }
.Ltmp1:
0x47: {  	[sflag:s22] =	ssyncadd.s32 $0xFFFFE000;
	(pc) =	sbr.rel @!p1 .LBB2_6-.Ltmp1, $4  }
0x48: {  	[hbm4b:s19+s3] =	stream.linear.scatter [tilespmem:s30], [sflag:$0x2], $0x2000, $0x38;
	[tilespmem:$0x141C0] =	vst v63  }
0x49: {  	_ =	swait.ge [sflag:s22], $0x2000  }
0x4a: {  	[sflag:s22] =	ssyncset.done $0x0  }
0x4b: {  	[sflag:s22] =	ssyncadd.s32 $0xFFFFE000  }
.LBB2_1:
0x4c: {  	s0 =	rddreg [dreg:$0x4]  }
0x4d: {  	[tilespmem:s21], [sflag:$0x2] =	stream.linear.gather [hbm4b:s0+s3], $0x4000, $0x38;
	[tilespmem:$0x141C0] =	vst v63  }
0x4e: {  	_ =	swait.ge [sflag:s22], $0x4000  }
0x4f: {  	[sflag:s22] =	ssyncset.done $0x0  }
0x50: {  	s1 =	simm.s32 $0x12140;
	s11 =	rddreg [dreg:$0x5];
	[sflag:s22] =	ssyncadd.s32 $0xFFFFC000  }
0x51: {  	[tilespmem:s1], [sflag:$0x2] =	stream.linear.gather [hbm4b:s11+s3], $0x10, $0x38;
	[tilespmem:$0x141C0] =	vst v63  }
0x52: {  	_ =	swait.ge [sflag:s22], $0x10  }
0x53: {  	[sflag:s22] =	ssyncset.done $0x0  }
0x54: {  	[sflag:s22] =	ssyncadd.s32 $0xFFFFFFF0  }
0x55: {  	[spmem:s7] =	stream.linear.scatter [tilespmem:s21], [sflag:$0x2], $0x4000, $0x38;
	[tilespmem:$0x141C0] =	vst v63  }
0x56: {  	_ =	swait.ge [sflag:s22], $0x4000  }
0x57: {  	[sflag:s22] =	ssyncset.done $0x0  }
0x58: {  	[sflag:s22] =	ssyncadd.s32 $0xFFFFC000  }
0x59: {  	[spmem:s9] =	stream.linear.scatter [tilespmem:s21], [sflag:$0x2], $0x4000, $0x38;
	[tilespmem:$0x141C0] =	vst v63  }
0x5a: {  	_ =	swait.ge [sflag:s22], $0x4000  }
0x5b: {  	[sflag:s22] =	ssyncset.done $0x0  }
0x5c: {  	[sflag:s22] =	ssyncadd.s32 $0xFFFFC000  }
0x5d: {  	[spmem:s10] =	stream.linear.scatter [tilespmem:s21], [sflag:$0x2], $0x2000, $0x38;
	[tilespmem:$0x141C0] =	vst v63  }
0x5e: {  	_ =	swait.ge [sflag:s22], $0x2000  }
0x5f: {  	[sflag:s22] =	ssyncset.done $0x0  }
0x60: {  	s0 =	simm.s32 @!p0 $0xA040;
	s1 =	rddreg [dreg:$0x6];
	[sflag:s22] =	ssyncadd.s32 $0xFFFFE000  }
0x61: {  	[spmem:s1] =	stream.linear.scatter @!p0 [tilespmem:s0], [sflag:$0x2], $0x400, $0x38;
	[tilespmem:$0x141C0] =	vst v63  }
0x62: {  	s0 =	simm.s32 @!p0 $0x2  }
0x63: {  	_ =	swait.ge @!p0 [sflag:s0], $0x400  }
0x64: {  	[sflag:s0] =	ssyncset.done @!p0 $0x0  }
0x65: {  	[sflag:s0] =	ssyncadd.s32 @!p0 $0xFFFFFC00  }
0x66: {  	[bflag:$0x0] =	sbarrier.arrive $0xFFFF  }
0x67: {  	v2 =	vld [tilespmem:$0x12140];
	_ =	sdelay $0x4  }
0x68: {  	(v2sf) =	vpush v2, $0x0  }
0x69: {  	(v2sf) =	vpush v2, $0x1;
	_ =	sdelay $0xd  }
0x6a: {  	s12 =	spop (v2sf)  }
0x6b: {  	s23 =	spop (v2sf)  }
0x6c: {  	s4 =	stileid.u32;
	s1 =	ssub.s32 s23, s12  }
0x6d: {  	s6 =	rddreg [dreg:$0x7];
	s4 =	smul.u32 s4, s1  }
0x6e: {  	s1 =	smul.u32 s6, s1  }
0x6f: {  	s4 =	sshra.s32 s4, $0x4  }
0x70: {  	s1 =	sshra.s32 s1, $0x4;
	s4 =	sadd.s32 s12, s4  }
0x71: {  	s23 =	sadd.s32 s12, s1;
	s0 =	sand.u32 $0xFFFFFFF8, s4  }
0x72: {  	s1 =	ssub.s32 s23, s0  }
0x73: {  	s1 =	sadd.s32 $0x7F, s1  }
0x74: {  	s1 =	sshra.s32 s1, $0x7  }
0x75: {  	p1 =	slt.s32 s1, $0x1  }
.Ltmp2:
0x76: {  	_ = 	snop;
	(pc) =	sbr.rel @p1 .LBB2_5-.Ltmp2, $1  }
0x77: {  	_ =	sdelay $0x3  }
0x78: {  	s6 =	sshrl.u32 s0, $0x3  }
0x79: {  	s8 =	sadd.s32 $0x70, s0;
	s12 =	sadd.s32 $0x30, s0;
	s6 =	sadd.s32 s5, s6  }
0x7a: {  	[tilespmem:s24], [sflag:$0x2] =	stream.linear.gather [hbm4b:s6+s3], $0x80, $0x38;
	[tilespmem:$0x141C0] =	vst v63  }
0x7b: {  	v2 =	vmov s4;
	v4 =	vadd.s32 s8, v1;
	s8 =	sadd.s32 $0x10, s0;
	s6 =	sshll.u32 s4, $0x4;
	_ =	swait.ge [sflag:s22], $0x80  }
0x7c: {  	v3 =	vmov s23;
	v5 =	vadd.s32 s0, v1;
	v6 =	vadd.s32 s12, v1;
	s4 =	sand.u32 $0xFFFFFF80, s6;
	[sflag:s22] =	ssyncset.done $0x0;
	s11 =	rddreg [dreg:$0x3]  }
0x7d: {  	vm0 =	vge.s32 v4, v2;
	vm1 =	vlt.s32 v4, v3;
	vm3 =	vge.s32 v6, v2;
	s6 =	sadd.s32 $0x50, s0;
	s23 =	sadd.s32 s4, s11;
	[sflag:s22] =	ssyncadd.s32 $0xFFFFFF80  }
0x7e: {  	vm4 =	vlt.s32 v6, v3;
	vm0 =	vmand vm0, vm1;
	v4 =	vadd.s32 s6, v1;
	[tilespmem:s25], [sflag:$0x2] =	stream.linear.gather [hbm4b:s23+s3], $0x4000, $0x38;
	[tilespmem:$0x141C0] =	vst v63  }
0x7f: {  	p1 =	sne.s32 s1, $0x1;
	vm1 =	vge.s32 v4, v2;
	vm2 =	vlt.s32 v4, v3;
	s11 =	sadd.s32 $0x20, s0;
	v4 =	vadd.s32 s8, v1;
	_ =	swait.ge [sflag:s22], $0x4000  }
.Ltmp3:
0x80: {  	vm2 =	vmand vm1, vm2;
	v6 =	vadd.s32 s11, v1;
	vm1 =	vmand vm3, vm4;
	[sflag:s22] =	ssyncset.done $0x0;
	(pc) =	sbr.rel @!p1 .LBB2_4-.Ltmp3, $4  }
0x81: {  	s12 =	sadd.s32 $0x40, s0;
	vm3 =	vge.s32 v4, v2;
	vm4 =	vlt.s32 v4, v3;
	vm5 =	vge.s32 v6, v2;
	[sflag:s22] =	ssyncadd.s32 $0xFFFFC000  }
0x82: {  	vm3 =	vmand vm3, vm4;
	vm4 =	vlt.s32 v6, v3;
	v6 =	vadd.s32 s12, v1;
	v4 =	vld [tilespmem:$0x12090]  }
0x83: {  	vm5 =	vmand vm5, vm4;
	vm4 =	vge.s32 v6, v2;
	vm8 =	vlt.s32 v6, v3;
	v6 =	vld [tilespmem:$0x120A0]  }
0x84: {  	s1 =	sadd.s32 $0xFFFFFFFF, s1;
	vm6 =	vge.s32 v5, v2;
	vm7 =	vlt.s32 v5, v3;
	vm4 =	vmand vm4, vm8;
	v5 =	vld [tilespmem:$0x120B0]  }
.LBB2_3:
0x85: {  	v7 =	vld [tilespmem:$0x12070];
	s4 =	sadd.s32 $0x60, s0;
	s23 =	sadd.s32 $0x800, s23;
	s0 =	sadd.s32 $0x80, s0  }
0x86: {  	p1 =	sne.s32 s1, $0x1;
	s1 =	sadd.s32 $0xFFFFFFFF, s1;
	vm6 =	vmand vm6, vm7;
	v8 =	vadd.s32 s0, v1;
	s6 =	sadd.s32 $0x50, s0;
	v9 =	vld [tilespmem:$0x12050];
	v10 =	vadd.s32 s4, v1  }
0x87: {  	s8 =	sadd.s32 $0x10, s0;
	s11 =	sadd.s32 $0x30, s0;
	v11 =	vadd.s32 s6, v1;
	s6 =	sadd.s32 $0x70, s0;
	v12 =	vld [tilespmem:$0x12060];
	vm7 =	vge.s32 v10, v2;
	vm8 =	vlt.s32 v10, v3  }
0x88: {  	v6 =	vsub.s32 v6, v0;
	s12 =	sadd.s32 $0x20, s0;
	s4 =	sadd.s32 $0x40, s0;
	v10 =	vadd.s32 s6, v1;
	v13 =	vld [tilespmem:$0x12040];
	vm7 =	vmand vm7, vm8  }
0x89: {  	v4 =	vsub.s32 v4, v0;
	v5 =	vsub.s32 v5, v0;
	v14 =	vld [tilespmem:$0x12080];
	v6 =	vnsel vm7, $0x1400, v6  }
0x8a: {  	v4 =	vnsel vm2, $0x1400, v4;
	v5 =	vnsel vm0, $0x1400, v5;
	v7 =	vsub.s32 v7, v0;
	[tilespmem:$0x12120] =	vst v6  }
0x8b: {  	s6 =	sshrl.u32 s0, $0x3;
	vm0 =	vge.s32 v10, v2;
	v6 =	vsub.s32 v9, v0;
	v7 =	vnsel vm1, $0x1400, v7;
	[tilespmem:$0x12130] =	vst v5  }
0x8c: {  	vm1 =	vlt.s32 v10, v3;
	v5 =	vnsel vm3, $0x1400, v6;
	v6 =	vsub.s32 v12, v0;
	[tilespmem:$0x12110] =	vst v4  }
0x8d: {  	vm0 =	vmand vm0, vm1;
	v4 =	vsub.s32 v13, v0;
	v6 =	vnsel vm5, $0x1400, v6;
	[tilespmem:$0x120F0] =	vst v7  }
0x8e: {  	vm1 =	vge.s32 v11, v2;
	v4 =	vnsel vm6, $0x1400, v4;
	[tilespmem:$0x120D0] =	vst v5;
	v5 =	vsub.s32 v14, v0  }
0x8f: {  	vm2 =	vlt.s32 v11, v3;
	v7 =	vadd.s32 s11, v1;
	[tilespmem:$0x120E0] =	vst v6;
	v5 =	vnsel vm4, $0x1400, v5  }
0x90: {  	vm2 =	vmand vm1, vm2;
	vm3 =	vge.s32 v7, v2;
	vm4 =	vlt.s32 v7, v3;
	[tilespmem:$0x12100] =	vst v5  }
0x91: {  	v6 =	vadd.s32 s12, v1;
	v5 =	vadd.s32 s8, v1;
	vm1 =	vmand vm3, vm4;
	[tilespmem:$0x120C0] =	vst v4  }
0x92: {  	vm5 =	vge.s32 v6, v2;
	vm3 =	vge.s32 v5, v2;
	vm4 =	vlt.s32 v5, v3;
	[spmem:s2] =	stream.indirect.scatter.add.f32 [tilespmem:s25], [sflag:$0x1], $0x80, s28, s26, $0xb8;
	[tilespmem:$0x141C0] =	vst v63  }
0x93: {  	s6 =	sadd.s32 s5, s6;
	vm6 =	vge.s32 v8, v2;
	vm3 =	vmand vm3, vm4;
	vm4 =	vlt.s32 v6, v3;
	_ =	swait.ge [sflag:s29], $0x4000  }
0x94: {  	vm7 =	vlt.s32 v8, v3;
	v4 =	vadd.s32 s4, v1;
	vm5 =	vmand vm5, vm4;
	[sflag:s29] =	ssyncset.done $0x0  }
0x95: {  	vm8 =	vlt.s32 v4, v3;
	vm4 =	vge.s32 v4, v2;
	[sflag:s29] =	ssyncadd.s32 $0xFFFFC000  }
0x96: {  	vm4 =	vmand vm4, vm8;
	[tilespmem:s24], [sflag:$0x2] =	stream.linear.gather [hbm4b:s6+s3], $0x80, $0x38;
	[tilespmem:$0x141C0] =	vst v63  }
0x97: {  	_ =	swait.ge [sflag:s22], $0x80  }
0x98: {  	[sflag:s22] =	ssyncset.done $0x0  }
0x99: {  	[sflag:s22] =	ssyncadd.s32 $0xFFFFFF80  }
0x9a: {  	[tilespmem:s25], [sflag:$0x2] =	stream.linear.gather [hbm4b:s23+s3], $0x4000, $0x38;
	[tilespmem:$0x141C0] =	vst v63  }
0x9b: {  	_ =	swait.ge [sflag:s22], $0x4000  }
.Ltmp4:
0x9c: {  	[sflag:s22] =	ssyncset.done $0x0;
	(pc) =	sbr.rel @p1 .LBB2_3-.Ltmp4, $4  }
0x9d: {  	[sflag:s22] =	ssyncadd.s32 $0xFFFFC000  }
0x9e: {  	v4 =	vld [tilespmem:$0x12090]  }
0x9f: {  	v6 =	vld [tilespmem:$0x120A0]  }
0xa0: {  	v5 =	vld [tilespmem:$0x120B0]  }
.Ltmp5:
0xa1: {  	_ = 	snop;
	(pc) =	sbr.rel .LBB2_4-.Ltmp5, $1  }
0xa2: {  	_ =	sdelay $0x3  }
.LBB2_6:
0xa3: {  	_ =	sfence.sel $0x180000  }
0xa4: {  	[bflag:$0x0] =	sbarrier.arrive $0xFFFF  }
0xa5: {  	_ =	strace $0x90000047  }
0xa6: {  	s0 =	stileid.u32;
	[bflag:$0x2] =	sbarrier.arrive $0xFFFF  }
0xa7: {  	p0 =	sne.s32 s0, $0x0;
	s0 =	rddreg [dreg:$0x2]  }
0xa8: {  	s0 =	sadd.s32 @!p0 $0x100000, s0  }
0xa9: {  	[sflag:s0] =	ssyncadd.tile.s32 @!p0 $0x1;
	_ =	shalt  }
.Lfunc_end2:
_tile_overlayer_lowered:
.L_overlay_start_2:
0xaa: {  	(tag) =	ssettag $0x2  }
0xab: {  	s0 =	rddreg [dreg:$0x0];
	s2 =	stileid.u32  }
0xac: {  	s1 =	rddreg [dreg:$0x1];
	p0 =	sne.s32 s2, $0x0  }
0xad: {  	s3 =	rddreg [dreg:$0x2];
	[bflag:$0x3] =	sbarrier.arrive $0xFFFF;
	s2 =	simm.s32 @!p0 $0x1C02  }
0xae: {  	[timem:s3], [sflag:s2] =	dma.local @!p0 [hbm:s0], s1  }
0xaf: {  	s0 =	simm.s32 @!p0 $0x2  }
0xb0: {  	_ =	swait.ge @!p0 [sflag:s0], s1  }
0xb1: {  	s1 =	ssub.s32 @!p0 $0x0, s1;
	[sflag:s0] =	ssyncset.done @!p0 $0x0  }
0xb2: {  	[sflag:s0] =	ssyncadd.s32 @!p0 s1  }
0xb3: {  	[bflag:$0x3] =	sbarrier.arrive $0xFFFF  }
0xb4: {  	_ =	shalt  }

// kernel: kernel.9.cloned.1.call-start
scs
__scs_entry_jumppad:
0x0: {  	(pc) =	sbr.rel $0x88, $3  }
0x1: {  	(tag) =	ssettag $0x0;
	lr =	simm.s32 $0x1  }
0x2: {  	[smem:$0x3F97] =	sst lr;
	_ =	strace $0xD0000000  }
0x3: {  	_ = 	snop  }
0x4: {  	_ = 	snop  }
0x5: {  	_ = 	snop  }
0x6: {  	_ = 	snop  }
0x7: {  	_ = 	snop  }
__scs_overlays_trampoline_lowered:
0x8: {  	[smem:$0x3FA6] =	sst s0  }
0x9: {  	[smem:$0x3FA7] =	sst s1  }
0xa: {  	[smem:$0x3FA8] =	sst s2  }
0xb: {  	[smem:$0x3FA9] =	sst s3  }
0xc: {  	[smem:$0x3FAA] =	sst s4  }
0xd: {  	[smem:$0x3FAB] =	sst s5  }
0xe: {  	[smem:$0x3FAC] =	sst s6  }
0xf: {  	[smem:$0x3FAD] =	sst s7  }
0x10: {  	[smem:$0x3FAE] =	sst s8  }
0x11: {  	[smem:$0x3FAF] =	sst s9;
	s0 =	simm.s32 @!p0 $0x0  }
0x12: {  	s1 =	sld [smem:$0x3F95];
	s0 =	simm.s32 @p0 $0x1  }
0x13: {  	[smem:$0x3FB0] =	sst s0;
	s0 =	simm.s32 @!p1 $0x0  }
0x14: {  	s2 =	sld [smem:$0x3F94];
	s0 =	simm.s32 @p1 $0x1  }
0x15: {  	[smem:$0x3FB1] =	sst s0;
	s0 =	simm.s32 @!p2 $0x0  }
0x16: {  	s3 =	sld [smem:$0x3FDB];
	s0 =	simm.s32 @p2 $0x1  }
0x17: {  	s4 =	simm.s32 $0x1BF5;
	[smem:$0x3FB3] =	sst s0  }
0x18: {  	s0 =	sld [smem:$0x3F96];
	_ =	swait.ge [sflag:s4], $0x0  }
0x19: {  	s7 =	sld [smem:$0x3F97]  }
0x1a: {  	s8 =	sadd.s32 $0xFFFFE003, lr  }
0x1b: {  	s9 =	sadd.s32 $0xFFFFFEF7, lr;
	s5 =	simm.s32 $0xFFFFFFFF;
	p2 =	slt.u32 s8, $0xFFFFF086  }
0x1c: {  	p1 =	slt.u32 s9, $0xF7A;
	s5 =	simm.s32 @!p2 $0x0  }
0x1d: {  	s5 =	simm.s32 @p1 $0x1;
	p0 =	seq.s32 s7, s2  }
0x1e: {  	s7 =	smul.u32 @!p0 $0xF7A, s2;
	p2 =	seq.s32 @!p0 s5, $0x0  }
0x1f: {  	s9 =	smul.u32 $0xF7A, s1;
	s8 =	simm.s32 @!p0 $0x1BF5;
	p2 =	por !p2, p0  }
0x20: {  	[sflag:s8] =	ssyncset.s32 @!p0 $0xFFFFF086;
	s6 =	sadd.s32 @!p0 s3, s7;
	s7 =	simm.s32 @!p0 $0x108  }
0x21: {  	s3 =	sadd.s32 s3, s9;
	s6 =	sadd.s32 @!p0 $0x88, s6;
	s7 =	simm.s32 @p2 $0x1082  }
0x22: {  	[simem:s7], [sflag:s8] =	dma.local @!p0 [hbm:s6], $0xF7A  }
0x23: {  	s9 =	sor.u32 $0xD0000000, s2;
	s6 =	simm.s32 $0x108;
	_ =	swait.ge @!p0 [sflag:s8], $0x0  }
0x24: {  	s3 =	sadd.s32 $0x88, s3;
	s6 =	simm.s32 @!p1 $0x1082;
	[sflag:s4] =	ssyncset.s32 $0xFFFFF086  }
0x25: {  	[simem:s6], [sflag:s4] =	dma.local [hbm:s3], $0xF7A  }
0x26: {  	[smem:$0x3F97] =	sst s1;
	(tag) =	ssettag s2;
	_ =	strace s9  }
0x27: {  	s1 =	sld [smem:$0x3FA7]  }
0x28: {  	s2 =	sld [smem:$0x3FA8]  }
0x29: {  	s4 =	sld [smem:$0x3FAA]  }
0x2a: {  	p0 =	seq.s32 s5, $0x0;
	s5 =	sld [smem:$0x3FAB]  }
0x2b: {  	s6 =	sld [smem:$0x3FAC]  }
0x2c: {  	s7 =	sld [smem:$0x3FAD]  }
0x2d: {  	s3 =	simm.s32 $0x108;
	s8 =	sld [smem:$0x3FAE]  }
0x2e: {  	s3 =	simm.s32 @!p0 $0x1082;
	s9 =	sld [smem:$0x3FAF]  }
0x2f: {  	lr =	sadd.s32 s0, s3;
	s0 =	sld [smem:$0x3FA6]  }
0x30: {  	s3 =	sld [smem:$0x3FA9]  }
0x31: {  	[smem:$0x3FB2] =	sst s10  }
0x32: {  	s10 =	sld [smem:$0x3FB0];
	_ =	sdelay $0x3  }
0x33: {  	p0 =	seq.s32 s10, $0x1;
	s10 =	sld [smem:$0x3FB2];
	_ =	sdelay $0x3  }
0x34: {  	[smem:$0x3FB2] =	sst s10  }
0x35: {  	s10 =	sld [smem:$0x3FB1];
	_ =	sdelay $0x3  }
0x36: {  	p1 =	seq.s32 s10, $0x1;
	s10 =	sld [smem:$0x3FB2];
	_ =	sdelay $0x3  }
0x37: {  	[smem:$0x3FB2] =	sst s10  }
0x38: {  	s10 =	sld [smem:$0x3FB3]  }
0x39: {  	_ = 	snop;
	(pc) =	sbr.ind lr, $3  }
0x3a: {  	_ = 	snop  }
0x3b: {  	_ = 	snop  }
0x3c: {  	p2 =	seq.s32 s10, $0x1;
	s10 =	sld [smem:$0x3FB2]  }
0x3d: {  	_ =	shalt  }
0x3e: {  	_ =	shalt  }
0x3f: {  	_ =	shalt  }
0x40: {  	_ =	shalt  }
0x41: {  	_ =	shalt  }
0x42: {  	_ =	shalt  }
0x43: {  	_ =	shalt  }
0x44: {  	_ =	shalt  }
0x45: {  	_ =	shalt  }
0x46: {  	_ =	shalt  }
0x47: {  	_ =	shalt  }
0x48: {  	_ =	shalt  }
0x49: {  	_ =	shalt  }
0x4a: {  	_ =	shalt  }
0x4b: {  	_ =	shalt  }
0x4c: {  	_ =	shalt  }
0x4d: {  	_ =	shalt  }
0x4e: {  	_ =	shalt  }
0x4f: {  	_ =	shalt  }
0x50: {  	_ =	shalt  }
0x51: {  	_ =	shalt  }
0x52: {  	_ =	shalt  }
0x53: {  	_ =	shalt  }
0x54: {  	_ =	shalt  }
0x55: {  	_ =	shalt  }
0x56: {  	_ =	shalt  }
0x57: {  	_ =	shalt  }
0x58: {  	_ =	shalt  }
0x59: {  	_ =	shalt  }
0x5a: {  	_ =	shalt  }
0x5b: {  	_ =	shalt  }
0x5c: {  	_ =	shalt  }
0x5d: {  	_ =	shalt  }
0x5e: {  	_ =	shalt  }
0x5f: {  	_ =	shalt  }
0x60: {  	_ =	shalt  }
0x61: {  	_ =	shalt  }
0x62: {  	_ =	shalt  }
0x63: {  	_ =	shalt  }
0x64: {  	_ =	shalt  }
0x65: {  	_ =	shalt  }
0x66: {  	_ =	shalt  }
0x67: {  	_ =	shalt  }
0x68: {  	_ =	shalt  }
0x69: {  	_ =	shalt  }
0x6a: {  	_ =	shalt  }
0x6b: {  	_ =	shalt  }
0x6c: {  	_ =	shalt  }
0x6d: {  	_ =	shalt  }
0x6e: {  	_ =	shalt  }
0x6f: {  	_ =	shalt  }
0x70: {  	_ =	shalt  }
0x71: {  	_ =	shalt  }
0x72: {  	_ =	shalt  }
0x73: {  	_ =	shalt  }
0x74: {  	_ =	shalt  }
0x75: {  	_ =	shalt  }
0x76: {  	_ =	shalt  }
0x77: {  	_ =	shalt  }
0x78: {  	_ =	shalt  }
0x79: {  	_ =	shalt  }
0x7a: {  	_ =	shalt  }
0x7b: {  	_ =	shalt  }
0x7c: {  	_ =	shalt  }
0x7d: {  	_ =	shalt  }
0x7e: {  	_ =	shalt  }
0x7f: {  	_ =	shalt  }
0x80: {  	_ =	shalt  }
0x81: {  	_ =	shalt  }
0x82: {  	_ =	shalt  }
0x83: {  	_ =	shalt  }
0x84: {  	_ =	shalt  }
0x85: {  	_ =	shalt  }
0x86: {  	_ =	shalt  }
0x87: {  	_ =	shalt  }
.Lfunc_end0:
.L_simem_size_0:
called_computation.1_lowered:
.L_overlay_start_0:
0x88: {  	s2 =	sld [smem:$0x3FD9]  }
0x89: {  	s3 =	sld [smem:$0x3FFE];
	_ =	sdelay $0x1  }
0x8a: {  	s1 =	srdreg.scid  }
0x8b: {  	s0 =	sand.u32 $0x1, s1  }
0x8c: {  	s17 =	sshll.u32 s0, $0xA;
	s2 =	sadd.s32 s3, s2  }
0x8d: {  	s2 =	sadd.s32 s2, s17  }
0x8e: {  	[smem:$0x3FBE] =	sst s2  }
0x8f: {  	_ = 	snop  }
0x90: {  	s2 =	sld [smem:$0x3FD0];
	(tm) =	ssettm $0x1  }
0x91: {  	s18 =	sld [smem:$0x3FFB];
	_ =	sdelay $0x3  }
0x92: {  	_ =	strace s18  }
0x93: {  	s3 =	sld [smem:$0x3FFC];
	_ =	sdelay $0x3  }
0x94: {  	_ =	strace s3  }
0x95: {  	s3 =	sld [smem:$0x3FFD];
	_ =	sdelay $0x3  }
0x96: {  	_ =	strace s3  }
0x97: {  	_ =	strace $0x8FFFFFFF  }
0x98: {  	s19 =	sld [smem:$0x3FDB];
	_ =	sdelay $0x1  }
0x99: {  	s4 =	simm.s32 $_scs_section_size  }
0x9a: {  	s5 =	simm.s32 $_size__tile_overlayer_lowered;
	s6 =	simm.s32 $_tile_overlayer_lowered  }
0x9b: {  	s22 =	simm.s32 $0x1BFF;
	s21 =	sshll.u32 s6, $0x1;
	s3 =	sadd.s32 s4, s19  }
0x9c: {  	s7 =	simm.s32 $0x0;
	s20 =	sshll.u32 s5, $0x1;
	s5 =	sadd.s32 s21, s3  }
0x9d: {  	[timem:s7], [sflag:s22] =	dma.local [hbm:s5], s20  }
0x9e: {  	_ =	swait.ge [sflag:s22], s20  }
0x9f: {  	s4 =	ssub.s32 $0x0, s20;
	[sflag:s22] =	ssyncset.done $0x0  }
0xa0: {  	[sflag:s22] =	ssyncadd.s32 s4;
	_ =	sdelay $0x1  }
0xa1: {  	s23 =	simm.s32 $0x1B8B  }
0xa2: {  	_ =	swait.ge [sflag:s23], $0x1  }
0xa3: {  	[sflag:s23] =	ssyncset.done $0x0  }
0xa4: {  	s25 =	simm.s32 $0x1B8E;
	s24 =	sld [smem:$0x3FFE];
	[sflag:s23] =	ssyncadd.s32 $0xFFFFFFFF  }
0xa5: {  	s26 =	simm.s32 $execute0_lowered;
	[smem:$0x3FD2] =	sst s25  }
0xa6: {  	s5 =	sshll.u32 s26, $0x1;
	_ =	strace $0x80000049;
	[dreg:$0x1] =	wrdreg $0xFFFFFFFF  }
0xa7: {  	s28 =	simm.s32 $_size_execute0_lowered;
	s3 =	sadd.s32 s3, s5;
	[dreg:$0x0] =	wrdreg $0x0  }
0xa8: {  	s5 =	sshll.u32 s28, $0x1;
	[dreg:$0x2] =	wrdreg s3  }
0xa9: {  	[dreg:$0x3] =	wrdreg s5  }
0xaa: {  	[dreg:$0x4] =	wrdreg $0xC0  }
0xab: {  	_ =	task [dreg:s7], $0x5FFFF  }
0xac: {  	[dreg:$0x1] =	wrdreg $0xFFFFFFFF  }
0xad: {  	[dreg:$0x0] =	wrdreg $0x60  }
0xae: {  	[dreg:$0x2] =	wrdreg s2  }
0xaf: {  	[dreg:$0x3] =	wrdreg s24  }
0xb0: {  	[dreg:$0x4] =	wrdreg $0x0  }
0xb1: {  	[dreg:$0x5] =	wrdreg $0x9  }
0xb2: {  	_ =	task.clear_ibuf [dreg:s7], $0x6FFFF;
	_ =	strace $0x90000049  }
0xb3: {  	s29 =	simm.s32 $0x9;
	_ =	strace $0x8000004B  }
0xb4: {  	_ =	swait.ge [sflag:s29], $0x1  }
0xb5: {  	[sflag:s29] =	ssyncadd.s32 $0xFFFFFFFF  }
0xb6: {  	_ =	strace $0x9000004B  }
0xb7: {  	_ =	sfence  }
0xb8: {  	s30 =	sld [smem:$0x0];
	_ =	sdelay $0x2  }
0xb9: {  	s31 =	sshll.u32 s1, $0xD;
	s1 =	sshrl.u32 s1, $0x2  }
0xba: {  	s3 =	sand.u32 $0x4000, s31;
	s1 =	sadd.s32 s1, s30  }
0xbb: {  	s0 =	sor.u32 s3, s0;
	s1 =	sshll.u32 s1, $0x11  }
0xbc: {  	s0 =	sor.u32 s1, s0  }
0xbd: {  	s0 =	sadd.s32 $0x8F2B, s0  }
0xbe: {  	[sflag:s0] =	ssyncadd.remote.s32 $0x1  }
0xbf: {  	_ =	sfence.sel $0xFFFF  }
0xc0: {  	[dreg:$0x0] =	wrdreg $0xFFFFFFFF;
	(pc) =	sbr.abs _section_cstart, $3  }
0xc1: {  	[dreg:$0x1] =	wrdreg $0xFFFFFFFF  }
0xc2: {  	_ =	task.clear_ibuf [dreg:s7], $0x2FFFF;
	_ =	strace $0x9FFFFFFF  }
0xc3: {  	(tm) =	ssettm $0x7FFFFFFF  }
tec
execute0_lowered:
.L_overlay_start_1:
0x0: {  	(tag) =	ssettag $0x1  }
0x1: {  	s1 =	rddreg [dreg:$0x0]  }
0x2: {  	s0 =	rddreg [dreg:$0x1]  }
0x3: {  	s2 =	rddreg [dreg:$0x2];
	s12 =	simm.s32 $0x0  }
0x4: {  	s3 =	srdreg.scid;
	s10 =	stileid.u32;
	s31 =	simm.s32 $0x4  }
0x5: {  	s17 =	simm.s32 $0x14000;
	s28 =	simm.s32 $0x1;
	[smem:$0x7FF] =	sst s12  }
0x6: {  	s4 =	sadd.s32 $0x2A000, s0;
	s5 =	sadd.s32 $0x52800, s0;
	s3 =	sand.u32 $0x1, s3  }
0x7: {  	s6 =	sadd.s32 $0x84600, s0;
	s7 =	sadd.s32 $0x7A800, s0;
	s11 =	sadd.s32 $0x93400, s0  }
0x8: {  	s13 =	sadd.s32 $0x8E400, s0;
	s9 =	sadd.s32 $0x98400, s0;
	s19 =	sadd.s32 $0x52000, s0  }
0x9: {  	s22 =	sshll.u32 s10, $0x10;
	_ =	strace $0x8000004A;
	[dreg:$0x6] =	wrdreg s9  }
0xa: {  	s23 =	sadd.s32 $0x1, s10;
	s16 =	sshll.u32 s10, $0x9;
	[dreg:$0x7] =	wrdreg s19  }
0xb: {  	s26 =	sshll.u32 s10, $0xD;
	s8 =	smul.u32 $0x140000, s3;
	[dreg:$0xa] =	wrdreg s23  }
0xc: {  	s20 =	ssub.s32 $0x2, s3;
	s14 =	smul.u32 $0xA, s3;
	[dreg:$0x4] =	wrdreg s11  }
0xd: {  	s3 =	smul.u32 $0x14000, s3;
	s9 =	sadd.s32 s22, s2;
	[dreg:$0x5] =	wrdreg s13  }
0xe: {  	s22 =	simm.s32 $0x1C280;
	s23 =	simm.s32 $0x18000;
	[dreg:$0x9] =	wrdreg s9  }
0xf: {  	s21 =	sshrl.u32 s20, $0x1;
	s24 =	sadd.s32 $0x4000, s9;
	[dreg:$0x8] =	wrdreg s14  }
0x10: {  	s25 =	sadd.s32 $0x8000, s9;
	s9 =	sadd.s32 $0xC000, s9;
	[dreg:$0xc] =	wrdreg s24  }
0x11: {  	s0 =	sadd.s32 s8, s0;
	s8 =	ssub.s32 s20, s21;
	[dreg:$0xd] =	wrdreg s25  }
0x12: {  	s3 =	sor.u32 s16, s3;
	[dreg:$0xe] =	wrdreg s9;
	s25 =	simm.s32 $0x7  }
0x13: {  	s21 =	simm.s32 $0x5;
	s9 =	simm.s32 $0x1C400;
	s14 =	simm.s32 $0x0  }
0x14: {  	s8 =	smax.u32 s8, $0x1;
	s3 =	sor.u32 $0x80, s3;
	s0 =	sadd.s32 s26, s0  }
0x15: {  	[dreg:$0xb] =	wrdreg s8;
	s3 =	sshrl.u32 s3, $0x3;
	s0 =	sadd.s32 $0x98600, s0  }
0x16: {  	s8 =	simm.s32 $0x2;
	[dreg:$0xf] =	wrdreg s0;
	s29 =	sadd.s32 s3, s11  }
0x17: {  	s30 =	sadd.s32 s3, s13;
	s0 =	simm.s32 $0x80;
	[dreg:$0x10] =	wrdreg s29  }
0x18: {  	v0 =	vlaneseq.u32;
	s11 =	simm.s32 $0x3;
	s13 =	simm.s32 $0x8;
	[dreg:$0x11] =	wrdreg s30  }
.LBB2_1:
0x19: {  	[dreg:$0x12] =	wrdreg s14  }
0x1a: {  	s3 =	rddreg [dreg:$0x7];
	s24 =	simm.s32 $0x10000  }
0x1b: {  	[tilespmem:s24], [sflag:$0x7] =	stream.linear.gather [hbm4b:s3+s12], $0x4000, $0x38;
	[tilespmem:$0x1C500] =	vst v63  }
0x1c: {  	_ =	swait.ge [sflag:s25], $0x4000  }
0x1d: {  	s26 =	rddreg [dreg:$0x11]  }
0x1e: {  	s29 =	rddreg [dreg:$0x10]  }
0x1f: {  	s30 =	rddreg [dreg:$0xf]  }
0x20: {  	[dreg:$0x13] =	wrdreg s26  }
0x21: {  	[sflag:s25] =	ssyncset.done $0x0;
	[dreg:$0x14] =	wrdreg s29  }
0x22: {  	s15 =	simm.s32 $0x0;
	[sflag:s25] =	ssyncadd.s32 $0xFFFFC000;
	[dreg:$0x15] =	wrdreg s30  }
.LBB2_2:
0x23: {  	s3 =	rddreg [dreg:$0x9];
	s14 =	simm.s32 $0x10000  }
0x24: {  	[spmem:s3] =	stream.linear.scatter [tilespmem:s14], [sflag:$0x6], $0x4000, $0x38;
	[tilespmem:$0x1C500] =	vst v63  }
0x25: {  	s29 =	rddreg [dreg:$0xc]  }
0x26: {  	[spmem:s29] =	stream.linear.scatter [tilespmem:s14], [sflag:$0x6], $0x4000, $0x38;
	[tilespmem:$0x1C500] =	vst v63  }
0x27: {  	s30 =	rddreg [dreg:$0xd]  }
0x28: {  	[spmem:s30] =	stream.linear.scatter [tilespmem:s14], [sflag:$0x6], $0x4000, $0x38;
	[tilespmem:$0x1C500] =	vst v63  }
0x29: {  	s18 =	rddreg [dreg:$0xe];
	s19 =	simm.s32 $0x6  }
0x2a: {  	[spmem:s18] =	stream.linear.scatter [tilespmem:s14], [sflag:$0x6], $0x4000, $0x38;
	[tilespmem:$0x1C500] =	vst v63  }
0x2b: {  	_ =	swait.ge [sflag:s19], $0x4000  }
0x2c: {  	[sflag:s19] =	ssyncset.done $0x0  }
0x2d: {  	[sflag:s19] =	ssyncadd.s32 $0xFFFFC000  }
0x2e: {  	_ =	swait.ge [sflag:s19], $0x4000  }
0x2f: {  	[sflag:s19] =	ssyncset.done $0x0  }
0x30: {  	[sflag:s19] =	ssyncadd.s32 $0xFFFFC000  }
0x31: {  	_ =	swait.ge [sflag:s19], $0x4000  }
0x32: {  	[sflag:s19] =	ssyncset.done $0x0  }
0x33: {  	[sflag:s19] =	ssyncadd.s32 $0xFFFFC000  }
0x34: {  	_ =	swait.ge [sflag:s19], $0x4000  }
0x35: {  	[sflag:s19] =	ssyncset.done $0x0  }
0x36: {  	[dreg:$0x16] =	wrdreg s15;
	[sflag:s19] =	ssyncadd.s32 $0xFFFFC000  }
0x37: {  	s20 =	rddreg [dreg:$0x8];
	[bflag:$0x0] =	sbarrier.arrive $0xFFFF  }
0x38: {  	s19 =	sadd.s32 s20, s15;
	s24 =	rddreg [dreg:$0x6]  }
0x39: {  	s26 =	simm.s32 $0x1C480;
	s3 =	sadd.s32 s24, s19  }
0x3a: {  	[tilespmem:s26], [sflag:$0x7] =	stream.linear.gather [hbm4b:s3+s12], $0x10, $0x38;
	[tilespmem:$0x1C500] =	vst v63  }
0x3b: {  	_ =	swait.ge [sflag:s25], $0x10  }
0x3c: {  	[sflag:s25] =	ssyncset.done $0x0  }
0x3d: {  	[sflag:s25] =	ssyncadd.s32 $0xFFFFFFF0  }
0x3e: {  	v1 =	vld [tilespmem:$0x1C480];
	_ =	sdelay $0x4  }
0x3f: {  	(v2sf) =	vpush v1, $0x0  }
0x40: {  	(v2sf) =	vpush v1, $0x1;
	_ =	sdelay $0xd  }
0x41: {  	s3 =	spop (v2sf)  }
0x42: {  	s29 =	spop (v2sf)  }
0x43: {  	s14 =	ssub.s32 s29, s3  }
0x44: {  	s18 =	rddreg [dreg:$0xa];
	s30 =	smul.u32 s10, s14  }
0x45: {  	s18 =	smul.u32 s18, s14  }
0x46: {  	s14 =	sshra.s32 s30, $0x4  }
0x47: {  	s18 =	sshra.s32 s18, $0x4;
	s15 =	sadd.s32 s3, s14  }
0x48: {  	s18 =	sadd.s32 s3, s18;
	s24 =	sand.u32 $0xFFFFFFF8, s15  }
0x49: {  	s20 =	ssub.s32 s18, s24  }
0x4a: {  	s20 =	sadd.s32 $0x7F, s20  }
0x4b: {  	s26 =	sshra.s32 s20, $0x7  }
0x4c: {  	p0 =	slt.s32 s26, $0x1  }
.Ltmp0:
0x4d: {  	_ = 	snop;
	(pc) =	sbr.rel @p0 .LBB2_4-.Ltmp0, $3  }
0x4e: {  	_ =	sdelay $0x1  }
0x4f: {  	s19 =	sshll.u32 s19, $0xD  }
0x50: {  	[dreg:$0x17] =	wrdreg s19  }
.Ltmp1:
0x51: {  	s19 =	sshrl.u32 s15, $0x3;
	(pc) =	sbr.rel .LBB2_5-.Ltmp1, $4  }
0x52: {  	s29 =	simm.s32 $0x1C000;
	s20 =	sadd.s32 s6, s19  }
0x53: {  	[tilespmem:s29], [sflag:$0x4] =	stream.linear.gather [hbm4b:s20+s12], $0x80, $0x38;
	[tilespmem:$0x1C500] =	vst v63  }
0x54: {  	s30 =	simm.s32 $0x1C100;
	s19 =	sadd.s32 s7, s19  }
0x55: {  	[tilespmem:s30], [sflag:$0x4] =	stream.linear.gather [hbm4b:s19+s12], $0x80, $0x38;
	[tilespmem:$0x1C500] =	vst v63  }
.LBB2_4:
0x56: {  	p0 =	slt.s32 s26, $0x0  }
.Ltmp2:
0x57: {  	_ = 	snop;
	(pc) =	sbr.rel @p0 .LBB2_11-.Ltmp2, $1  }
0x58: {  	_ =	sdelay $0x3  }
.LBB2_5:
.Ltmp3:
0x59: {  	(pc) =	sbr.rel .LBB2_6-.Ltmp3, $3  }
0x5a: {  	_ =	sdelay $0x1  }
0x5b: {  	s3 =	sadd.s32 s14, s3;
	s12 =	rddreg [dreg:$0x17]  }
0x5c: {  	v1 =	vmov s15;
	v2 =	vmov s18;
	s20 =	simm.s32 $0x0;
	v3 =	vmov s12;
	s19 =	sadd.s32 $0x80, s3;
	s3 =	simm.s32 $0x0  }
.LBB2_10:
0x5d: {  	s14 =	sadd.s32 $0x1, s3  }
0x5e: {  	p1 =	sge.s32 s14, s26  }
0x5f: {  	p2 =	sne.s32 @!p1 s15, $0x0  }
0x60: {  	p2 =	por p2, p1  }
0x61: {  	s18 =	sadd.s32 @!p2 s20, s19  }
0x62: {  	p6 =	por !p0, !p0;
	s18 =	sshrl.u32 @!p2 s18, $0x3  }
0x63: {  	s30 =	simm.s32 @!p2 $0x0;
	s12 =	simm.s32 @!p2 $0x1C080;
	s29 =	sadd.s32 @!p2 s6, s18  }
0x64: {  	[tilespmem:s12], [sflag:$0x5] =	stream.linear.gather @!p2 [hbm4b:s29+s30], $0x80, $0x38;
	[tilespmem:$0x1C500] =	vst v63  }
0x65: {  	p1 =	por p1, p6;
	s12 =	sadd.s32 @!p2 s7, s18;
	s18 =	simm.s32 @!p2 $0x1C180  }
0x66: {  	[tilespmem:s18], [sflag:$0x5] =	stream.linear.gather @!p2 [hbm4b:s12+s30], $0x80, $0x38;
	[tilespmem:$0x1C500] =	vst v63  }
0x67: {  	s12 =	sadd.s32 @!p1 s20, s19  }
0x68: {  	s12 =	sshrl.u32 @!p1 s12, $0x3  }
0x69: {  	s29 =	simm.s32 @!p1 $0x0;
	s30 =	simm.s32 @!p1 $0x1C000;
	s18 =	sadd.s32 @!p1 s6, s12  }
0x6a: {  	[tilespmem:s30], [sflag:$0x4] =	stream.linear.gather @!p1 [hbm4b:s18+s29], $0x80, $0x38;
	[tilespmem:$0x1C500] =	vst v63  }
0x6b: {  	s12 =	sadd.s32 @!p1 s7, s12;
	s18 =	simm.s32 @!p1 $0x1C100  }
0x6c: {  	[tilespmem:s18], [sflag:$0x4] =	stream.linear.gather @!p1 [hbm4b:s12+s29], $0x80, $0x38;
	[tilespmem:$0x1C500] =	vst v63  }
0x6d: {  	s12 =	simm.s32 @p0 $0x1  }
0x6e: {  	_ =	swait.ge @p0 [sflag:s12], $0x4000  }
0x6f: {  	s18 =	simm.s32 @p0 $0x1C300;
	[sflag:s12] =	ssyncset.done @p0 $0x0  }
0x70: {  	s29 =	simm.s32 @p0 $0x14000;
	[sflag:s12] =	ssyncadd.s32 @p0 $0xFFFFC000;
	s12 =	simm.s32 @p0 $0x80  }
0x71: {  	[spmem:s2] =	stream.indirect.scatter.add.f32 @p0 [tilespmem:s29], [sflag:$0x3], $0x80, s18, s12, $0xb8;
	[tilespmem:$0x1C500] =	vst v63  }
0x72: {  	p1 =	seq.s32 s3, $0x0;
	s12 =	simm.s32 @p0 $0x3  }
0x73: {  	p2 =	sne.s32 @!p1 s15, $0x0;
	_ =	swait.ge @p0 [sflag:s12], $0x4000  }
0x74: {  	p1 =	por p2, p1;
	[sflag:s12] =	ssyncset.done @p0 $0x0  }
0x75: {  	[sflag:s12] =	ssyncadd.s32 @p0 $0xFFFFC000;
	s12 =	simm.s32 @!p1 $0x2  }
0x76: {  	_ =	swait.ge @!p1 [sflag:s12], $0x4000  }
0x77: {  	s15 =	simm.s32 @!p1 $0x1C380;
	s18 =	simm.s32 @!p1 $0x18000;
	[sflag:s12] =	ssyncset.done @!p1 $0x0  }
0x78: {  	p0 =	sne.s32 s3, s26;
	[sflag:s12] =	ssyncadd.s32 @!p1 $0xFFFFC000;
	s12 =	simm.s32 @!p1 $0x80  }
0x79: {  	[spmem:s2] =	stream.indirect.scatter.add.f32 @!p1 [tilespmem:s18], [sflag:$0x3], $0x80, s15, s12, $0xb8;
	[tilespmem:$0x1C500] =	vst v63  }
.Ltmp4:
0x7a: {  	_ = 	snop;
	(pc) =	sbr.rel @!p0 .LBB2_11-.Ltmp4, $4  }
0x7b: {  	s12 =	simm.s32 @!p1 $0x3  }
0x7c: {  	_ =	swait.ge @!p1 [sflag:s12], $0x4000  }
0x7d: {  	[sflag:s12] =	ssyncset.done @!p1 $0x0  }
0x7e: {  	s20 =	sadd.s32 $0x80, s20;
	s3 =	smov.u32 s14;
	[sflag:s12] =	ssyncadd.s32 @!p1 $0xFFFFC000  }
.LBB2_6:
0x7f: {  	s15 =	sand.u32 $0x1, s3;
	p1 =	sge.s32 s3, s26  }
0x80: {  	p0 =	sne.s32 @!p1 s15, $0x0  }
0x81: {  	p0 =	por p1, p0  }
.Ltmp5:
0x82: {  	_ = 	snop;
	(pc) =	sbr.rel @p0 .LBB2_8-.Ltmp5, $2  }
0x83: {  	_ =	sdelay $0x2  }
0x84: {  	s18 =	sadd.s32 s20, s24  }
0x85: {  	_ =	swait.ge [sflag:s31], $0x80  }
0x86: {  	[sflag:s31] =	ssyncset.done $0x0  }
0x87: {  	[sflag:s31] =	ssyncadd.s32 $0xFFFFFF80  }
0x88: {  	_ =	swait.ge [sflag:s31], $0x80  }
0x89: {  	[sflag:s31] =	ssyncset.done $0x0  }
0x8a: {  	[sflag:s31] =	ssyncadd.s32 $0xFFFFFF80  }
0x8b: {  	v4 =	vld [tilespmem:$0x1C100]  }
0x8c: {  	v5 =	vld [tilespmem:$0x1C000]  }
0x8d: {  	v6 =	vadd.s32 s18, v0;
	s14 =	sadd.s32 $0x10, s18;
	v7 =	vld [tilespmem:$0x1C010]  }
0x8e: {  	s12 =	sadd.s32 $0x20, s18;
	s30 =	sadd.s32 $0x40, s18;
	vm0 =	vge.s32 v6, v1;
	vm1 =	vlt.s32 v6, v2;
	v8 =	vadd.s32 s14, v0;
	v49 =	vld [tilespmem:$0x1C110]  }
0x8f: {  	v11 =	vadd.s32 s12, v0;
	v55 =	vadd.s32 s30, v0;
	vm0 =	vmand vm0, vm1;
	v50 =	vld [tilespmem:$0x1C020]  }
0x90: {  	vm11 =	vge.s32 v8, v1;
	vm2 =	vlt.s32 v8, v2;
	vm13 =	vge.s32 v11, v1  }
0x91: {  	s12 =	sadd.s32 $0x50, s18;
	vm14 =	vlt.s32 v11, v2;
	vm5 =	vge.s32 v55, v1;
	vm6 =	vlt.s32 v55, v2;
	v9 =	vld [tilespmem:$0x1C120]  }
0x92: {  	v57 =	vadd.s32 s12, v0;
	vm12 =	vmand vm11, vm2;
	v12 =	vld [tilespmem:$0x1C030];
	v4 =	vnsel vm0, $0x2710, v4  }
0x93: {  	vm7 =	vge.s32 v57, v1;
	v51 =	vld [tilespmem:$0x1C140];
	v5 =	vsub.s32 v5, v3;
	v6 =	vnsel vm12, $0x2710, v49;
	[tilespmem:$0x1C200] =	vst v4  }
0x94: {  	s29 =	sadd.s32 $0x30, s18;
	v53 =	vld [tilespmem:$0x1C150];
	v7 =	vsub.s32 v7, v3;
	v52 =	vsub.s32 v50, v3;
	v5 =	vnsel vm0, $0x0, v5;
	[tilespmem:$0x1C210] =	vst v6  }
0x95: {  	v56 =	vld [tilespmem:$0x1C050];
	v7 =	vnsel vm12, $0x0, v7;
	v4 =	vadd.s32 s29, v0;
	vm0 =	vmand vm13, vm14;
	[tilespmem:$0x1C300] =	vst v5  }
0x96: {  	vm15 =	vge.s32 v4, v1;
	vm4 =	vlt.s32 v4, v2;
	v4 =	vld [tilespmem:$0x1C040];
	v5 =	vnsel vm0, $0x2710, v9;
	[tilespmem:$0x1C310] =	vst v7  }
0x97: {  	v10 =	vld [tilespmem:$0x1C130];
	v6 =	vnsel vm0, $0x0, v52;
	vm1 =	vmand vm15, vm4;
	[tilespmem:$0x1C220] =	vst v5;
	v5 =	vsub.s32 v12, v3  }
0x98: {  	vm8 =	vlt.s32 v57, v2;
	v59 =	vld [tilespmem:$0x1C060];
	vm0 =	vmand vm5, vm6;
	[tilespmem:$0x1C320] =	vst v6;
	v5 =	vnsel vm1, $0x0, v5  }
0x99: {  	vm9 =	vmand vm7, vm8;
	v58 =	vld [tilespmem:$0x1C160];
	s29 =	sadd.s32 $0x60, s18;
	[tilespmem:$0x1C330] =	vst v5;
	v5 =	vnsel vm0, $0x2710, v51  }
0x9a: {  	v60 =	vld [tilespmem:$0x1C170];
	v61 =	vsub.s32 v56, v3;
	v62 =	vadd.s32 s29, v0;
	[tilespmem:$0x1C240] =	vst v5;
	v5 =	vnsel vm9, $0x2710, v53  }
0x9b: {  	v63 =	vld [tilespmem:$0x1C070];
	vm10 =	vge.s32 v62, v1;
	v4 =	vsub.s32 v4, v3;
	[tilespmem:$0x1C250] =	vst v5;
	v5 =	vnsel vm9, $0x0, v61  }
0x9c: {  	s30 =	sadd.s32 $0x70, s18;
	vm11 =	vlt.s32 v62, v2;
	v54 =	vnsel vm1, $0x2710, v10;
	v4 =	vnsel vm0, $0x0, v4;
	[tilespmem:$0x1C350] =	vst v5  }
0x9d: {  	vm12 =	vmand vm10, vm11;
	v5 =	vsub.s32 v59, v3;
	[tilespmem:$0x1C340] =	vst v4;
	v4 =	vadd.s32 s30, v0  }
0x9e: {  	[tilespmem:$0x1C230] =	vst v54;
	v5 =	vnsel vm12, $0x0, v5;
	vm13 =	vge.s32 v4, v1;
	vm14 =	vlt.s32 v4, v2  }
0x9f: {  	v4 =	vnsel vm12, $0x2710, v58;
	[tilespmem:$0x1C360] =	vst v5;
	vm15 =	vmand vm13, vm14  }
0xa0: {  	v5 =	vsub.s32 v63, v3;
	[tilespmem:$0x1C260] =	vst v4;
	v4 =	vnsel vm15, $0x2710, v60  }
0xa1: {  	[tilespmem:$0x1C270] =	vst v4;
	v4 =	vnsel vm15, $0x0, v5  }
0xa2: {  	s12 =	simm.s32 $0x1C200;
	[tilespmem:$0x1C370] =	vst v4  }
0xa3: {  	[tilespmem:s17], [sflag:$0x1] =	stream.indirect.gather [hbm4b:s1+s0], $0x80, s12, s0, $0xb8;
	[tilespmem:$0x1C500] =	vst v63  }
.LBB2_8:
0xa4: {  	p0 =	seq.s32 s15, $0x1  }
0xa5: {  	p1 =	por p1, !p0  }
.Ltmp6:
0xa6: {  	_ = 	snop;
	(pc) =	sbr.rel @p1 .LBB2_10-.Ltmp6, $1  }
0xa7: {  	_ =	sdelay $0x3  }
0xa8: {  	_ =	swait.ge [sflag:s21], $0x80  }
0xa9: {  	[sflag:s21] =	ssyncset.done $0x0  }
0xaa: {  	[sflag:s21] =	ssyncadd.s32 $0xFFFFFF80  }
0xab: {  	_ =	swait.ge [sflag:s21], $0x80  }
0xac: {  	[sflag:s21] =	ssyncset.done $0x0  }
0xad: {  	[sflag:s21] =	ssyncadd.s32 $0xFFFFFF80  }
0xae: {  	v4 =	vld [tilespmem:$0x1C180]  }
0xaf: {  	v5 =	vld [tilespmem:$0x1C080]  }
0xb0: {  	v6 =	vadd.s32 s18, v0;
	s14 =	sadd.s32 $0x10, s18;
	v7 =	vld [tilespmem:$0x1C090]  }
0xb1: {  	s12 =	sadd.s32 $0x20, s18;
	s30 =	sadd.s32 $0x40, s18;
	vm0 =	vge.s32 v6, v1;
	vm1 =	vlt.s32 v6, v2;
	v8 =	vadd.s32 s14, v0;
	v49 =	vld [tilespmem:$0x1C190]  }
0xb2: {  	v11 =	vadd.s32 s12, v0;
	v55 =	vadd.s32 s30, v0;
	vm0 =	vmand vm0, vm1;
	v50 =	vld [tilespmem:$0x1C0A0]  }
0xb3: {  	vm11 =	vge.s32 v8, v1;
	vm2 =	vlt.s32 v8, v2;
	vm13 =	vge.s32 v11, v1  }
0xb4: {  	s12 =	sadd.s32 $0x50, s18;
	vm14 =	vlt.s32 v11, v2;
	vm5 =	vge.s32 v55, v1;
	vm6 =	vlt.s32 v55, v2;
	v9 =	vld [tilespmem:$0x1C1A0]  }
0xb5: {  	v57 =	vadd.s32 s12, v0;
	vm12 =	vmand vm11, vm2;
	v12 =	vld [tilespmem:$0x1C0B0];
	v4 =	vnsel vm0, $0x2710, v4  }
0xb6: {  	vm7 =	vge.s32 v57, v1;
	v51 =	vld [tilespmem:$0x1C1C0];
	v5 =	vsub.s32 v5, v3;
	v6 =	vnsel vm12, $0x2710, v49;
	[tilespmem:$0x1C280] =	vst v4  }
0xb7: {  	s29 =	sadd.s32 $0x30, s18;
	v53 =	vld [tilespmem:$0x1C1D0];
	v7 =	vsub.s32 v7, v3;
	v52 =	vsub.s32 v50, v3;
	v5 =	vnsel vm0, $0x0, v5;
	[tilespmem:$0x1C290] =	vst v6  }
0xb8: {  	v56 =	vld [tilespmem:$0x1C0D0];
	v7 =	vnsel vm12, $0x0, v7;
	v4 =	vadd.s32 s29, v0;
	vm0 =	vmand vm13, vm14;
	[tilespmem:$0x1C380] =	vst v5  }
0xb9: {  	vm15 =	vge.s32 v4, v1;
	vm4 =	vlt.s32 v4, v2;
	v4 =	vld [tilespmem:$0x1C0C0];
	v5 =	vnsel vm0, $0x2710, v9;
	[tilespmem:$0x1C390] =	vst v7  }
0xba: {  	v10 =	vld [tilespmem:$0x1C1B0];
	v6 =	vnsel vm0, $0x0, v52;
	vm1 =	vmand vm15, vm4;
	[tilespmem:$0x1C2A0] =	vst v5;
	v5 =	vsub.s32 v12, v3  }
0xbb: {  	vm8 =	vlt.s32 v57, v2;
	v59 =	vld [tilespmem:$0x1C0E0];
	vm0 =	vmand vm5, vm6;
	[tilespmem:$0x1C3A0] =	vst v6;
	v5 =	vnsel vm1, $0x0, v5  }
0xbc: {  	vm9 =	vmand vm7, vm8;
	v58 =	vld [tilespmem:$0x1C1E0];
	s29 =	sadd.s32 $0x60, s18;
	[tilespmem:$0x1C3B0] =	vst v5;
	v5 =	vnsel vm0, $0x2710, v51  }
0xbd: {  	v60 =	vld [tilespmem:$0x1C1F0];
	v61 =	vsub.s32 v56, v3;
	v62 =	vadd.s32 s29, v0;
	[tilespmem:$0x1C2C0] =	vst v5;
	v5 =	vnsel vm9, $0x2710, v53  }
0xbe: {  	v63 =	vld [tilespmem:$0x1C0F0];
	vm10 =	vge.s32 v62, v1;
	v4 =	vsub.s32 v4, v3;
	[tilespmem:$0x1C2D0] =	vst v5;
	v5 =	vnsel vm9, $0x0, v61  }
0xbf: {  	s30 =	sadd.s32 $0x70, s18;
	vm11 =	vlt.s32 v62, v2;
	v54 =	vnsel vm1, $0x2710, v10;
	v4 =	vnsel vm0, $0x0, v4;
	[tilespmem:$0x1C3D0] =	vst v5  }
0xc0: {  	vm12 =	vmand vm10, vm11;
	v5 =	vsub.s32 v59, v3;
	[tilespmem:$0x1C3C0] =	vst v4;
	v4 =	vadd.s32 s30, v0  }
0xc1: {  	[tilespmem:$0x1C2B0] =	vst v54;
	v5 =	vnsel vm12, $0x0, v5;
	vm13 =	vge.s32 v4, v1;
	vm14 =	vlt.s32 v4, v2  }
.Ltmp7:
0xc2: {  	v4 =	vnsel vm12, $0x2710, v58;
	[tilespmem:$0x1C3E0] =	vst v5;
	vm15 =	vmand vm13, vm14;
	(pc) =	sbr.rel .LBB2_10-.Ltmp7, $4  }
0xc3: {  	v5 =	vsub.s32 v63, v3;
	[tilespmem:$0x1C2E0] =	vst v4;
	v4 =	vnsel vm15, $0x2710, v60  }
0xc4: {  	[tilespmem:$0x1C2F0] =	vst v4;
	v4 =	vnsel vm15, $0x0, v5  }
0xc5: {  	[tilespmem:$0x1C3F0] =	vst v4  }
0xc6: {  	[tilespmem:s23], [sflag:$0x2] =	stream.indirect.gather [hbm4b:s1+s0], $0x80, s22, s0, $0xb8;
	[tilespmem:$0x1C500] =	vst v63  }
.LBB2_11:
0xc7: {  	s3 =	rddreg [dreg:$0x17];
	[bflag:$0x0] =	sbarrier.arrive $0xFFFF  }
0xc8: {  	s26 =	rddreg [dreg:$0x5]  }
0xc9: {  	s29 =	rddreg [dreg:$0x4]  }
0xca: {  	s15 =	simm.s32 $0x1C000;
	s3 =	sor.u32 s16, s3;
	s18 =	rddreg [dreg:$0x14]  }
0xcb: {  	s30 =	simm.s32 $0x1C100;
	s19 =	rddreg [dreg:$0x9];
	s12 =	sshrl.u32 s3, $0x3  }
0xcc: {  	s20 =	rddreg [dreg:$0x15];
	s3 =	simm.s32 $0x0;
	s14 =	sadd.s32 s26, s12  }
0xcd: {  	[tilespmem:s15], [sflag:$0x4] =	stream.linear.gather [hbm4b:s14+s3], $0x80, $0x38;
	[tilespmem:$0x1C500] =	vst v63  }
0xce: {  	s24 =	simm.s32 $0x0;
	s12 =	sadd.s32 s29, s12;
	s15 =	rddreg [dreg:$0x13]  }
0xcf: {  	[tilespmem:s30], [sflag:$0x4] =	stream.linear.gather [hbm4b:s12+s3], $0x80, $0x38;
	[tilespmem:$0x1C500] =	vst v63  }
.LBB2_12:
0xd0: {  	s12 =	sand.u32 $0x1, s24  }
0xd1: {  	p0 =	seq.s32 s12, $0x1  }
0xd2: {  	p1 =	seq.s32 s3, $0x180;
	s14 =	simm.s32 @!p0 $0x0;
	s26 =	simm.s32 @!p0 $0x1C080  }
0xd3: {  	[tilespmem:s26], [sflag:$0x5] =	stream.linear.gather @!p0 [hbm4b:s15+s14], $0x80, $0x38;
	[tilespmem:$0x1C500] =	vst v63  }
0xd4: {  	p1 =	por !p0, p1;
	s26 =	simm.s32 @!p0 $0x1C180  }
0xd5: {  	[tilespmem:s26], [sflag:$0x5] =	stream.linear.gather @!p0 [hbm4b:s18+s14], $0x80, $0x38;
	[tilespmem:$0x1C500] =	vst v63  }
0xd6: {  	s14 =	simm.s32 @!p1 $0x0;
	s26 =	simm.s32 @!p1 $0x1C000  }
0xd7: {  	[tilespmem:s26], [sflag:$0x4] =	stream.linear.gather @!p1 [hbm4b:s15+s14], $0x80, $0x38;
	[tilespmem:$0x1C500] =	vst v63  }
0xd8: {  	s26 =	simm.s32 @!p1 $0x1C100  }
0xd9: {  	[tilespmem:s26], [sflag:$0x4] =	stream.linear.gather @!p1 [hbm4b:s18+s14], $0x80, $0x38;
	[tilespmem:$0x1C500] =	vst v63  }
0xda: {  	s26 =	sadd.s32 s3, s16  }
0xdb: {  	p1 =	sne.s32 s12, $0x0;
	v1 =	vor.u32 s26, v0;
	s14 =	sadd.s32 $0x10, s26  }
0xdc: {  	s12 =	sadd.s32 @!p1 $0x20, s26;
	[tilespmem:$0x1C400] =	vst @!p1 v1;
	v2 =	vor.u32 @!p1 s14, v0  }
0xdd: {  	[tilespmem:$0x1C410] =	vst @!p1 v2;
	v2 =	vor.u32 @!p1 s12, v0;
	s12 =	sadd.s32 @!p1 $0x30, s26  }
0xde: {  	[tilespmem:$0x1C420] =	vst @!p1 v2;
	v2 =	vor.u32 @!p1 s12, v0;
	s12 =	sadd.s32 @!p1 $0x40, s26  }
0xdf: {  	[tilespmem:$0x1C430] =	vst @!p1 v2;
	v2 =	vor.u32 @!p1 s12, v0;
	s12 =	sadd.s32 @!p1 $0x50, s26  }
0xe0: {  	[tilespmem:$0x1C440] =	vst @!p1 v2;
	v2 =	vor.u32 @!p1 s12, v0;
	s12 =	sadd.s32 @!p1 $0x60, s26  }
0xe1: {  	[tilespmem:$0x1C450] =	vst @!p1 v2;
	v2 =	vor.u32 @!p1 s12, v0;
	s12 =	sadd.s32 @!p1 $0x70, s26  }
0xe2: {  	[tilespmem:$0x1C460] =	vst @!p1 v2;
	v2 =	vor.u32 @!p1 s12, v0  }
0xe3: {  	[tilespmem:$0x1C470] =	vst @!p1 v2  }
0xe4: {  	_ =	swait.ge @!p1 [sflag:s31], $0x80  }
0xe5: {  	[sflag:s31] =	ssyncset.done @!p1 $0x0  }
0xe6: {  	[sflag:s31] =	ssyncadd.s32 @!p1 $0xFFFFFF80  }
0xe7: {  	_ =	swait.ge @!p1 [sflag:s31], $0x80  }
0xe8: {  	[sflag:s31] =	ssyncset.done @!p1 $0x0  }
0xe9: {  	s12 =	simm.s32 @!p1 $0x1C000;
	[sflag:s31] =	ssyncadd.s32 @!p1 $0xFFFFFF80  }
0xea: {  	[tilespmem:s17], [sflag:$0x1] =	stream.indirect.gather @!p1 [hbm4b:s5+s0], $0x80, s12, s0, $0xb8;
	[tilespmem:$0x1C500] =	vst v63  }
0xeb: {  	s12 =	simm.s32 @!p1 $0x1C100  }
0xec: {  	[tilespmem:s23], [sflag:$0x2] =	stream.indirect.gather @!p1 [hbm4b:s4+s0], $0x80, s12, s0, $0xb8;
	[tilespmem:$0x1C500] =	vst v63  }
0xed: {  	_ =	swait.ge @!p1 [sflag:s28], $0x4000  }
0xee: {  	[sflag:s28] =	ssyncset.done @!p1 $0x0  }
0xef: {  	[sflag:s28] =	ssyncadd.s32 @!p1 $0xFFFFC000  }
0xf0: {  	_ =	swait.ge @!p1 [sflag:s8], $0x4000  }
0xf1: {  	[sflag:s8] =	ssyncset.done @!p1 $0x0  }
0xf2: {  	[sflag:s8] =	ssyncadd.s32 @!p1 $0xFFFFC000  }
0xf3: {  	[spmem:s2] =	stream.indirect.scatter.add.f32 @!p1 [tilespmem:s17], [sflag:$0x3], $0x80, s9, s0, $0xb8;
	[tilespmem:$0x1C500] =	vst v63  }
0xf4: {  	_ = 	snop  }
0xf5: {  	[spmem:s2] =	stream.indirect.scatter.add.f32 @!p1 [tilespmem:s23], [sflag:$0x3], $0x80, s9, s0, $0xb8;
	[tilespmem:$0x1C500] =	vst v63  }
0xf6: {  	_ =	swait.ge @!p1 [sflag:s11], $0x4000  }
0xf7: {  	[sflag:s11] =	ssyncset.done @!p1 $0x0  }
0xf8: {  	[sflag:s11] =	ssyncadd.s32 @!p1 $0xFFFFC000  }
0xf9: {  	_ =	swait.ge @!p1 [sflag:s11], $0x4000  }
0xfa: {  	s12 =	sshll.u32 @!p1 s10, $0x6;
	[sflag:s11] =	ssyncset.done @!p1 $0x0  }
0xfb: {  	s29 =	sshrl.u32 @!p1 s19, $0x3;
	s12 =	sor.u32 @!p1 $0x1C08, s12;
	[sflag:s11] =	ssyncadd.s32 @!p1 $0xFFFFC000  }
0xfc: {  	[hbm:s20], [sflag:s12] =	dma.local @!p1 [spmem:s29], $0x800  }
0xfd: {  	_ =	swait.ge @!p1 [sflag:s13], $0x800  }
0xfe: {  	[sflag:s13] =	ssyncset.done @!p1 $0x0  }
0xff: {  	[sflag:s13] =	ssyncadd.s32 @!p1 $0xFFFFF800  }
0x100: {  	s12 =	sadd.s32 @p0 $0x20, s26;
	[tilespmem:$0x1C400] =	vst @p0 v1;
	v1 =	vor.u32 @p0 s14, v0  }
0x101: {  	[tilespmem:$0x1C410] =	vst @p0 v1;
	v1 =	vor.u32 @p0 s12, v0;
	s12 =	sadd.s32 @p0 $0x30, s26  }
0x102: {  	[tilespmem:$0x1C420] =	vst @p0 v1;
	v1 =	vor.u32 @p0 s12, v0;
	s12 =	sadd.s32 @p0 $0x40, s26  }
0x103: {  	[tilespmem:$0x1C430] =	vst @p0 v1;
	v1 =	vor.u32 @p0 s12, v0;
	s12 =	sadd.s32 @p0 $0x50, s26  }
0x104: {  	[tilespmem:$0x1C440] =	vst @p0 v1;
	v1 =	vor.u32 @p0 s12, v0;
	s12 =	sadd.s32 @p0 $0x60, s26  }
0x105: {  	[tilespmem:$0x1C450] =	vst @p0 v1;
	v1 =	vor.u32 @p0 s12, v0;
	s12 =	sadd.s32 @p0 $0x70, s26  }
0x106: {  	[tilespmem:$0x1C460] =	vst @p0 v1;
	v1 =	vor.u32 @p0 s12, v0  }
0x107: {  	[tilespmem:$0x1C470] =	vst @p0 v1  }
0x108: {  	_ =	swait.ge @p0 [sflag:s21], $0x80  }
0x109: {  	[sflag:s21] =	ssyncset.done @p0 $0x0  }
0x10a: {  	[sflag:s21] =	ssyncadd.s32 @p0 $0xFFFFFF80  }
0x10b: {  	_ =	swait.ge @p0 [sflag:s21], $0x80  }
0x10c: {  	[sflag:s21] =	ssyncset.done @p0 $0x0  }
0x10d: {  	s12 =	simm.s32 @p0 $0x1C080;
	[sflag:s21] =	ssyncadd.s32 @p0 $0xFFFFFF80  }
0x10e: {  	[tilespmem:s17], [sflag:$0x1] =	stream.indirect.gather @p0 [hbm4b:s5+s0], $0x80, s12, s0, $0xb8;
	[tilespmem:$0x1C500] =	vst v63  }
0x10f: {  	s12 =	simm.s32 @p0 $0x1C180  }
0x110: {  	[tilespmem:s23], [sflag:$0x2] =	stream.indirect.gather @p0 [hbm4b:s4+s0], $0x80, s12, s0, $0xb8;
	[tilespmem:$0x1C500] =	vst v63  }
0x111: {  	_ =	swait.ge @p0 [sflag:s28], $0x4000  }
0x112: {  	[sflag:s28] =	ssyncset.done @p0 $0x0  }
0x113: {  	[sflag:s28] =	ssyncadd.s32 @p0 $0xFFFFC000  }
0x114: {  	_ =	swait.ge @p0 [sflag:s8], $0x4000  }
0x115: {  	[sflag:s8] =	ssyncset.done @p0 $0x0  }
0x116: {  	[sflag:s8] =	ssyncadd.s32 @p0 $0xFFFFC000  }
0x117: {  	[spmem:s2] =	stream.indirect.scatter.add.f32 @p0 [tilespmem:s17], [sflag:$0x3], $0x80, s9, s0, $0xb8;
	[tilespmem:$0x1C500] =	vst v63  }
0x118: {  	_ = 	snop  }
0x119: {  	[spmem:s2] =	stream.indirect.scatter.add.f32 @p0 [tilespmem:s23], [sflag:$0x3], $0x80, s9, s0, $0xb8;
	[tilespmem:$0x1C500] =	vst v63  }
0x11a: {  	_ =	swait.ge @p0 [sflag:s11], $0x4000  }
0x11b: {  	[sflag:s11] =	ssyncset.done @p0 $0x0  }
0x11c: {  	[sflag:s11] =	ssyncadd.s32 @p0 $0xFFFFC000  }
0x11d: {  	_ =	swait.ge @p0 [sflag:s11], $0x4000  }
0x11e: {  	s12 =	sshll.u32 @p0 s10, $0x6;
	[sflag:s11] =	ssyncset.done @p0 $0x0  }
0x11f: {  	s14 =	sshrl.u32 @p0 s19, $0x3;
	s12 =	sor.u32 @p0 $0x1C07, s12;
	[sflag:s11] =	ssyncadd.s32 @p0 $0xFFFFC000  }
0x120: {  	[hbm:s20], [sflag:s12] =	dma.local @p0 [spmem:s14], $0x800  }
0x121: {  	_ =	swait.ge @p0 [sflag:s25], $0x800  }
0x122: {  	s3 =	sadd.s32 $0x80, s3;
	[sflag:s25] =	ssyncset.done @p0 $0x0  }
0x123: {  	[sflag:s25] =	ssyncadd.s32 @p0 $0xFFFFF800;
	p0 =	sne.s32 s3, $0x200  }
.Ltmp8:
0x124: {  	_ = 	snop;
	(pc) =	sbr.rel @p0 .LBB2_12-.Ltmp8, $3  }
0x125: {  	_ =	sdelay $0x1  }
0x126: {  	s24 =	sadd.s32 $0x1, s24;
	s15 =	sadd.s32 $0x10, s15  }
0x127: {  	s18 =	sadd.s32 $0x10, s18;
	s19 =	sadd.s32 $0x4000, s19;
	s20 =	sadd.s32 $0x800, s20  }
0x128: {  	s15 =	rddreg [dreg:$0x16]  }
0x129: {  	[bflag:$0x0] =	sbarrier.arrive $0xFFFF;
	s15 =	sadd.s32 $0x1, s15  }
0x12a: {  	s3 =	rddreg [dreg:$0x15];
	p0 =	sne.s32 s15, $0xA  }
.Ltmp9:
0x12b: {  	s29 =	rddreg [dreg:$0x14];
	(pc) =	sbr.rel @p0 .LBB2_2-.Ltmp9, $4  }
0x12c: {  	s30 =	rddreg [dreg:$0x13];
	s3 =	sadd.s32 $0x20000, s3  }
0x12d: {  	[dreg:$0x15] =	wrdreg s3;
	s3 =	sadd.s32 $0x400, s29  }
0x12e: {  	[dreg:$0x14] =	wrdreg s3;
	s3 =	sadd.s32 $0x400, s30  }
0x12f: {  	s12 =	simm.s32 $0x0;
	[dreg:$0x13] =	wrdreg s3  }
0x130: {  	s14 =	rddreg [dreg:$0x12]  }
0x131: {  	s3 =	rddreg [dreg:$0xb];
	s14 =	sadd.s32 $0x1, s14  }
0x132: {  	p0 =	sne.s32 s14, s3  }
.Ltmp10:
0x133: {  	_ = 	snop;
	(pc) =	sbr.rel @p0 .LBB2_1-.Ltmp10, $1  }
0x134: {  	_ =	sdelay $0x3  }
0x135: {  	_ =	sfence.sel $0x180000  }
0x136: {  	[bflag:$0x0] =	sbarrier.arrive $0xFFFF  }
0x137: {  	_ =	strace $0x9000004A  }
0x138: {  	[bflag:$0x2] =	sbarrier.arrive $0xFFFF  }
0x139: {  	p0 =	sne.s32 s10, $0x0;
	s0 =	rddreg [dreg:$0x3]  }
0x13a: {  	s0 =	sadd.s32 @!p0 $0x100000, s0  }
0x13b: {  	[sflag:s0] =	ssyncadd.tile.s32 @!p0 $0x1;
	_ =	shalt  }
.Lfunc_end2:
_tile_overlayer_lowered:
.L_overlay_start_2:
0x13c: {  	(tag) =	ssettag $0x2  }
0x13d: {  	s0 =	rddreg [dreg:$0x0];
	s2 =	stileid.u32  }
0x13e: {  	s1 =	rddreg [dreg:$0x1];
	p0 =	sne.s32 s2, $0x0  }
0x13f: {  	s3 =	rddreg [dreg:$0x2];
	[bflag:$0x3] =	sbarrier.arrive $0xFFFF;
	s2 =	simm.s32 @!p0 $0x1C07  }
0x140: {  	[timem:s3], [sflag:s2] =	dma.local @!p0 [hbm:s0], s1  }
0x141: {  	s0 =	simm.s32 @!p0 $0x7  }
0x142: {  	_ =	swait.ge @!p0 [sflag:s0], s1  }
0x143: {  	s1 =	ssub.s32 @!p0 $0x0, s1;
	[sflag:s0] =	ssyncset.done @!p0 $0x0  }
0x144: {  	[sflag:s0] =	ssyncadd.s32 @!p0 s1  }
0x145: {  	[bflag:$0x3] =	sbarrier.arrive $0xFFFF  }
0x146: {  	_ =	shalt  }

</sc_bundles>
